<compile_context>
chip_gen: v7x
topology: tpu7x:2x2x1
jax: 0.10.2.dev20260603
libtpu: 0.0.44.dev20260713+nightly
codegen_flags: <defaults>
</compile_context>

<pallas_src>
import functools
import jax
import jax.numpy as jnp
import numpy as np
from jax import lax
from jax.experimental import pallas as pl
from jax.experimental.pallas import tpu as pltpu, tpu_sc as plsc

B, L, D = 4096, 50, 64
N = B * L
NC, NS, LANES = 2, 16, 16
NW = NC * NS
TOK = N // NW
CHUNK = 80
NCH = TOK // CHUNK
NP = NCH // 2
VPT = D // LANES

_mesh = plsc.VectorSubcoreMesh(core_axis_name="c", subcore_axis_name="s")

_scratch = (
    [pltpu.VMEM((NCH, CHUNK), jnp.int32) for _ in range(6)]
    + [pltpu.VMEM((CHUNK, D), jnp.float32) for _ in range(12)]
    + [pltpu.VMEM((CHUNK, D), jnp.float32) for _ in range(2)]
    + [pltpu.SemaphoreType.DMA for _ in range(14)]
    + [pltpu.VMEM_SHARED((1000, D), jnp.float32) for _ in range(3)]
    + [pltpu.VMEM_SHARED((32, D), jnp.float32)]
)


@functools.partial(
    pl.kernel,
    out_type=jax.ShapeDtypeStruct((N, D), jnp.float32),
    mesh=_mesh,
    compiler_params=pltpu.CompilerParams(use_tc_tiling_on_sc=False),
    scratch_types=_scratch,
)
def _emb_sum(ip, ic, icol, isz, ig, Wp, Wc, Wcol, Ws, Wg, ctab, out, *sc):
    idxb = sc[0:5]
    codeb = sc[5]
    rows = (sc[6:12], sc[12:18])
    obuf = sc[18:20]
    gsem = sc[20:32]
    osem = sc[32:34]
    spm = sc[34:37]
    spm_ctab = sc[37]

    sid = lax.axis_index("s")
    wid = sid * NC + lax.axis_index("c")
    wbase = wid * TOK

    @pl.when(sid == 0)
    def _():
        for src, dst in zip((Wcol, Ws, Wg, ctab), (*spm, spm_ctab)):
            pltpu.sync_copy(src, dst)
    plsc.subcore_barrier()

    tabs = (Wp, Wc, spm[0], spm[1], spm[2])

    for iref, vref in zip((ip, ic, icol, isz, ig), idxb):
        pltpu.sync_copy(iref.at[wid], vref)

    def code_body(c, _):
        for g in range(CHUNK // LANES):
            sl = pl.ds(g * LANES, LANES)
            code = jnp.where(idxb[0][c, sl] == 0, 1, 0)
            for t in range(1, 5):
                code = code + jnp.where(idxb[t][c, sl] == 0, 1 << t, 0)
            codeb[c, sl] = code
        return 0
    lax.fori_loop(0, NCH, code_body, 0, unroll=2)

    HALF = CHUNK // 2

    def gh_copies(c, p):
        cps = []
        for t in (0, 1):
            for h in (0, 1):
                cps.append(pltpu.make_async_copy(
                    tabs[t].at[idxb[t].at[c, pl.ds(h * HALF, HALF)]],
                    rows[p][t].at[pl.ds(h * HALF, HALF)],
                    gsem[2 * t + p]))
        return cps

    def gs_copies(c, p):
        cps = [
            pltpu.make_async_copy(tabs[t].at[idxb[t].at[c]], rows[p][t],
                                  gsem[4 + p])
            for t in (2, 3, 4)
        ]
        cps.append(pltpu.make_async_copy(spm_ctab.at[codeb.at[c]], rows[p][5],
                                         gsem[4 + p]))
        return cps

    def o_copy(c, p):
        return pltpu.make_async_copy(
            obuf[p], out.at[pl.ds(wbase + c * CHUNK, CHUNK)], osem[p])

    for p in (0, 1):
        for cp in gh_copies(jnp.int32(p), p):
            cp.start()

    def pair_body(cc, _):
        for p in (0, 1):
            c = cc * 2 + p
            scps = gs_copies(c, p)
            for cp in scps:
                cp.start()
            for cp in gh_copies(c, p):
                cp.wait()
            for cp in scps:
                cp.wait()

            @pl.when(cc >= 1)
            def _():
                o_copy(c - 2, p).wait()

            r0, r1, r2, r3, r4, r5 = rows[p]
            ob = obuf[p]

            def add_body(i, _):
                for d in range(VPT):
                    sl = pl.ds(d * LANES, LANES)
                    ob[i, sl] = ((r0[i, sl] + r1[i, sl])
                                 + (r2[i, sl] + r3[i, sl])
                                 + (r4[i, sl] + r5[i, sl]))
                return 0
            lax.fori_loop(0, CHUNK, add_body, 0, unroll=2)

            o_copy(c, p).start()

            @pl.when(cc < NP - 1)
            def _():
                for cp in gh_copies(c + 2, p):
                    cp.start()
        return 0

    lax.fori_loop(0, NP, pair_body, 0)
    for p in (0, 1):
        o_copy(jnp.int32((NP - 1) * 2 + p), p).wait()


def kernel(product, customer, color, size, group,
           W_product, W_customer, W_color, W_size, W_group):
    bits = (np.arange(32)[:, None] >> np.arange(5)[None, :]) & 1
    w0 = jnp.stack([W_product[0], W_customer[0], W_color[0],
                    W_size[0], W_group[0]])
    ctab = -(jnp.asarray(bits, jnp.float32) @ w0)
    shp = (NW, NCH, CHUNK)
    out = _emb_sum(product.reshape(shp), customer.reshape(shp),
                   color.reshape(shp), size.reshape(shp), group.reshape(shp),
                   W_product, W_customer, W_color, W_size, W_group, ctab)
    return out.reshape(B, L, D)

# --- scband reference (transcript-rebuilt; emitter-appended) ---
"""Pipeline reference for scband-embedding-sum-66898410602836 (READ-ONLY COPY).

The authoritative reference and input builder live on the scoring server;
editing this copy changes nothing except your own understanding.
"""

import jax, jax.numpy as jnp
import numpy as np

B, L, D = 4096, 50, 64
PV, CV, COLV, SV, GV = 100000, 1000000, 1000, 1000, 1000

def setup_inputs(seed: int = 0) -> dict:
    key = jax.random.key(seed)
    ks = jax.random.split(key, 10)
    inp = {
        'product': jax.random.randint(ks[0], (B, L), 0, PV, dtype=jnp.int64 if jax.config.jax_enable_x64 else jnp.int32).astype(jnp.int32),
        'customer': jax.random.randint(ks[1], (B, L), 0, CV).astype(jnp.int32),
        'color': jax.random.randint(ks[2], (B, L), 0, COLV).astype(jnp.int32),
        'size': jax.random.randint(ks[3], (B, L), 0, SV).astype(jnp.int32),
        'group': jax.random.randint(ks[4], (B, L), 0, GV).astype(jnp.int32),
        'W_product': jax.random.normal(ks[5], (PV, D), dtype=jnp.float32) * 0.02,
        'W_customer': jax.random.normal(ks[6], (CV, D), dtype=jnp.float32) * 0.02,
        'W_color': jax.random.normal(ks[7], (COLV, D), dtype=jnp.float32) * 0.02,
        'W_size': jax.random.normal(ks[8], (SV, D), dtype=jnp.float32) * 0.02,
        'W_group': jax.random.normal(ks[9], (GV, D), dtype=jnp.float32) * 0.02,
    }
    return inp

def _emb(W, idx):
    # padding_idx=0: row 0 of the table is pinned to zero (nn.Embedding padding_idx semantics)
    Wm = W.at[0].set(0.0)
    return jnp.take(Wm, idx, axis=0)

def reference(product, customer, color, size, group, W_product, W_customer, W_color, W_size, W_group):
    x = (_emb(W_product, product)
         + _emb(W_customer, customer)
         + _emb(W_color, color)
         + _emb(W_size, size)
         + _emb(W_group, group))
    # dropout in eval mode is identity
    return x

if __name__ == "__main__":
    import jax
    _d = setup_inputs()
    print(jax.jit(kernel)(*tuple(_d.values())))

</pallas_src>

<mosaic_0001>
#map = affine_map<(d0, d1) -> (0, 0, 0)>
#map1 = affine_map<(d0, d1) -> (0, 0)>
module attributes {stable_mosaic.version = 14 : i64} {
  func.func @_emb_sum(%arg0: i32, %arg1: i32, %arg2: memref<32x80x80xi32, #tpu.memory_space<hbm>>, %arg3: memref<32x80x80xi32, #tpu.memory_space<hbm>>, %arg4: memref<32x80x80xi32, #tpu.memory_space<hbm>>, %arg5: memref<32x80x80xi32, #tpu.memory_space<hbm>>, %arg6: memref<32x80x80xi32, #tpu.memory_space<hbm>>, %arg7: memref<100000x64xf32, #tpu.memory_space<hbm>>, %arg8: memref<1000000x64xf32, #tpu.memory_space<hbm>>, %arg9: memref<1000x64xf32, #tpu.memory_space<hbm>>, %arg10: memref<1000x64xf32, #tpu.memory_space<hbm>>, %arg11: memref<1000x64xf32, #tpu.memory_space<hbm>>, %arg12: memref<32x64xf32, #tpu.memory_space<hbm>>, %arg13: memref<204800x64xf32, #tpu.memory_space<hbm>>, %arg14: memref<80x80xi32, #tpu.memory_space<vmem>>, %arg15: memref<80x80xi32, #tpu.memory_space<vmem>>, %arg16: memref<80x80xi32, #tpu.memory_space<vmem>>, %arg17: memref<80x80xi32, #tpu.memory_space<vmem>>, %arg18: memref<80x80xi32, #tpu.memory_space<vmem>>, %arg19: memref<80x80xi32, #tpu.memory_space<vmem>>, %arg20: memref<80x64xf32, #tpu.memory_space<vmem>>, %arg21: memref<80x64xf32, #tpu.memory_space<vmem>>, %arg22: memref<80x64xf32, #tpu.memory_space<vmem>>, %arg23: memref<80x64xf32, #tpu.memory_space<vmem>>, %arg24: memref<80x64xf32, #tpu.memory_space<vmem>>, %arg25: memref<80x64xf32, #tpu.memory_space<vmem>>, %arg26: memref<80x64xf32, #tpu.memory_space<vmem>>, %arg27: memref<80x64xf32, #tpu.memory_space<vmem>>, %arg28: memref<80x64xf32, #tpu.memory_space<vmem>>, %arg29: memref<80x64xf32, #tpu.memory_space<vmem>>, %arg30: memref<80x64xf32, #tpu.memory_space<vmem>>, %arg31: memref<80x64xf32, #tpu.memory_space<vmem>>, %arg32: memref<80x64xf32, #tpu.memory_space<vmem>>, %arg33: memref<80x64xf32, #tpu.memory_space<vmem>>, %arg34: memref<!tpu.dma_semaphore, #tpu.memory_space<semaphore_mem>>, %arg35: memref<!tpu.dma_semaphore, #tpu.memory_space<semaphore_mem>>, %arg36: memref<!tpu.dma_semaphore, #tpu.memory_space<semaphore_mem>>, %arg37: memref<!tpu.dma_semaphore, #tpu.memory_space<semaphore_mem>>, %arg38: memref<!tpu.dma_semaphore, #tpu.memory_space<semaphore_mem>>, %arg39: memref<!tpu.dma_semaphore, #tpu.memory_space<semaphore_mem>>, %arg40: memref<!tpu.dma_semaphore, #tpu.memory_space<semaphore_mem>>, %arg41: memref<!tpu.dma_semaphore, #tpu.memory_space<semaphore_mem>>, %arg42: memref<!tpu.dma_semaphore, #tpu.memory_space<semaphore_mem>>, %arg43: memref<!tpu.dma_semaphore, #tpu.memory_space<semaphore_mem>>, %arg44: memref<!tpu.dma_semaphore, #tpu.memory_space<semaphore_mem>>, %arg45: memref<!tpu.dma_semaphore, #tpu.memory_space<semaphore_mem>>, %arg46: memref<!tpu.dma_semaphore, #tpu.memory_space<semaphore_mem>>, %arg47: memref<!tpu.dma_semaphore, #tpu.memory_space<semaphore_mem>>, %arg48: memref<1000x64xf32, #tpu.memory_space<vmem_shared>>, %arg49: memref<1000x64xf32, #tpu.memory_space<vmem_shared>>, %arg50: memref<1000x64xf32, #tpu.memory_space<vmem_shared>>, %arg51: memref<32x64xf32, #tpu.memory_space<vmem_shared>>) attributes {dimension_semantics = [#tpu.dimension_semantics<core_parallel>, #tpu.dimension_semantics<subcore_parallel>], iteration_bounds = array<i64: 2, 16>, scalar_prefetch = 0 : i64, scratch_operands = 38 : i64, tpu.core_type = #tpu.core_type<sc_vector_subcore>, window_params = [{transform_indices = #map}, {transform_indices = #map}, {transform_indices = #map}, {transform_indices = #map}, {transform_indices = #map}, {transform_indices = #map1}, {transform_indices = #map1}, {transform_indices = #map1}, {transform_indices = #map1}, {transform_indices = #map1}, {transform_indices = #map1}, {transform_indices = #map1}]} {
    %mul3A = arith.constant 2 : i32
    %mul3A_0 = arith.muli %arg1, %mul3A : i32
    %add3A = arith.addi %mul3A_0, %arg0 : i32
    %mul3A_1 = arith.constant 6400 : i32
    %mul3A_2 = arith.muli %add3A, %mul3A_1 : i32
    %eq3A = arith.constant 0 : i32
    %eq3A_3 = arith.cmpi eq, %arg1, %eq3A : i32
    %convert_element_type3A = arith.extui %eq3A_3 : i1 to i32
    %cond3A = arith.constant 0 : i32
    %cond3A_4 = arith.cmpi ne, %convert_element_type3A, %cond3A : i32
    scf.if %cond3A_4 {
      "tpu.region"() ({
        %run_scoped3A = tpu.sem_alloc : memref<!tpu.dma_semaphore, #tpu.memory_space<semaphore_mem>>
        tpu.enqueue_dma source(%arg9 : memref<1000x64xf32, #tpu.memory_space<hbm>>) target(%arg48 : memref<1000x64xf32, #tpu.memory_space<vmem_shared>>) target_semaphore(%run_scoped3A : memref<!tpu.dma_semaphore, #tpu.memory_space<semaphore_mem>>)
        tpu.wait_dma2 semaphore(%run_scoped3A : memref<!tpu.dma_semaphore, #tpu.memory_space<semaphore_mem>>) src(%arg9 : memref<1000x64xf32, #tpu.memory_space<hbm>>) dst(%arg48 : memref<1000x64xf32, #tpu.memory_space<vmem_shared>>)
        tpu.yield
      }) : () -> ()
      "tpu.region"() ({
        %run_scoped3A = tpu.sem_alloc : memref<!tpu.dma_semaphore, #tpu.memory_space<semaphore_mem>>
        tpu.enqueue_dma source(%arg10 : memref<1000x64xf32, #tpu.memory_space<hbm>>) target(%arg49 : memref<1000x64xf32, #tpu.memory_space<vmem_shared>>) target_semaphore(%run_scoped3A : memref<!tpu.dma_semaphore, #tpu.memory_space<semaphore_mem>>)
        tpu.wait_dma2 semaphore(%run_scoped3A : memref<!tpu.dma_semaphore, #tpu.memory_space<semaphore_mem>>) src(%arg10 : memref<1000x64xf32, #tpu.memory_space<hbm>>) dst(%arg49 : memref<1000x64xf32, #tpu.memory_space<vmem_shared>>)
        tpu.yield
      }) : () -> ()
      "tpu.region"() ({
        %run_scoped3A = tpu.sem_alloc : memref<!tpu.dma_semaphore, #tpu.memory_space<semaphore_mem>>
        tpu.enqueue_dma source(%arg11 : memref<1000x64xf32, #tpu.memory_space<hbm>>) target(%arg50 : memref<1000x64xf32, #tpu.memory_space<vmem_shared>>) target_semaphore(%run_scoped3A : memref<!tpu.dma_semaphore, #tpu.memory_space<semaphore_mem>>)
        tpu.wait_dma2 semaphore(%run_scoped3A : memref<!tpu.dma_semaphore, #tpu.memory_space<semaphore_mem>>) src(%arg11 : memref<1000x64xf32, #tpu.memory_space<hbm>>) dst(%arg50 : memref<1000x64xf32, #tpu.memory_space<vmem_shared>>)
        tpu.yield
      }) : () -> ()
      "tpu.region"() ({
        %run_scoped3A = tpu.sem_alloc : memref<!tpu.dma_semaphore, #tpu.memory_space<semaphore_mem>>
        tpu.enqueue_dma source(%arg12 : memref<32x64xf32, #tpu.memory_space<hbm>>) target(%arg51 : memref<32x64xf32, #tpu.memory_space<vmem_shared>>) target_semaphore(%run_scoped3A : memref<!tpu.dma_semaphore, #tpu.memory_space<semaphore_mem>>)
        tpu.wait_dma2 semaphore(%run_scoped3A : memref<!tpu.dma_semaphore, #tpu.memory_space<semaphore_mem>>) src(%arg12 : memref<32x64xf32, #tpu.memory_space<hbm>>) dst(%arg51 : memref<32x64xf32, #tpu.memory_space<vmem_shared>>)
        tpu.yield
      }) : () -> ()
    } else {
    }
    %barrier3A = arith.constant 0 : index
    tpu.barrier barrier_id(%barrier3A)
    "tpu.region"() ({
      %run_scoped3A = tpu.sem_alloc : memref<!tpu.dma_semaphore, #tpu.memory_space<semaphore_mem>>
      %dma_start3A_112 = arith.constant 0 : i32
      %dma_start3A_113 = arith.constant 0 : i32
      %dma_start3A_114 = tpu.memref_slice %arg2[%add3A, %dma_start3A_112, %dma_start3A_113] : memref<32x80x80xi32, #tpu.memory_space<hbm>> -> memref<1x80x80xi32, #tpu.memory_space<hbm>>
      %dma_start3A_115 = tpu.memref_squeeze %dma_start3A_114 : memref<1x80x80xi32, #tpu.memory_space<hbm>> -> memref<80x80xi32, #tpu.memory_space<hbm>>
      %dma_start3A_116 = arith.constant 0 : i32
      %dma_start3A_117 = arith.constant 0 : i32
      %dma_start3A_118 = tpu.memref_slice %arg2[%add3A, %dma_start3A_116, %dma_start3A_117] : memref<32x80x80xi32, #tpu.memory_space<hbm>> -> memref<1x80x80xi32, #tpu.memory_space<hbm>>
      %dma_start3A_119 = tpu.memref_squeeze %dma_start3A_118 : memref<1x80x80xi32, #tpu.memory_space<hbm>> -> memref<80x80xi32, #tpu.memory_space<hbm>>
      tpu.enqueue_dma source(%dma_start3A_119 : memref<80x80xi32, #tpu.memory_space<hbm>>) target(%arg14 : memref<80x80xi32, #tpu.memory_space<vmem>>) target_semaphore(%run_scoped3A : memref<!tpu.dma_semaphore, #tpu.memory_space<semaphore_mem>>)
      %dma_wait3A_120 = arith.constant 0 : i32
      %dma_wait3A_121 = arith.constant 0 : i32
      %dma_wait3A_122 = tpu.memref_slice %arg2[%add3A, %dma_wait3A_120, %dma_wait3A_121] : memref<32x80x80xi32, #tpu.memory_space<hbm>> -> memref<1x80x80xi32, #tpu.memory_space<hbm>>
      %dma_wait3A_123 = tpu.memref_squeeze %dma_wait3A_122 : memref<1x80x80xi32, #tpu.memory_space<hbm>> -> memref<80x80xi32, #tpu.memory_space<hbm>>
      %dma_wait3A_124 = arith.constant 0 : i32
      %dma_wait3A_125 = arith.constant 0 : i32
      %dma_wait3A_126 = tpu.memref_slice %arg2[%add3A, %dma_wait3A_124, %dma_wait3A_125] : memref<32x80x80xi32, #tpu.memory_space<hbm>> -> memref<1x80x80xi32, #tpu.memory_space<hbm>>
      %dma_wait3A_127 = tpu.memref_squeeze %dma_wait3A_126 : memref<1x80x80xi32, #tpu.memory_space<hbm>> -> memref<80x80xi32, #tpu.memory_space<hbm>>
      tpu.wait_dma2 semaphore(%run_scoped3A : memref<!tpu.dma_semaphore, #tpu.memory_space<semaphore_mem>>) src(%dma_wait3A_127 : memref<80x80xi32, #tpu.memory_space<hbm>>) dst(%arg14 : memref<80x80xi32, #tpu.memory_space<vmem>>)
      tpu.yield
    }) : () -> ()
    "tpu.region"() ({
      %run_scoped3A = tpu.sem_alloc : memref<!tpu.dma_semaphore, #tpu.memory_space<semaphore_mem>>
      %dma_start3A_112 = arith.constant 0 : i32
      %dma_start3A_113 = arith.constant 0 : i32
      %dma_start3A_114 = tpu.memref_slice %arg3[%add3A, %dma_start3A_112, %dma_start3A_113] : memref<32x80x80xi32, #tpu.memory_space<hbm>> -> memref<1x80x80xi32, #tpu.memory_space<hbm>>
      %dma_start3A_115 = tpu.memref_squeeze %dma_start3A_114 : memref<1x80x80xi32, #tpu.memory_space<hbm>> -> memref<80x80xi32, #tpu.memory_space<hbm>>
      %dma_start3A_116 = arith.constant 0 : i32
      %dma_start3A_117 = arith.constant 0 : i32
      %dma_start3A_118 = tpu.memref_slice %arg3[%add3A, %dma_start3A_116, %dma_start3A_117] : memref<32x80x80xi32, #tpu.memory_space<hbm>> -> memref<1x80x80xi32, #tpu.memory_space<hbm>>
      %dma_start3A_119 = tpu.memref_squeeze %dma_start3A_118 : memref<1x80x80xi32, #tpu.memory_space<hbm>> -> memref<80x80xi32, #tpu.memory_space<hbm>>
      tpu.enqueue_dma source(%dma_start3A_119 : memref<80x80xi32, #tpu.memory_space<hbm>>) target(%arg15 : memref<80x80xi32, #tpu.memory_space<vmem>>) target_semaphore(%run_scoped3A : memref<!tpu.dma_semaphore, #tpu.memory_space<semaphore_mem>>)
      %dma_wait3A_120 = arith.constant 0 : i32
      %dma_wait3A_121 = arith.constant 0 : i32
      %dma_wait3A_122 = tpu.memref_slice %arg3[%add3A, %dma_wait3A_120, %dma_wait3A_121] : memref<32x80x80xi32, #tpu.memory_space<hbm>> -> memref<1x80x80xi32, #tpu.memory_space<hbm>>
      %dma_wait3A_123 = tpu.memref_squeeze %dma_wait3A_122 : memref<1x80x80xi32, #tpu.memory_space<hbm>> -> memref<80x80xi32, #tpu.memory_space<hbm>>
      %dma_wait3A_124 = arith.constant 0 : i32
      %dma_wait3A_125 = arith.constant 0 : i32
      %dma_wait3A_126 = tpu.memref_slice %arg3[%add3A, %dma_wait3A_124, %dma_wait3A_125] : memref<32x80x80xi32, #tpu.memory_space<hbm>> -> memref<1x80x80xi32, #tpu.memory_space<hbm>>
      %dma_wait3A_127 = tpu.memref_squeeze %dma_wait3A_126 : memref<1x80x80xi32, #tpu.memory_space<hbm>> -> memref<80x80xi32, #tpu.memory_space<hbm>>
      tpu.wait_dma2 semaphore(%run_scoped3A : memref<!tpu.dma_semaphore, #tpu.memory_space<semaphore_mem>>) src(%dma_wait3A_127 : memref<80x80xi32, #tpu.memory_space<hbm>>) dst(%arg15 : memref<80x80xi32, #tpu.memory_space<vmem>>)
      tpu.yield
    }) : () -> ()
    "tpu.region"() ({
      %run_scoped3A = tpu.sem_alloc : memref<!tpu.dma_semaphore, #tpu.memory_space<semaphore_mem>>
      %dma_start3A_112 = arith.constant 0 : i32
      %dma_start3A_113 = arith.constant 0 : i32
      %dma_start3A_114 = tpu.memref_slice %arg4[%add3A, %dma_start3A_112, %dma_start3A_113] : memref<32x80x80xi32, #tpu.memory_space<hbm>> -> memref<1x80x80xi32, #tpu.memory_space<hbm>>
      %dma_start3A_115 = tpu.memref_squeeze %dma_start3A_114 : memref<1x80x80xi32, #tpu.memory_space<hbm>> -> memref<80x80xi32, #tpu.memory_space<hbm>>
      %dma_start3A_116 = arith.constant 0 : i32
      %dma_start3A_117 = arith.constant 0 : i32
      %dma_start3A_118 = tpu.memref_slice %arg4[%add3A, %dma_start3A_116, %dma_start3A_117] : memref<32x80x80xi32, #tpu.memory_space<hbm>> -> memref<1x80x80xi32, #tpu.memory_space<hbm>>
      %dma_start3A_119 = tpu.memref_squeeze %dma_start3A_118 : memref<1x80x80xi32, #tpu.memory_space<hbm>> -> memref<80x80xi32, #tpu.memory_space<hbm>>
      tpu.enqueue_dma source(%dma_start3A_119 : memref<80x80xi32, #tpu.memory_space<hbm>>) target(%arg16 : memref<80x80xi32, #tpu.memory_space<vmem>>) target_semaphore(%run_scoped3A : memref<!tpu.dma_semaphore, #tpu.memory_space<semaphore_mem>>)
      %dma_wait3A_120 = arith.constant 0 : i32
      %dma_wait3A_121 = arith.constant 0 : i32
      %dma_wait3A_122 = tpu.memref_slice %arg4[%add3A, %dma_wait3A_120, %dma_wait3A_121] : memref<32x80x80xi32, #tpu.memory_space<hbm>> -> memref<1x80x80xi32, #tpu.memory_space<hbm>>
      %dma_wait3A_123 = tpu.memref_squeeze %dma_wait3A_122 : memref<1x80x80xi32, #tpu.memory_space<hbm>> -> memref<80x80xi32, #tpu.memory_space<hbm>>
      %dma_wait3A_124 = arith.constant 0 : i32
      %dma_wait3A_125 = arith.constant 0 : i32
      %dma_wait3A_126 = tpu.memref_slice %arg4[%add3A, %dma_wait3A_124, %dma_wait3A_125] : memref<32x80x80xi32, #tpu.memory_space<hbm>> -> memref<1x80x80xi32, #tpu.memory_space<hbm>>
      %dma_wait3A_127 = tpu.memref_squeeze %dma_wait3A_126 : memref<1x80x80xi32, #tpu.memory_space<hbm>> -> memref<80x80xi32, #tpu.memory_space<hbm>>
      tpu.wait_dma2 semaphore(%run_scoped3A : memref<!tpu.dma_semaphore, #tpu.memory_space<semaphore_mem>>) src(%dma_wait3A_127 : memref<80x80xi32, #tpu.memory_space<hbm>>) dst(%arg16 : memref<80x80xi32, #tpu.memory_space<vmem>>)
      tpu.yield
    }) : () -> ()
    "tpu.region"() ({
      %run_scoped3A = tpu.sem_alloc : memref<!tpu.dma_semaphore, #tpu.memory_space<semaphore_mem>>
      %dma_start3A_112 = arith.constant 0 : i32
      %dma_start3A_113 = arith.constant 0 : i32
      %dma_start3A_114 = tpu.memref_slice %arg5[%add3A, %dma_start3A_112, %dma_start3A_113] : memref<32x80x80xi32, #tpu.memory_space<hbm>> -> memref<1x80x80xi32, #tpu.memory_space<hbm>>
      %dma_start3A_115 = tpu.memref_squeeze %dma_start3A_114 : memref<1x80x80xi32, #tpu.memory_space<hbm>> -> memref<80x80xi32, #tpu.memory_space<hbm>>
      %dma_start3A_116 = arith.constant 0 : i32
      %dma_start3A_117 = arith.constant 0 : i32
      %dma_start3A_118 = tpu.memref_slice %arg5[%add3A, %dma_start3A_116, %dma_start3A_117] : memref<32x80x80xi32, #tpu.memory_space<hbm>> -> memref<1x80x80xi32, #tpu.memory_space<hbm>>
      %dma_start3A_119 = tpu.memref_squeeze %dma_start3A_118 : memref<1x80x80xi32, #tpu.memory_space<hbm>> -> memref<80x80xi32, #tpu.memory_space<hbm>>
      tpu.enqueue_dma source(%dma_start3A_119 : memref<80x80xi32, #tpu.memory_space<hbm>>) target(%arg17 : memref<80x80xi32, #tpu.memory_space<vmem>>) target_semaphore(%run_scoped3A : memref<!tpu.dma_semaphore, #tpu.memory_space<semaphore_mem>>)
      %dma_wait3A_120 = arith.constant 0 : i32
      %dma_wait3A_121 = arith.constant 0 : i32
      %dma_wait3A_122 = tpu.memref_slice %arg5[%add3A, %dma_wait3A_120, %dma_wait3A_121] : memref<32x80x80xi32, #tpu.memory_space<hbm>> -> memref<1x80x80xi32, #tpu.memory_space<hbm>>
      %dma_wait3A_123 = tpu.memref_squeeze %dma_wait3A_122 : memref<1x80x80xi32, #tpu.memory_space<hbm>> -> memref<80x80xi32, #tpu.memory_space<hbm>>
      %dma_wait3A_124 = arith.constant 0 : i32
      %dma_wait3A_125 = arith.constant 0 : i32
      %dma_wait3A_126 = tpu.memref_slice %arg5[%add3A, %dma_wait3A_124, %dma_wait3A_125] : memref<32x80x80xi32, #tpu.memory_space<hbm>> -> memref<1x80x80xi32, #tpu.memory_space<hbm>>
      %dma_wait3A_127 = tpu.memref_squeeze %dma_wait3A_126 : memref<1x80x80xi32, #tpu.memory_space<hbm>> -> memref<80x80xi32, #tpu.memory_space<hbm>>
      tpu.wait_dma2 semaphore(%run_scoped3A : memref<!tpu.dma_semaphore, #tpu.memory_space<semaphore_mem>>) src(%dma_wait3A_127 : memref<80x80xi32, #tpu.memory_space<hbm>>) dst(%arg17 : memref<80x80xi32, #tpu.memory_space<vmem>>)
      tpu.yield
    }) : () -> ()
    "tpu.region"() ({
      %run_scoped3A = tpu.sem_alloc : memref<!tpu.dma_semaphore, #tpu.memory_space<semaphore_mem>>
      %dma_start3A_112 = arith.constant 0 : i32
      %dma_start3A_113 = arith.constant 0 : i32
      %dma_start3A_114 = tpu.memref_slice %arg6[%add3A, %dma_start3A_112, %dma_start3A_113] : memref<32x80x80xi32, #tpu.memory_space<hbm>> -> memref<1x80x80xi32, #tpu.memory_space<hbm>>
      %dma_start3A_115 = tpu.memref_squeeze %dma_start3A_114 : memref<1x80x80xi32, #tpu.memory_space<hbm>> -> memref<80x80xi32, #tpu.memory_space<hbm>>
      %dma_start3A_116 = arith.constant 0 : i32
      %dma_start3A_117 = arith.constant 0 : i32
      %dma_start3A_118 = tpu.memref_slice %arg6[%add3A, %dma_start3A_116, %dma_start3A_117] : memref<32x80x80xi32, #tpu.memory_space<hbm>> -> memref<1x80x80xi32, #tpu.memory_space<hbm>>
      %dma_start3A_119 = tpu.memref_squeeze %dma_start3A_118 : memref<1x80x80xi32, #tpu.memory_space<hbm>> -> memref<80x80xi32, #tpu.memory_space<hbm>>
      tpu.enqueue_dma source(%dma_start3A_119 : memref<80x80xi32, #tpu.memory_space<hbm>>) target(%arg18 : memref<80x80xi32, #tpu.memory_space<vmem>>) target_semaphore(%run_scoped3A : memref<!tpu.dma_semaphore, #tpu.memory_space<semaphore_mem>>)
      %dma_wait3A_120 = arith.constant 0 : i32
      %dma_wait3A_121 = arith.constant 0 : i32
      %dma_wait3A_122 = tpu.memref_slice %arg6[%add3A, %dma_wait3A_120, %dma_wait3A_121] : memref<32x80x80xi32, #tpu.memory_space<hbm>> -> memref<1x80x80xi32, #tpu.memory_space<hbm>>
      %dma_wait3A_123 = tpu.memref_squeeze %dma_wait3A_122 : memref<1x80x80xi32, #tpu.memory_space<hbm>> -> memref<80x80xi32, #tpu.memory_space<hbm>>
      %dma_wait3A_124 = arith.constant 0 : i32
      %dma_wait3A_125 = arith.constant 0 : i32
      %dma_wait3A_126 = tpu.memref_slice %arg6[%add3A, %dma_wait3A_124, %dma_wait3A_125] : memref<32x80x80xi32, #tpu.memory_space<hbm>> -> memref<1x80x80xi32, #tpu.memory_space<hbm>>
      %dma_wait3A_127 = tpu.memref_squeeze %dma_wait3A_126 : memref<1x80x80xi32, #tpu.memory_space<hbm>> -> memref<80x80xi32, #tpu.memory_space<hbm>>
      tpu.wait_dma2 semaphore(%run_scoped3A : memref<!tpu.dma_semaphore, #tpu.memory_space<semaphore_mem>>) src(%dma_wait3A_127 : memref<80x80xi32, #tpu.memory_space<hbm>>) dst(%arg18 : memref<80x80xi32, #tpu.memory_space<vmem>>)
      tpu.yield
    }) : () -> ()
    %scan3A = arith.constant 0 : i32
    %scan3A_5 = arith.constant 0 : i32
    %scan3A_6 = arith.constant 80 : i32
    %scan3A_7 = arith.addi %scan3A_5, %scan3A_6 : i32
    %scan3A_8 = arith.constant 2 : i32
    %scan3A_9 = scf.for %scan3A_112 = %scan3A_5 to %scan3A_7 step %scan3A_8 iter_args(%scan3A_113 = %scan3A) -> (i32)  : i32 {
      %get3A = arith.index_cast %scan3A_112 : i32 to index
      %get3A_114 = arith.constant 0 : index
      %get3A_115 = tpu.vector_load %arg14[%get3A, %get3A_114] {strides = array<i32>} : memref<80x80xi32, #tpu.memory_space<vmem>>, vector<1x16xi32>,
      %get3A_116 = vector.shape_cast %get3A_115 : vector<1x16xi32> to vector<16xi32>
      %eq3A_117 = arith.constant 0 : i32
      %eq3A_118 = vector.broadcast %eq3A_117 : i32 to vector<16xi32>
      %eq3A_119 = arith.cmpi eq, %get3A_116, %eq3A_118 : vector<16xi32>
      %jit3A = arith.constant 1 : i32
      %jit3A_120 = arith.constant 0 : i32
      %broadcast_in_dim3A = vector.broadcast %jit3A : i32 to vector<16xi32>
      %broadcast_in_dim3A_121 = vector.broadcast %jit3A_120 : i32 to vector<16xi32>
      %select_n3A = arith.select %eq3A_119, %broadcast_in_dim3A, %broadcast_in_dim3A_121 : vector<16xi1>, vector<16xi32>
      %get3A_122 = arith.index_cast %scan3A_112 : i32 to index
      %get3A_123 = arith.constant 0 : index
      %get3A_124 = tpu.vector_load %arg15[%get3A_122, %get3A_123] {strides = array<i32>} : memref<80x80xi32, #tpu.memory_space<vmem>>, vector<1x16xi32>,
      %get3A_125 = vector.shape_cast %get3A_124 : vector<1x16xi32> to vector<16xi32>
      %eq3A_126 = arith.constant 0 : i32
      %eq3A_127 = vector.broadcast %eq3A_126 : i32 to vector<16xi32>
      %eq3A_128 = arith.cmpi eq, %get3A_125, %eq3A_127 : vector<16xi32>
      %jit3A_129 = arith.constant 2 : i32
      %jit3A_130 = arith.constant 0 : i32
      %broadcast_in_dim3A_131 = vector.broadcast %jit3A_129 : i32 to vector<16xi32>
      %broadcast_in_dim3A_132 = vector.broadcast %jit3A_130 : i32 to vector<16xi32>
      %select_n3A_133 = arith.select %eq3A_128, %broadcast_in_dim3A_131, %broadcast_in_dim3A_132 : vector<16xi1>, vector<16xi32>
      %add3A_134 = arith.addi %select_n3A, %select_n3A_133 : vector<16xi32>
      %get3A_135 = arith.index_cast %scan3A_112 : i32 to index
      %get3A_136 = arith.constant 0 : index
      %get3A_137 = tpu.vector_load %arg16[%get3A_135, %get3A_136] {strides = array<i32>} : memref<80x80xi32, #tpu.memory_space<vmem>>, vector<1x16xi32>,
      %get3A_138 = vector.shape_cast %get3A_137 : vector<1x16xi32> to vector<16xi32>
      %eq3A_139 = arith.constant 0 : i32
      %eq3A_140 = vector.broadcast %eq3A_139 : i32 to vector<16xi32>
      %eq3A_141 = arith.cmpi eq, %get3A_138, %eq3A_140 : vector<16xi32>
      %jit3A_142 = arith.constant 4 : i32
      %jit3A_143 = arith.constant 0 : i32
      %broadcast_in_dim3A_144 = vector.broadcast %jit3A_142 : i32 to vector<16xi32>
      %broadcast_in_dim3A_145 = vector.broadcast %jit3A_143 : i32 to vector<16xi32>
      %select_n3A_146 = arith.select %eq3A_141, %broadcast_in_dim3A_144, %broadcast_in_dim3A_145 : vector<16xi1>, vector<16xi32>
      %add3A_147 = arith.addi %add3A_134, %select_n3A_146 : vector<16xi32>
      %get3A_148 = arith.index_cast %scan3A_112 : i32 to index
      %get3A_149 = arith.constant 0 : index
      %get3A_150 = tpu.vector_load %arg17[%get3A_148, %get3A_149] {strides = array<i32>} : memref<80x80xi32, #tpu.memory_space<vmem>>, vector<1x16xi32>,
      %get3A_151 = vector.shape_cast %get3A_150 : vector<1x16xi32> to vector<16xi32>
      %eq3A_152 = arith.constant 0 : i32
      %eq3A_153 = vector.broadcast %eq3A_152 : i32 to vector<16xi32>
      %eq3A_154 = arith.cmpi eq, %get3A_151, %eq3A_153 : vector<16xi32>
      %jit3A_155 = arith.constant 8 : i32
      %jit3A_156 = arith.constant 0 : i32
      %broadcast_in_dim3A_157 = vector.broadcast %jit3A_155 : i32 to vector<16xi32>
      %broadcast_in_dim3A_158 = vector.broadcast %jit3A_156 : i32 to vector<16xi32>
      %select_n3A_159 = arith.select %eq3A_154, %broadcast_in_dim3A_157, %broadcast_in_dim3A_158 : vector<16xi1>, vector<16xi32>
      %add3A_160 = arith.addi %add3A_147, %select_n3A_159 : vector<16xi32>
      %get3A_161 = arith.index_cast %scan3A_112 : i32 to index
      %get3A_162 = arith.constant 0 : index
      %get3A_163 = tpu.vector_load %arg18[%get3A_161, %get3A_162] {strides = array<i32>} : memref<80x80xi32, #tpu.memory_space<vmem>>, vector<1x16xi32>,
      %get3A_164 = vector.shape_cast %get3A_163 : vector<1x16xi32> to vector<16xi32>
      %eq3A_165 = arith.constant 0 : i32
      %eq3A_166 = vector.broadcast %eq3A_165 : i32 to vector<16xi32>
      %eq3A_167 = arith.cmpi eq, %get3A_164, %eq3A_166 : vector<16xi32>
      %jit3A_168 = arith.constant 16 : i32
      %jit3A_169 = arith.constant 0 : i32
      %broadcast_in_dim3A_170 = vector.broadcast %jit3A_168 : i32 to vector<16xi32>
      %broadcast_in_dim3A_171 = vector.broadcast %jit3A_169 : i32 to vector<16xi32>
      %select_n3A_172 = arith.select %eq3A_167, %broadcast_in_dim3A_170, %broadcast_in_dim3A_171 : vector<16xi1>, vector<16xi32>
      %add3A_173 = arith.addi %add3A_160, %select_n3A_172 : vector<16xi32>
      %swap3A = arith.index_cast %scan3A_112 : i32 to index
      %swap3A_174 = arith.constant 0 : index
      %swap3A_175 = tpu.vector_load %arg19[%swap3A, %swap3A_174] {strides = array<i32>} : memref<80x80xi32, #tpu.memory_space<vmem>>, vector<1x16xi32>,
      %swap3A_176 = vector.shape_cast %swap3A_175 : vector<1x16xi32> to vector<16xi32>
      %swap3A_177 = vector.shape_cast %add3A_173 : vector<16xi32> to vector<1x16xi32>
      tpu.vector_store %arg19[%swap3A, %swap3A_174], %swap3A_177 {strides = array<i32>} : memref<80x80xi32, #tpu.memory_space<vmem>>, vector<1x16xi32>,
      %get3A_178 = arith.index_cast %scan3A_112 : i32 to index
      %get3A_179 = arith.constant 16 : index
      %get3A_180 = tpu.vector_load %arg14[%get3A_178, %get3A_179] {strides = array<i32>} : memref<80x80xi32, #tpu.memory_space<vmem>>, vector<1x16xi32>,
      %get3A_181 = vector.shape_cast %get3A_180 : vector<1x16xi32> to vector<16xi32>
      %eq3A_182 = arith.constant 0 : i32
      %eq3A_183 = vector.broadcast %eq3A_182 : i32 to vector<16xi32>
      %eq3A_184 = arith.cmpi eq, %get3A_181, %eq3A_183 : vector<16xi32>
      %jit3A_185 = arith.constant 1 : i32
      %jit3A_186 = arith.constant 0 : i32
      %broadcast_in_dim3A_187 = vector.broadcast %jit3A_185 : i32 to vector<16xi32>
      %broadcast_in_dim3A_188 = vector.broadcast %jit3A_186 : i32 to vector<16xi32>
      %select_n3A_189 = arith.select %eq3A_184, %broadcast_in_dim3A_187, %broadcast_in_dim3A_188 : vector<16xi1>, vector<16xi32>
      %get3A_190 = arith.index_cast %scan3A_112 : i32 to index
      %get3A_191 = arith.constant 16 : index
      %get3A_192 = tpu.vector_load %arg15[%get3A_190, %get3A_191] {strides = array<i32>} : memref<80x80xi32, #tpu.memory_space<vmem>>, vector<1x16xi32>,
      %get3A_193 = vector.shape_cast %get3A_192 : vector<1x16xi32> to vector<16xi32>
      %eq3A_194 = arith.constant 0 : i32
      %eq3A_195 = vector.broadcast %eq3A_194 : i32 to vector<16xi32>
      %eq3A_196 = arith.cmpi eq, %get3A_193, %eq3A_195 : vector<16xi32>
      %jit3A_197 = arith.constant 2 : i32
      %jit3A_198 = arith.constant 0 : i32
      %broadcast_in_dim3A_199 = vector.broadcast %jit3A_197 : i32 to vector<16xi32>
      %broadcast_in_dim3A_200 = vector.broadcast %jit3A_198 : i32 to vector<16xi32>
      %select_n3A_201 = arith.select %eq3A_196, %broadcast_in_dim3A_199, %broadcast_in_dim3A_200 : vector<16xi1>, vector<16xi32>
      %add3A_202 = arith.addi %select_n3A_189, %select_n3A_201 : vector<16xi32>
      %get3A_203 = arith.index_cast %scan3A_112 : i32 to index
      %get3A_204 = arith.constant 16 : index
      %get3A_205 = tpu.vector_load %arg16[%get3A_203, %get3A_204] {strides = array<i32>} : memref<80x80xi32, #tpu.memory_space<vmem>>, vector<1x16xi32>,
      %get3A_206 = vector.shape_cast %get3A_205 : vector<1x16xi32> to vector<16xi32>
      %eq3A_207 = arith.constant 0 : i32
      %eq3A_208 = vector.broadcast %eq3A_207 : i32 to vector<16xi32>
      %eq3A_209 = arith.cmpi eq, %get3A_206, %eq3A_208 : vector<16xi32>
      %jit3A_210 = arith.constant 4 : i32
      %jit3A_211 = arith.constant 0 : i32
      %broadcast_in_dim3A_212 = vector.broadcast %jit3A_210 : i32 to vector<16xi32>
      %broadcast_in_dim3A_213 = vector.broadcast %jit3A_211 : i32 to vector<16xi32>
      %select_n3A_214 = arith.select %eq3A_209, %broadcast_in_dim3A_212, %broadcast_in_dim3A_213 : vector<16xi1>, vector<16xi32>
      %add3A_215 = arith.addi %add3A_202, %select_n3A_214 : vector<16xi32>
      %get3A_216 = arith.index_cast %scan3A_112 : i32 to index
      %get3A_217 = arith.constant 16 : index
      %get3A_218 = tpu.vector_load %arg17[%get3A_216, %get3A_217] {strides = array<i32>} : memref<80x80xi32, #tpu.memory_space<vmem>>, vector<1x16xi32>,
      %get3A_219 = vector.shape_cast %get3A_218 : vector<1x16xi32> to vector<16xi32>
      %eq3A_220 = arith.constant 0 : i32
      %eq3A_221 = vector.broadcast %eq3A_220 : i32 to vector<16xi32>
      %eq3A_222 = arith.cmpi eq, %get3A_219, %eq3A_221 : vector<16xi32>
      %jit3A_223 = arith.constant 8 : i32
      %jit3A_224 = arith.constant 0 : i32
      %broadcast_in_dim3A_225 = vector.broadcast %jit3A_223 : i32 to vector<16xi32>
      %broadcast_in_dim3A_226 = vector.broadcast %jit3A_224 : i32 to vector<16xi32>
      %select_n3A_227 = arith.select %eq3A_222, %broadcast_in_dim3A_225, %broadcast_in_dim3A_226 : vector<16xi1>, vector<16xi32>
      %add3A_228 = arith.addi %add3A_215, %select_n3A_227 : vector<16xi32>
      %get3A_229 = arith.index_cast %scan3A_112 : i32 to index
      %get3A_230 = arith.constant 16 : index
      %get3A_231 = tpu.vector_load %arg18[%get3A_229, %get3A_230] {strides = array<i32>} : memref<80x80xi32, #tpu.memory_space<vmem>>, vector<1x16xi32>,
      %get3A_232 = vector.shape_cast %get3A_231 : vector<1x16xi32> to vector<16xi32>
      %eq3A_233 = arith.constant 0 : i32
      %eq3A_234 = vector.broadcast %eq3A_233 : i32 to vector<16xi32>
      %eq3A_235 = arith.cmpi eq, %get3A_232, %eq3A_234 : vector<16xi32>
      %jit3A_236 = arith.constant 16 : i32
      %jit3A_237 = arith.constant 0 : i32
      %broadcast_in_dim3A_238 = vector.broadcast %jit3A_236 : i32 to vector<16xi32>
      %broadcast_in_dim3A_239 = vector.broadcast %jit3A_237 : i32 to vector<16xi32>
      %select_n3A_240 = arith.select %eq3A_235, %broadcast_in_dim3A_238, %broadcast_in_dim3A_239 : vector<16xi1>, vector<16xi32>
      %add3A_241 = arith.addi %add3A_228, %select_n3A_240 : vector<16xi32>
      %swap3A_242 = arith.index_cast %scan3A_112 : i32 to index
      %swap3A_243 = arith.constant 16 : index
      %swap3A_244 = tpu.vector_load %arg19[%swap3A_242, %swap3A_243] {strides = array<i32>} : memref<80x80xi32, #tpu.memory_space<vmem>>, vector<1x16xi32>,
      %swap3A_245 = vector.shape_cast %swap3A_244 : vector<1x16xi32> to vector<16xi32>
      %swap3A_246 = vector.shape_cast %add3A_241 : vector<16xi32> to vector<1x16xi32>
      tpu.vector_store %arg19[%swap3A_242, %swap3A_243], %swap3A_246 {strides = array<i32>} : memref<80x80xi32, #tpu.memory_space<vmem>>, vector<1x16xi32>,
      %get3A_247 = arith.index_cast %scan3A_112 : i32 to index
      %get3A_248 = arith.constant 32 : index
      %get3A_249 = tpu.vector_load %arg14[%get3A_247, %get3A_248] {strides = array<i32>} : memref<80x80xi32, #tpu.memory_space<vmem>>, vector<1x16xi32>,
      %get3A_250 = vector.shape_cast %get3A_249 : vector<1x16xi32> to vector<16xi32>
      %eq3A_251 = arith.constant 0 : i32
      %eq3A_252 = vector.broadcast %eq3A_251 : i32 to vector<16xi32>
      %eq3A_253 = arith.cmpi eq, %get3A_250, %eq3A_252 : vector<16xi32>
      %jit3A_254 = arith.constant 1 : i32
      %jit3A_255 = arith.constant 0 : i32
      %broadcast_in_dim3A_256 = vector.broadcast %jit3A_254 : i32 to vector<16xi32>
      %broadcast_in_dim3A_257 = vector.broadcast %jit3A_255 : i32 to vector<16xi32>
      %select_n3A_258 = arith.select %eq3A_253, %broadcast_in_dim3A_256, %broadcast_in_dim3A_257 : vector<16xi1>, vector<16xi32>
      %get3A_259 = arith.index_cast %scan3A_112 : i32 to index
      %get3A_260 = arith.constant 32 : index
      %get3A_261 = tpu.vector_load %arg15[%get3A_259, %get3A_260] {strides = array<i32>} : memref<80x80xi32, #tpu.memory_space<vmem>>, vector<1x16xi32>,
      %get3A_262 = vector.shape_cast %get3A_261 : vector<1x16xi32> to vector<16xi32>
      %eq3A_263 = arith.constant 0 : i32
      %eq3A_264 = vector.broadcast %eq3A_263 : i32 to vector<16xi32>
      %eq3A_265 = arith.cmpi eq, %get3A_262, %eq3A_264 : vector<16xi32>
      %jit3A_266 = arith.constant 2 : i32
      %jit3A_267 = arith.constant 0 : i32
      %broadcast_in_dim3A_268 = vector.broadcast %jit3A_266 : i32 to vector<16xi32>
      %broadcast_in_dim3A_269 = vector.broadcast %jit3A_267 : i32 to vector<16xi32>
      %select_n3A_270 = arith.select %eq3A_265, %broadcast_in_dim3A_268, %broadcast_in_dim3A_269 : vector<16xi1>, vector<16xi32>
      %add3A_271 = arith.addi %select_n3A_258, %select_n3A_270 : vector<16xi32>
      %get3A_272 = arith.index_cast %scan3A_112 : i32 to index
      %get3A_273 = arith.constant 32 : index
      %get3A_274 = tpu.vector_load %arg16[%get3A_272, %get3A_273] {strides = array<i32>} : memref<80x80xi32, #tpu.memory_space<vmem>>, vector<1x16xi32>,
      %get3A_275 = vector.shape_cast %get3A_274 : vector<1x16xi32> to vector<16xi32>
      %eq3A_276 = arith.constant 0 : i32
      %eq3A_277 = vector.broadcast %eq3A_276 : i32 to vector<16xi32>
      %eq3A_278 = arith.cmpi eq, %get3A_275, %eq3A_277 : vector<16xi32>
      %jit3A_279 = arith.constant 4 : i32
      %jit3A_280 = arith.constant 0 : i32
      %broadcast_in_dim3A_281 = vector.broadcast %jit3A_279 : i32 to vector<16xi32>
      %broadcast_in_dim3A_282 = vector.broadcast %jit3A_280 : i32 to vector<16xi32>
      %select_n3A_283 = arith.select %eq3A_278, %broadcast_in_dim3A_281, %broadcast_in_dim3A_282 : vector<16xi1>, vector<16xi32>
      %add3A_284 = arith.addi %add3A_271, %select_n3A_283 : vector<16xi32>
      %get3A_285 = arith.index_cast %scan3A_112 : i32 to index
      %get3A_286 = arith.constant 32 : index
      %get3A_287 = tpu.vector_load %arg17[%get3A_285, %get3A_286] {strides = array<i32>} : memref<80x80xi32, #tpu.memory_space<vmem>>, vector<1x16xi32>,
      %get3A_288 = vector.shape_cast %get3A_287 : vector<1x16xi32> to vector<16xi32>
      %eq3A_289 = arith.constant 0 : i32
      %eq3A_290 = vector.broadcast %eq3A_289 : i32 to vector<16xi32>
      %eq3A_291 = arith.cmpi eq, %get3A_288, %eq3A_290 : vector<16xi32>
      %jit3A_292 = arith.constant 8 : i32
      %jit3A_293 = arith.constant 0 : i32
      %broadcast_in_dim3A_294 = vector.broadcast %jit3A_292 : i32 to vector<16xi32>
      %broadcast_in_dim3A_295 = vector.broadcast %jit3A_293 : i32 to vector<16xi32>
      %select_n3A_296 = arith.select %eq3A_291, %broadcast_in_dim3A_294, %broadcast_in_dim3A_295 : vector<16xi1>, vector<16xi32>
      %add3A_297 = arith.addi %add3A_284, %select_n3A_296 : vector<16xi32>
      %get3A_298 = arith.index_cast %scan3A_112 : i32 to index
      %get3A_299 = arith.constant 32 : index
      %get3A_300 = tpu.vector_load %arg18[%get3A_298, %get3A_299] {strides = array<i32>} : memref<80x80xi32, #tpu.memory_space<vmem>>, vector<1x16xi32>,
      %get3A_301 = vector.shape_cast %get3A_300 : vector<1x16xi32> to vector<16xi32>
      %eq3A_302 = arith.constant 0 : i32
      %eq3A_303 = vector.broadcast %eq3A_302 : i32 to vector<16xi32>
      %eq3A_304 = arith.cmpi eq, %get3A_301, %eq3A_303 : vector<16xi32>
      %jit3A_305 = arith.constant 16 : i32
      %jit3A_306 = arith.constant 0 : i32
      %broadcast_in_dim3A_307 = vector.broadcast %jit3A_305 : i32 to vector<16xi32>
      %broadcast_in_dim3A_308 = vector.broadcast %jit3A_306 : i32 to vector<16xi32>
      %select_n3A_309 = arith.select %eq3A_304, %broadcast_in_dim3A_307, %broadcast_in_dim3A_308 : vector<16xi1>, vector<16xi32>
      %add3A_310 = arith.addi %add3A_297, %select_n3A_309 : vector<16xi32>
      %swap3A_311 = arith.index_cast %scan3A_112 : i32 to index
      %swap3A_312 = arith.constant 32 : index
      %swap3A_313 = tpu.vector_load %arg19[%swap3A_311, %swap3A_312] {strides = array<i32>} : memref<80x80xi32, #tpu.memory_space<vmem>>, vector<1x16xi32>,
      %swap3A_314 = vector.shape_cast %swap3A_313 : vector<1x16xi32> to vector<16xi32>
      %swap3A_315 = vector.shape_cast %add3A_310 : vector<16xi32> to vector<1x16xi32>
      tpu.vector_store %arg19[%swap3A_311, %swap3A_312], %swap3A_315 {strides = array<i32>} : memref<80x80xi32, #tpu.memory_space<vmem>>, vector<1x16xi32>,
      %get3A_316 = arith.index_cast %scan3A_112 : i32 to index
      %get3A_317 = arith.constant 48 : index
      %get3A_318 = tpu.vector_load %arg14[%get3A_316, %get3A_317] {strides = array<i32>} : memref<80x80xi32, #tpu.memory_space<vmem>>, vector<1x16xi32>,
      %get3A_319 = vector.shape_cast %get3A_318 : vector<1x16xi32> to vector<16xi32>
      %eq3A_320 = arith.constant 0 : i32
      %eq3A_321 = vector.broadcast %eq3A_320 : i32 to vector<16xi32>
      %eq3A_322 = arith.cmpi eq, %get3A_319, %eq3A_321 : vector<16xi32>
      %jit3A_323 = arith.constant 1 : i32
      %jit3A_324 = arith.constant 0 : i32
      %broadcast_in_dim3A_325 = vector.broadcast %jit3A_323 : i32 to vector<16xi32>
      %broadcast_in_dim3A_326 = vector.broadcast %jit3A_324 : i32 to vector<16xi32>
      %select_n3A_327 = arith.select %eq3A_322, %broadcast_in_dim3A_325, %broadcast_in_dim3A_326 : vector<16xi1>, vector<16xi32>
      %get3A_328 = arith.index_cast %scan3A_112 : i32 to index
      %get3A_329 = arith.constant 48 : index
      %get3A_330 = tpu.vector_load %arg15[%get3A_328, %get3A_329] {strides = array<i32>} : memref<80x80xi32, #tpu.memory_space<vmem>>, vector<1x16xi32>,
      %get3A_331 = vector.shape_cast %get3A_330 : vector<1x16xi32> to vector<16xi32>
      %eq3A_332 = arith.constant 0 : i32
      %eq3A_333 = vector.broadcast %eq3A_332 : i32 to vector<16xi32>
      %eq3A_334 = arith.cmpi eq, %get3A_331, %eq3A_333 : vector<16xi32>
      %jit3A_335 = arith.constant 2 : i32
      %jit3A_336 = arith.constant 0 : i32
      %broadcast_in_dim3A_337 = vector.broadcast %jit3A_335 : i32 to vector<16xi32>
      %broadcast_in_dim3A_338 = vector.broadcast %jit3A_336 : i32 to vector<16xi32>
      %select_n3A_339 = arith.select %eq3A_334, %broadcast_in_dim3A_337, %broadcast_in_dim3A_338 : vector<16xi1>, vector<16xi32>
      %add3A_340 = arith.addi %select_n3A_327, %select_n3A_339 : vector<16xi32>
      %get3A_341 = arith.index_cast %scan3A_112 : i32 to index
      %get3A_342 = arith.constant 48 : index
      %get3A_343 = tpu.vector_load %arg16[%get3A_341, %get3A_342] {strides = array<i32>} : memref<80x80xi32, #tpu.memory_space<vmem>>, vector<1x16xi32>,
      %get3A_344 = vector.shape_cast %get3A_343 : vector<1x16xi32> to vector<16xi32>
      %eq3A_345 = arith.constant 0 : i32
      %eq3A_346 = vector.broadcast %eq3A_345 : i32 to vector<16xi32>
      %eq3A_347 = arith.cmpi eq, %get3A_344, %eq3A_346 : vector<16xi32>
      %jit3A_348 = arith.constant 4 : i32
      %jit3A_349 = arith.constant 0 : i32
      %broadcast_in_dim3A_350 = vector.broadcast %jit3A_348 : i32 to vector<16xi32>
      %broadcast_in_dim3A_351 = vector.broadcast %jit3A_349 : i32 to vector<16xi32>
      %select_n3A_352 = arith.select %eq3A_347, %broadcast_in_dim3A_350, %broadcast_in_dim3A_351 : vector<16xi1>, vector<16xi32>
      %add3A_353 = arith.addi %add3A_340, %select_n3A_352 : vector<16xi32>
      %get3A_354 = arith.index_cast %scan3A_112 : i32 to index
      %get3A_355 = arith.constant 48 : index
      %get3A_356 = tpu.vector_load %arg17[%get3A_354, %get3A_355] {strides = array<i32>} : memref<80x80xi32, #tpu.memory_space<vmem>>, vector<1x16xi32>,
      %get3A_357 = vector.shape_cast %get3A_356 : vector<1x16xi32> to vector<16xi32>
      %eq3A_358 = arith.constant 0 : i32
      %eq3A_359 = vector.broadcast %eq3A_358 : i32 to vector<16xi32>
      %eq3A_360 = arith.cmpi eq, %get3A_357, %eq3A_359 : vector<16xi32>
      %jit3A_361 = arith.constant 8 : i32
      %jit3A_362 = arith.constant 0 : i32
      %broadcast_in_dim3A_363 = vector.broadcast %jit3A_361 : i32 to vector<16xi32>
      %broadcast_in_dim3A_364 = vector.broadcast %jit3A_362 : i32 to vector<16xi32>
      %select_n3A_365 = arith.select %eq3A_360, %broadcast_in_dim3A_363, %broadcast_in_dim3A_364 : vector<16xi1>, vector<16xi32>
      %add3A_366 = arith.addi %add3A_353, %select_n3A_365 : vector<16xi32>
      %get3A_367 = arith.index_cast %scan3A_112 : i32 to index
      %get3A_368 = arith.constant 48 : index
      %get3A_369 = tpu.vector_load %arg18[%get3A_367, %get3A_368] {strides = array<i32>} : memref<80x80xi32, #tpu.memory_space<vmem>>, vector<1x16xi32>,
      %get3A_370 = vector.shape_cast %get3A_369 : vector<1x16xi32> to vector<16xi32>
      %eq3A_371 = arith.constant 0 : i32
      %eq3A_372 = vector.broadcast %eq3A_371 : i32 to vector<16xi32>
      %eq3A_373 = arith.cmpi eq, %get3A_370, %eq3A_372 : vector<16xi32>
      %jit3A_374 = arith.constant 16 : i32
      %jit3A_375 = arith.constant 0 : i32
      %broadcast_in_dim3A_376 = vector.broadcast %jit3A_374 : i32 to vector<16xi32>
      %broadcast_in_dim3A_377 = vector.broadcast %jit3A_375 : i32 to vector<16xi32>
      %select_n3A_378 = arith.select %eq3A_373, %broadcast_in_dim3A_376, %broadcast_in_dim3A_377 : vector<16xi1>, vector<16xi32>
      %add3A_379 = arith.addi %add3A_366, %select_n3A_378 : vector<16xi32>
      %swap3A_380 = arith.index_cast %scan3A_112 : i32 to index
      %swap3A_381 = arith.constant 48 : index
      %swap3A_382 = tpu.vector_load %arg19[%swap3A_380, %swap3A_381] {strides = array<i32>} : memref<80x80xi32, #tpu.memory_space<vmem>>, vector<1x16xi32>,
      %swap3A_383 = vector.shape_cast %swap3A_382 : vector<1x16xi32> to vector<16xi32>
      %swap3A_384 = vector.shape_cast %add3A_379 : vector<16xi32> to vector<1x16xi32>
      tpu.vector_store %arg19[%swap3A_380, %swap3A_381], %swap3A_384 {strides = array<i32>} : memref<80x80xi32, #tpu.memory_space<vmem>>, vector<1x16xi32>,
      %get3A_385 = arith.index_cast %scan3A_112 : i32 to index
      %get3A_386 = arith.constant 64 : index
      %get3A_387 = tpu.vector_load %arg14[%get3A_385, %get3A_386] {strides = array<i32>} : memref<80x80xi32, #tpu.memory_space<vmem>>, vector<1x16xi32>,
      %get3A_388 = vector.shape_cast %get3A_387 : vector<1x16xi32> to vector<16xi32>
      %eq3A_389 = arith.constant 0 : i32
      %eq3A_390 = vector.broadcast %eq3A_389 : i32 to vector<16xi32>
      %eq3A_391 = arith.cmpi eq, %get3A_388, %eq3A_390 : vector<16xi32>
      %jit3A_392 = arith.constant 1 : i32
      %jit3A_393 = arith.constant 0 : i32
      %broadcast_in_dim3A_394 = vector.broadcast %jit3A_392 : i32 to vector<16xi32>
      %broadcast_in_dim3A_395 = vector.broadcast %jit3A_393 : i32 to vector<16xi32>
      %select_n3A_396 = arith.select %eq3A_391, %broadcast_in_dim3A_394, %broadcast_in_dim3A_395 : vector<16xi1>, vector<16xi32>
      %get3A_397 = arith.index_cast %scan3A_112 : i32 to index
      %get3A_398 = arith.constant 64 : index
      %get3A_399 = tpu.vector_load %arg15[%get3A_397, %get3A_398] {strides = array<i32>} : memref<80x80xi32, #tpu.memory_space<vmem>>, vector<1x16xi32>,
      %get3A_400 = vector.shape_cast %get3A_399 : vector<1x16xi32> to vector<16xi32>
      %eq3A_401 = arith.constant 0 : i32
      %eq3A_402 = vector.broadcast %eq3A_401 : i32 to vector<16xi32>
      %eq3A_403 = arith.cmpi eq, %get3A_400, %eq3A_402 : vector<16xi32>
      %jit3A_404 = arith.constant 2 : i32
      %jit3A_405 = arith.constant 0 : i32
      %broadcast_in_dim3A_406 = vector.broadcast %jit3A_404 : i32 to vector<16xi32>
      %broadcast_in_dim3A_407 = vector.broadcast %jit3A_405 : i32 to vector<16xi32>
      %select_n3A_408 = arith.select %eq3A_403, %broadcast_in_dim3A_406, %broadcast_in_dim3A_407 : vector<16xi1>, vector<16xi32>
      %add3A_409 = arith.addi %select_n3A_396, %select_n3A_408 : vector<16xi32>
      %get3A_410 = arith.index_cast %scan3A_112 : i32 to index
      %get3A_411 = arith.constant 64 : index
      %get3A_412 = tpu.vector_load %arg16[%get3A_410, %get3A_411] {strides = array<i32>} : memref<80x80xi32, #tpu.memory_space<vmem>>, vector<1x16xi32>,
      %get3A_413 = vector.shape_cast %get3A_412 : vector<1x16xi32> to vector<16xi32>
      %eq3A_414 = arith.constant 0 : i32
      %eq3A_415 = vector.broadcast %eq3A_414 : i32 to vector<16xi32>
      %eq3A_416 = arith.cmpi eq, %get3A_413, %eq3A_415 : vector<16xi32>
      %jit3A_417 = arith.constant 4 : i32
      %jit3A_418 = arith.constant 0 : i32
      %broadcast_in_dim3A_419 = vector.broadcast %jit3A_417 : i32 to vector<16xi32>
      %broadcast_in_dim3A_420 = vector.broadcast %jit3A_418 : i32 to vector<16xi32>
      %select_n3A_421 = arith.select %eq3A_416, %broadcast_in_dim3A_419, %broadcast_in_dim3A_420 : vector<16xi1>, vector<16xi32>
      %add3A_422 = arith.addi %add3A_409, %select_n3A_421 : vector<16xi32>
      %get3A_423 = arith.index_cast %scan3A_112 : i32 to index
      %get3A_424 = arith.constant 64 : index
      %get3A_425 = tpu.vector_load %arg17[%get3A_423, %get3A_424] {strides = array<i32>} : memref<80x80xi32, #tpu.memory_space<vmem>>, vector<1x16xi32>,
      %get3A_426 = vector.shape_cast %get3A_425 : vector<1x16xi32> to vector<16xi32>
      %eq3A_427 = arith.constant 0 : i32
      %eq3A_428 = vector.broadcast %eq3A_427 : i32 to vector<16xi32>
      %eq3A_429 = arith.cmpi eq, %get3A_426, %eq3A_428 : vector<16xi32>
      %jit3A_430 = arith.constant 8 : i32
      %jit3A_431 = arith.constant 0 : i32
      %broadcast_in_dim3A_432 = vector.broadcast %jit3A_430 : i32 to vector<16xi32>
      %broadcast_in_dim3A_433 = vector.broadcast %jit3A_431 : i32 to vector<16xi32>
      %select_n3A_434 = arith.select %eq3A_429, %broadcast_in_dim3A_432, %broadcast_in_dim3A_433 : vector<16xi1>, vector<16xi32>
      %add3A_435 = arith.addi %add3A_422, %select_n3A_434 : vector<16xi32>
      %get3A_436 = arith.index_cast %scan3A_112 : i32 to index
      %get3A_437 = arith.constant 64 : index
      %get3A_438 = tpu.vector_load %arg18[%get3A_436, %get3A_437] {strides = array<i32>} : memref<80x80xi32, #tpu.memory_space<vmem>>, vector<1x16xi32>,
      %get3A_439 = vector.shape_cast %get3A_438 : vector<1x16xi32> to vector<16xi32>
      %eq3A_440 = arith.constant 0 : i32
      %eq3A_441 = vector.broadcast %eq3A_440 : i32 to vector<16xi32>
      %eq3A_442 = arith.cmpi eq, %get3A_439, %eq3A_441 : vector<16xi32>
      %jit3A_443 = arith.constant 16 : i32
      %jit3A_444 = arith.constant 0 : i32
      %broadcast_in_dim3A_445 = vector.broadcast %jit3A_443 : i32 to vector<16xi32>
      %broadcast_in_dim3A_446 = vector.broadcast %jit3A_444 : i32 to vector<16xi32>
      %select_n3A_447 = arith.select %eq3A_442, %broadcast_in_dim3A_445, %broadcast_in_dim3A_446 : vector<16xi1>, vector<16xi32>
      %add3A_448 = arith.addi %add3A_435, %select_n3A_447 : vector<16xi32>
      %swap3A_449 = arith.index_cast %scan3A_112 : i32 to index
      %swap3A_450 = arith.constant 64 : index
      %swap3A_451 = tpu.vector_load %arg19[%swap3A_449, %swap3A_450] {strides = array<i32>} : memref<80x80xi32, #tpu.memory_space<vmem>>, vector<1x16xi32>,
      %swap3A_452 = vector.shape_cast %swap3A_451 : vector<1x16xi32> to vector<16xi32>
      %swap3A_453 = vector.shape_cast %add3A_448 : vector<16xi32> to vector<1x16xi32>
      tpu.vector_store %arg19[%swap3A_449, %swap3A_450], %swap3A_453 {strides = array<i32>} : memref<80x80xi32, #tpu.memory_space<vmem>>, vector<1x16xi32>,
      %scan3A_454 = arith.constant 0 : i32
      %scan3A_455 = arith.constant 1 : i32
      %scan3A_456 = arith.addi %scan3A_112, %scan3A_455 : i32
      %get3A_457 = arith.index_cast %scan3A_456 : i32 to index
      %get3A_458 = arith.constant 0 : index
      %get3A_459 = tpu.vector_load %arg14[%get3A_457, %get3A_458] {strides = array<i32>} : memref<80x80xi32, #tpu.memory_space<vmem>>, vector<1x16xi32>,
      %get3A_460 = vector.shape_cast %get3A_459 : vector<1x16xi32> to vector<16xi32>
      %eq3A_461 = arith.constant 0 : i32
      %eq3A_462 = vector.broadcast %eq3A_461 : i32 to vector<16xi32>
      %eq3A_463 = arith.cmpi eq, %get3A_460, %eq3A_462 : vector<16xi32>
      %jit3A_464 = arith.constant 1 : i32
      %jit3A_465 = arith.constant 0 : i32
      %broadcast_in_dim3A_466 = vector.broadcast %jit3A_464 : i32 to vector<16xi32>
      %broadcast_in_dim3A_467 = vector.broadcast %jit3A_465 : i32 to vector<16xi32>
      %select_n3A_468 = arith.select %eq3A_463, %broadcast_in_dim3A_466, %broadcast_in_dim3A_467 : vector<16xi1>, vector<16xi32>
      %get3A_469 = arith.index_cast %scan3A_456 : i32 to index
      %get3A_470 = arith.constant 0 : index
      %get3A_471 = tpu.vector_load %arg15[%get3A_469, %get3A_470] {strides = array<i32>} : memref<80x80xi32, #tpu.memory_space<vmem>>, vector<1x16xi32>,
      %get3A_472 = vector.shape_cast %get3A_471 : vector<1x16xi32> to vector<16xi32>
      %eq3A_473 = arith.constant 0 : i32
      %eq3A_474 = vector.broadcast %eq3A_473 : i32 to vector<16xi32>
      %eq3A_475 = arith.cmpi eq, %get3A_472, %eq3A_474 : vector<16xi32>
      %jit3A_476 = arith.constant 2 : i32
      %jit3A_477 = arith.constant 0 : i32
      %broadcast_in_dim3A_478 = vector.broadcast %jit3A_476 : i32 to vector<16xi32>
      %broadcast_in_dim3A_479 = vector.broadcast %jit3A_477 : i32 to vector<16xi32>
      %select_n3A_480 = arith.select %eq3A_475, %broadcast_in_dim3A_478, %broadcast_in_dim3A_479 : vector<16xi1>, vector<16xi32>
      %add3A_481 = arith.addi %select_n3A_468, %select_n3A_480 : vector<16xi32>
      %get3A_482 = arith.index_cast %scan3A_456 : i32 to index
      %get3A_483 = arith.constant 0 : index
      %get3A_484 = tpu.vector_load %arg16[%get3A_482, %get3A_483] {strides = array<i32>} : memref<80x80xi32, #tpu.memory_space<vmem>>, vector<1x16xi32>,
      %get3A_485 = vector.shape_cast %get3A_484 : vector<1x16xi32> to vector<16xi32>
      %eq3A_486 = arith.constant 0 : i32
      %eq3A_487 = vector.broadcast %eq3A_486 : i32 to vector<16xi32>
      %eq3A_488 = arith.cmpi eq, %get3A_485, %eq3A_487 : vector<16xi32>
      %jit3A_489 = arith.constant 4 : i32
      %jit3A_490 = arith.constant 0 : i32
      %broadcast_in_dim3A_491 = vector.broadcast %jit3A_489 : i32 to vector<16xi32>
      %broadcast_in_dim3A_492 = vector.broadcast %jit3A_490 : i32 to vector<16xi32>
      %select_n3A_493 = arith.select %eq3A_488, %broadcast_in_dim3A_491, %broadcast_in_dim3A_492 : vector<16xi1>, vector<16xi32>
      %add3A_494 = arith.addi %add3A_481, %select_n3A_493 : vector<16xi32>
      %get3A_495 = arith.index_cast %scan3A_456 : i32 to index
      %get3A_496 = arith.constant 0 : index
      %get3A_497 = tpu.vector_load %arg17[%get3A_495, %get3A_496] {strides = array<i32>} : memref<80x80xi32, #tpu.memory_space<vmem>>, vector<1x16xi32>,
      %get3A_498 = vector.shape_cast %get3A_497 : vector<1x16xi32> to vector<16xi32>
      %eq3A_499 = arith.constant 0 : i32
      %eq3A_500 = vector.broadcast %eq3A_499 : i32 to vector<16xi32>
      %eq3A_501 = arith.cmpi eq, %get3A_498, %eq3A_500 : vector<16xi32>
      %jit3A_502 = arith.constant 8 : i32
      %jit3A_503 = arith.constant 0 : i32
      %broadcast_in_dim3A_504 = vector.broadcast %jit3A_502 : i32 to vector<16xi32>
      %broadcast_in_dim3A_505 = vector.broadcast %jit3A_503 : i32 to vector<16xi32>
      %select_n3A_506 = arith.select %eq3A_501, %broadcast_in_dim3A_504, %broadcast_in_dim3A_505 : vector<16xi1>, vector<16xi32>
      %add3A_507 = arith.addi %add3A_494, %select_n3A_506 : vector<16xi32>
      %get3A_508 = arith.index_cast %scan3A_456 : i32 to index
      %get3A_509 = arith.constant 0 : index
      %get3A_510 = tpu.vector_load %arg18[%get3A_508, %get3A_509] {strides = array<i32>} : memref<80x80xi32, #tpu.memory_space<vmem>>, vector<1x16xi32>,
      %get3A_511 = vector.shape_cast %get3A_510 : vector<1x16xi32> to vector<16xi32>
      %eq3A_512 = arith.constant 0 : i32
      %eq3A_513 = vector.broadcast %eq3A_512 : i32 to vector<16xi32>
      %eq3A_514 = arith.cmpi eq, %get3A_511, %eq3A_513 : vector<16xi32>
      %jit3A_515 = arith.constant 16 : i32
      %jit3A_516 = arith.constant 0 : i32
      %broadcast_in_dim3A_517 = vector.broadcast %jit3A_515 : i32 to vector<16xi32>
      %broadcast_in_dim3A_518 = vector.broadcast %jit3A_516 : i32 to vector<16xi32>
      %select_n3A_519 = arith.select %eq3A_514, %broadcast_in_dim3A_517, %broadcast_in_dim3A_518 : vector<16xi1>, vector<16xi32>
      %add3A_520 = arith.addi %add3A_507, %select_n3A_519 : vector<16xi32>
      %swap3A_521 = arith.index_cast %scan3A_456 : i32 to index
      %swap3A_522 = arith.constant 0 : index
      %swap3A_523 = tpu.vector_load %arg19[%swap3A_521, %swap3A_522] {strides = array<i32>} : memref<80x80xi32, #tpu.memory_space<vmem>>, vector<1x16xi32>,
      %swap3A_524 = vector.shape_cast %swap3A_523 : vector<1x16xi32> to vector<16xi32>
      %swap3A_525 = vector.shape_cast %add3A_520 : vector<16xi32> to vector<1x16xi32>
      tpu.vector_store %arg19[%swap3A_521, %swap3A_522], %swap3A_525 {strides = array<i32>} : memref<80x80xi32, #tpu.memory_space<vmem>>, vector<1x16xi32>,
      %get3A_526 = arith.index_cast %scan3A_456 : i32 to index
      %get3A_527 = arith.constant 16 : index
      %get3A_528 = tpu.vector_load %arg14[%get3A_526, %get3A_527] {strides = array<i32>} : memref<80x80xi32, #tpu.memory_space<vmem>>, vector<1x16xi32>,
      %get3A_529 = vector.shape_cast %get3A_528 : vector<1x16xi32> to vector<16xi32>
      %eq3A_530 = arith.constant 0 : i32
      %eq3A_531 = vector.broadcast %eq3A_530 : i32 to vector<16xi32>
      %eq3A_532 = arith.cmpi eq, %get3A_529, %eq3A_531 : vector<16xi32>
      %jit3A_533 = arith.constant 1 : i32
      %jit3A_534 = arith.constant 0 : i32
      %broadcast_in_dim3A_535 = vector.broadcast %jit3A_533 : i32 to vector<16xi32>
      %broadcast_in_dim3A_536 = vector.broadcast %jit3A_534 : i32 to vector<16xi32>
      %select_n3A_537 = arith.select %eq3A_532, %broadcast_in_dim3A_535, %broadcast_in_dim3A_536 : vector<16xi1>, vector<16xi32>
      %get3A_538 = arith.index_cast %scan3A_456 : i32 to index
      %get3A_539 = arith.constant 16 : index
      %get3A_540 = tpu.vector_load %arg15[%get3A_538, %get3A_539] {strides = array<i32>} : memref<80x80xi32, #tpu.memory_space<vmem>>, vector<1x16xi32>,
      %get3A_541 = vector.shape_cast %get3A_540 : vector<1x16xi32> to vector<16xi32>
      %eq3A_542 = arith.constant 0 : i32
      %eq3A_543 = vector.broadcast %eq3A_542 : i32 to vector<16xi32>
      %eq3A_544 = arith.cmpi eq, %get3A_541, %eq3A_543 : vector<16xi32>
      %jit3A_545 = arith.constant 2 : i32
      %jit3A_546 = arith.constant 0 : i32
      %broadcast_in_dim3A_547 = vector.broadcast %jit3A_545 : i32 to vector<16xi32>
      %broadcast_in_dim3A_548 = vector.broadcast %jit3A_546 : i32 to vector<16xi32>
      %select_n3A_549 = arith.select %eq3A_544, %broadcast_in_dim3A_547, %broadcast_in_dim3A_548 : vector<16xi1>, vector<16xi32>
      %add3A_550 = arith.addi %select_n3A_537, %select_n3A_549 : vector<16xi32>
      %get3A_551 = arith.index_cast %scan3A_456 : i32 to index
      %get3A_552 = arith.constant 16 : index
      %get3A_553 = tpu.vector_load %arg16[%get3A_551, %get3A_552] {strides = array<i32>} : memref<80x80xi32, #tpu.memory_space<vmem>>, vector<1x16xi32>,
      %get3A_554 = vector.shape_cast %get3A_553 : vector<1x16xi32> to vector<16xi32>
      %eq3A_555 = arith.constant 0 : i32
      %eq3A_556 = vector.broadcast %eq3A_555 : i32 to vector<16xi32>
      %eq3A_557 = arith.cmpi eq, %get3A_554, %eq3A_556 : vector<16xi32>
      %jit3A_558 = arith.constant 4 : i32
      %jit3A_559 = arith.constant 0 : i32
      %broadcast_in_dim3A_560 = vector.broadcast %jit3A_558 : i32 to vector<16xi32>
      %broadcast_in_dim3A_561 = vector.broadcast %jit3A_559 : i32 to vector<16xi32>
      %select_n3A_562 = arith.select %eq3A_557, %broadcast_in_dim3A_560, %broadcast_in_dim3A_561 : vector<16xi1>, vector<16xi32>
      %add3A_563 = arith.addi %add3A_550, %select_n3A_562 : vector<16xi32>
      %get3A_564 = arith.index_cast %scan3A_456 : i32 to index
      %get3A_565 = arith.constant 16 : index
      %get3A_566 = tpu.vector_load %arg17[%get3A_564, %get3A_565] {strides = array<i32>} : memref<80x80xi32, #tpu.memory_space<vmem>>, vector<1x16xi32>,
      %get3A_567 = vector.shape_cast %get3A_566 : vector<1x16xi32> to vector<16xi32>
      %eq3A_568 = arith.constant 0 : i32
      %eq3A_569 = vector.broadcast %eq3A_568 : i32 to vector<16xi32>
      %eq3A_570 = arith.cmpi eq, %get3A_567, %eq3A_569 : vector<16xi32>
      %jit3A_571 = arith.constant 8 : i32
      %jit3A_572 = arith.constant 0 : i32
      %broadcast_in_dim3A_573 = vector.broadcast %jit3A_571 : i32 to vector<16xi32>
      %broadcast_in_dim3A_574 = vector.broadcast %jit3A_572 : i32 to vector<16xi32>
      %select_n3A_575 = arith.select %eq3A_570, %broadcast_in_dim3A_573, %broadcast_in_dim3A_574 : vector<16xi1>, vector<16xi32>
      %add3A_576 = arith.addi %add3A_563, %select_n3A_575 : vector<16xi32>
      %get3A_577 = arith.index_cast %scan3A_456 : i32 to index
      %get3A_578 = arith.constant 16 : index
      %get3A_579 = tpu.vector_load %arg18[%get3A_577, %get3A_578] {strides = array<i32>} : memref<80x80xi32, #tpu.memory_space<vmem>>, vector<1x16xi32>,
      %get3A_580 = vector.shape_cast %get3A_579 : vector<1x16xi32> to vector<16xi32>
      %eq3A_581 = arith.constant 0 : i32
      %eq3A_582 = vector.broadcast %eq3A_581 : i32 to vector<16xi32>
      %eq3A_583 = arith.cmpi eq, %get3A_580, %eq3A_582 : vector<16xi32>
      %jit3A_584 = arith.constant 16 : i32
      %jit3A_585 = arith.constant 0 : i32
      %broadcast_in_dim3A_586 = vector.broadcast %jit3A_584 : i32 to vector<16xi32>
      %broadcast_in_dim3A_587 = vector.broadcast %jit3A_585 : i32 to vector<16xi32>
      %select_n3A_588 = arith.select %eq3A_583, %broadcast_in_dim3A_586, %broadcast_in_dim3A_587 : vector<16xi1>, vector<16xi32>
      %add3A_589 = arith.addi %add3A_576, %select_n3A_588 : vector<16xi32>
      %swap3A_590 = arith.index_cast %scan3A_456 : i32 to index
      %swap3A_591 = arith.constant 16 : index
      %swap3A_592 = tpu.vector_load %arg19[%swap3A_590, %swap3A_591] {strides = array<i32>} : memref<80x80xi32, #tpu.memory_space<vmem>>, vector<1x16xi32>,
      %swap3A_593 = vector.shape_cast %swap3A_592 : vector<1x16xi32> to vector<16xi32>
      %swap3A_594 = vector.shape_cast %add3A_589 : vector<16xi32> to vector<1x16xi32>
      tpu.vector_store %arg19[%swap3A_590, %swap3A_591], %swap3A_594 {strides = array<i32>} : memref<80x80xi32, #tpu.memory_space<vmem>>, vector<1x16xi32>,
      %get3A_595 = arith.index_cast %scan3A_456 : i32 to index
      %get3A_596 = arith.constant 32 : index
      %get3A_597 = tpu.vector_load %arg14[%get3A_595, %get3A_596] {strides = array<i32>} : memref<80x80xi32, #tpu.memory_space<vmem>>, vector<1x16xi32>,
      %get3A_598 = vector.shape_cast %get3A_597 : vector<1x16xi32> to vector<16xi32>
      %eq3A_599 = arith.constant 0 : i32
      %eq3A_600 = vector.broadcast %eq3A_599 : i32 to vector<16xi32>
      %eq3A_601 = arith.cmpi eq, %get3A_598, %eq3A_600 : vector<16xi32>
      %jit3A_602 = arith.constant 1 : i32
      %jit3A_603 = arith.constant 0 : i32
      %broadcast_in_dim3A_604 = vector.broadcast %jit3A_602 : i32 to vector<16xi32>
      %broadcast_in_dim3A_605 = vector.broadcast %jit3A_603 : i32 to vector<16xi32>
      %select_n3A_606 = arith.select %eq3A_601, %broadcast_in_dim3A_604, %broadcast_in_dim3A_605 : vector<16xi1>, vector<16xi32>
      %get3A_607 = arith.index_cast %scan3A_456 : i32 to index
      %get3A_608 = arith.constant 32 : index
      %get3A_609 = tpu.vector_load %arg15[%get3A_607, %get3A_608] {strides = array<i32>} : memref<80x80xi32, #tpu.memory_space<vmem>>, vector<1x16xi32>,
      %get3A_610 = vector.shape_cast %get3A_609 : vector<1x16xi32> to vector<16xi32>
      %eq3A_611 = arith.constant 0 : i32
      %eq3A_612 = vector.broadcast %eq3A_611 : i32 to vector<16xi32>
      %eq3A_613 = arith.cmpi eq, %get3A_610, %eq3A_612 : vector<16xi32>
      %jit3A_614 = arith.constant 2 : i32
      %jit3A_615 = arith.constant 0 : i32
      %broadcast_in_dim3A_616 = vector.broadcast %jit3A_614 : i32 to vector<16xi32>
      %broadcast_in_dim3A_617 = vector.broadcast %jit3A_615 : i32 to vector<16xi32>
      %select_n3A_618 = arith.select %eq3A_613, %broadcast_in_dim3A_616, %broadcast_in_dim3A_617 : vector<16xi1>, vector<16xi32>
      %add3A_619 = arith.addi %select_n3A_606, %select_n3A_618 : vector<16xi32>
      %get3A_620 = arith.index_cast %scan3A_456 : i32 to index
      %get3A_621 = arith.constant 32 : index
      %get3A_622 = tpu.vector_load %arg16[%get3A_620, %get3A_621] {strides = array<i32>} : memref<80x80xi32, #tpu.memory_space<vmem>>, vector<1x16xi32>,
      %get3A_623 = vector.shape_cast %get3A_622 : vector<1x16xi32> to vector<16xi32>
      %eq3A_624 = arith.constant 0 : i32
      %eq3A_625 = vector.broadcast %eq3A_624 : i32 to vector<16xi32>
      %eq3A_626 = arith.cmpi eq, %get3A_623, %eq3A_625 : vector<16xi32>
      %jit3A_627 = arith.constant 4 : i32
      %jit3A_628 = arith.constant 0 : i32
      %broadcast_in_dim3A_629 = vector.broadcast %jit3A_627 : i32 to vector<16xi32>
      %broadcast_in_dim3A_630 = vector.broadcast %jit3A_628 : i32 to vector<16xi32>
      %select_n3A_631 = arith.select %eq3A_626, %broadcast_in_dim3A_629, %broadcast_in_dim3A_630 : vector<16xi1>, vector<16xi32>
      %add3A_632 = arith.addi %add3A_619, %select_n3A_631 : vector<16xi32>
      %get3A_633 = arith.index_cast %scan3A_456 : i32 to index
      %get3A_634 = arith.constant 32 : index
      %get3A_635 = tpu.vector_load %arg17[%get3A_633, %get3A_634] {strides = array<i32>} : memref<80x80xi32, #tpu.memory_space<vmem>>, vector<1x16xi32>,
      %get3A_636 = vector.shape_cast %get3A_635 : vector<1x16xi32> to vector<16xi32>
      %eq3A_637 = arith.constant 0 : i32
      %eq3A_638 = vector.broadcast %eq3A_637 : i32 to vector<16xi32>
      %eq3A_639 = arith.cmpi eq, %get3A_636, %eq3A_638 : vector<16xi32>
      %jit3A_640 = arith.constant 8 : i32
      %jit3A_641 = arith.constant 0 : i32
      %broadcast_in_dim3A_642 = vector.broadcast %jit3A_640 : i32 to vector<16xi32>
      %broadcast_in_dim3A_643 = vector.broadcast %jit3A_641 : i32 to vector<16xi32>
      %select_n3A_644 = arith.select %eq3A_639, %broadcast_in_dim3A_642, %broadcast_in_dim3A_643 : vector<16xi1>, vector<16xi32>
      %add3A_645 = arith.addi %add3A_632, %select_n3A_644 : vector<16xi32>
      %get3A_646 = arith.index_cast %scan3A_456 : i32 to index
      %get3A_647 = arith.constant 32 : index
      %get3A_648 = tpu.vector_load %arg18[%get3A_646, %get3A_647] {strides = array<i32>} : memref<80x80xi32, #tpu.memory_space<vmem>>, vector<1x16xi32>,
      %get3A_649 = vector.shape_cast %get3A_648 : vector<1x16xi32> to vector<16xi32>
      %eq3A_650 = arith.constant 0 : i32
      %eq3A_651 = vector.broadcast %eq3A_650 : i32 to vector<16xi32>
      %eq3A_652 = arith.cmpi eq, %get3A_649, %eq3A_651 : vector<16xi32>
      %jit3A_653 = arith.constant 16 : i32
      %jit3A_654 = arith.constant 0 : i32
      %broadcast_in_dim3A_655 = vector.broadcast %jit3A_653 : i32 to vector<16xi32>
      %broadcast_in_dim3A_656 = vector.broadcast %jit3A_654 : i32 to vector<16xi32>
      %select_n3A_657 = arith.select %eq3A_652, %broadcast_in_dim3A_655, %broadcast_in_dim3A_656 : vector<16xi1>, vector<16xi32>
      %add3A_658 = arith.addi %add3A_645, %select_n3A_657 : vector<16xi32>
      %swap3A_659 = arith.index_cast %scan3A_456 : i32 to index
      %swap3A_660 = arith.constant 32 : index
      %swap3A_661 = tpu.vector_load %arg19[%swap3A_659, %swap3A_660] {strides = array<i32>} : memref<80x80xi32, #tpu.memory_space<vmem>>, vector<1x16xi32>,
      %swap3A_662 = vector.shape_cast %swap3A_661 : vector<1x16xi32> to vector<16xi32>
      %swap3A_663 = vector.shape_cast %add3A_658 : vector<16xi32> to vector<1x16xi32>
      tpu.vector_store %arg19[%swap3A_659, %swap3A_660], %swap3A_663 {strides = array<i32>} : memref<80x80xi32, #tpu.memory_space<vmem>>, vector<1x16xi32>,
      %get3A_664 = arith.index_cast %scan3A_456 : i32 to index
      %get3A_665 = arith.constant 48 : index
      %get3A_666 = tpu.vector_load %arg14[%get3A_664, %get3A_665] {strides = array<i32>} : memref<80x80xi32, #tpu.memory_space<vmem>>, vector<1x16xi32>,
      %get3A_667 = vector.shape_cast %get3A_666 : vector<1x16xi32> to vector<16xi32>
      %eq3A_668 = arith.constant 0 : i32
      %eq3A_669 = vector.broadcast %eq3A_668 : i32 to vector<16xi32>
      %eq3A_670 = arith.cmpi eq, %get3A_667, %eq3A_669 : vector<16xi32>
      %jit3A_671 = arith.constant 1 : i32
      %jit3A_672 = arith.constant 0 : i32
      %broadcast_in_dim3A_673 = vector.broadcast %jit3A_671 : i32 to vector<16xi32>
      %broadcast_in_dim3A_674 = vector.broadcast %jit3A_672 : i32 to vector<16xi32>
      %select_n3A_675 = arith.select %eq3A_670, %broadcast_in_dim3A_673, %broadcast_in_dim3A_674 : vector<16xi1>, vector<16xi32>
      %get3A_676 = arith.index_cast %scan3A_456 : i32 to index
      %get3A_677 = arith.constant 48 : index
      %get3A_678 = tpu.vector_load %arg15[%get3A_676, %get3A_677] {strides = array<i32>} : memref<80x80xi32, #tpu.memory_space<vmem>>, vector<1x16xi32>,
      %get3A_679 = vector.shape_cast %get3A_678 : vector<1x16xi32> to vector<16xi32>
      %eq3A_680 = arith.constant 0 : i32
      %eq3A_681 = vector.broadcast %eq3A_680 : i32 to vector<16xi32>
      %eq3A_682 = arith.cmpi eq, %get3A_679, %eq3A_681 : vector<16xi32>
      %jit3A_683 = arith.constant 2 : i32
      %jit3A_684 = arith.constant 0 : i32
      %broadcast_in_dim3A_685 = vector.broadcast %jit3A_683 : i32 to vector<16xi32>
      %broadcast_in_dim3A_686 = vector.broadcast %jit3A_684 : i32 to vector<16xi32>
      %select_n3A_687 = arith.select %eq3A_682, %broadcast_in_dim3A_685, %broadcast_in_dim3A_686 : vector<16xi1>, vector<16xi32>
      %add3A_688 = arith.addi %select_n3A_675, %select_n3A_687 : vector<16xi32>
      %get3A_689 = arith.index_cast %scan3A_456 : i32 to index
      %get3A_690 = arith.constant 48 : index
      %get3A_691 = tpu.vector_load %arg16[%get3A_689, %get3A_690] {strides = array<i32>} : memref<80x80xi32, #tpu.memory_space<vmem>>, vector<1x16xi32>,
      %get3A_692 = vector.shape_cast %get3A_691 : vector<1x16xi32> to vector<16xi32>
      %eq3A_693 = arith.constant 0 : i32
      %eq3A_694 = vector.broadcast %eq3A_693 : i32 to vector<16xi32>
      %eq3A_695 = arith.cmpi eq, %get3A_692, %eq3A_694 : vector<16xi32>
      %jit3A_696 = arith.constant 4 : i32
      %jit3A_697 = arith.constant 0 : i32
      %broadcast_in_dim3A_698 = vector.broadcast %jit3A_696 : i32 to vector<16xi32>
      %broadcast_in_dim3A_699 = vector.broadcast %jit3A_697 : i32 to vector<16xi32>
      %select_n3A_700 = arith.select %eq3A_695, %broadcast_in_dim3A_698, %broadcast_in_dim3A_699 : vector<16xi1>, vector<16xi32>
      %add3A_701 = arith.addi %add3A_688, %select_n3A_700 : vector<16xi32>
      %get3A_702 = arith.index_cast %scan3A_456 : i32 to index
      %get3A_703 = arith.constant 48 : index
      %get3A_704 = tpu.vector_load %arg17[%get3A_702, %get3A_703] {strides = array<i32>} : memref<80x80xi32, #tpu.memory_space<vmem>>, vector<1x16xi32>,
      %get3A_705 = vector.shape_cast %get3A_704 : vector<1x16xi32> to vector<16xi32>
      %eq3A_706 = arith.constant 0 : i32
      %eq3A_707 = vector.broadcast %eq3A_706 : i32 to vector<16xi32>
      %eq3A_708 = arith.cmpi eq, %get3A_705, %eq3A_707 : vector<16xi32>
      %jit3A_709 = arith.constant 8 : i32
      %jit3A_710 = arith.constant 0 : i32
      %broadcast_in_dim3A_711 = vector.broadcast %jit3A_709 : i32 to vector<16xi32>
      %broadcast_in_dim3A_712 = vector.broadcast %jit3A_710 : i32 to vector<16xi32>
      %select_n3A_713 = arith.select %eq3A_708, %broadcast_in_dim3A_711, %broadcast_in_dim3A_712 : vector<16xi1>, vector<16xi32>
      %add3A_714 = arith.addi %add3A_701, %select_n3A_713 : vector<16xi32>
      %get3A_715 = arith.index_cast %scan3A_456 : i32 to index
      %get3A_716 = arith.constant 48 : index
      %get3A_717 = tpu.vector_load %arg18[%get3A_715, %get3A_716] {strides = array<i32>} : memref<80x80xi32, #tpu.memory_space<vmem>>, vector<1x16xi32>,
      %get3A_718 = vector.shape_cast %get3A_717 : vector<1x16xi32> to vector<16xi32>
      %eq3A_719 = arith.constant 0 : i32
      %eq3A_720 = vector.broadcast %eq3A_719 : i32 to vector<16xi32>
      %eq3A_721 = arith.cmpi eq, %get3A_718, %eq3A_720 : vector<16xi32>
      %jit3A_722 = arith.constant 16 : i32
      %jit3A_723 = arith.constant 0 : i32
      %broadcast_in_dim3A_724 = vector.broadcast %jit3A_722 : i32 to vector<16xi32>
      %broadcast_in_dim3A_725 = vector.broadcast %jit3A_723 : i32 to vector<16xi32>
      %select_n3A_726 = arith.select %eq3A_721, %broadcast_in_dim3A_724, %broadcast_in_dim3A_725 : vector<16xi1>, vector<16xi32>
      %add3A_727 = arith.addi %add3A_714, %select_n3A_726 : vector<16xi32>
      %swap3A_728 = arith.index_cast %scan3A_456 : i32 to index
      %swap3A_729 = arith.constant 48 : index
      %swap3A_730 = tpu.vector_load %arg19[%swap3A_728, %swap3A_729] {strides = array<i32>} : memref<80x80xi32, #tpu.memory_space<vmem>>, vector<1x16xi32>,
      %swap3A_731 = vector.shape_cast %swap3A_730 : vector<1x16xi32> to vector<16xi32>
      %swap3A_732 = vector.shape_cast %add3A_727 : vector<16xi32> to vector<1x16xi32>
      tpu.vector_store %arg19[%swap3A_728, %swap3A_729], %swap3A_732 {strides = array<i32>} : memref<80x80xi32, #tpu.memory_space<vmem>>, vector<1x16xi32>,
      %get3A_733 = arith.index_cast %scan3A_456 : i32 to index
      %get3A_734 = arith.constant 64 : index
      %get3A_735 = tpu.vector_load %arg14[%get3A_733, %get3A_734] {strides = array<i32>} : memref<80x80xi32, #tpu.memory_space<vmem>>, vector<1x16xi32>,
      %get3A_736 = vector.shape_cast %get3A_735 : vector<1x16xi32> to vector<16xi32>
      %eq3A_737 = arith.constant 0 : i32
      %eq3A_738 = vector.broadcast %eq3A_737 : i32 to vector<16xi32>
      %eq3A_739 = arith.cmpi eq, %get3A_736, %eq3A_738 : vector<16xi32>
      %jit3A_740 = arith.constant 1 : i32
      %jit3A_741 = arith.constant 0 : i32
      %broadcast_in_dim3A_742 = vector.broadcast %jit3A_740 : i32 to vector<16xi32>
      %broadcast_in_dim3A_743 = vector.broadcast %jit3A_741 : i32 to vector<16xi32>
      %select_n3A_744 = arith.select %eq3A_739, %broadcast_in_dim3A_742, %broadcast_in_dim3A_743 : vector<16xi1>, vector<16xi32>
      %get3A_745 = arith.index_cast %scan3A_456 : i32 to index
      %get3A_746 = arith.constant 64 : index
      %get3A_747 = tpu.vector_load %arg15[%get3A_745, %get3A_746] {strides = array<i32>} : memref<80x80xi32, #tpu.memory_space<vmem>>, vector<1x16xi32>,
      %get3A_748 = vector.shape_cast %get3A_747 : vector<1x16xi32> to vector<16xi32>
      %eq3A_749 = arith.constant 0 : i32
      %eq3A_750 = vector.broadcast %eq3A_749 : i32 to vector<16xi32>
      %eq3A_751 = arith.cmpi eq, %get3A_748, %eq3A_750 : vector<16xi32>
      %jit3A_752 = arith.constant 2 : i32
      %jit3A_753 = arith.constant 0 : i32
      %broadcast_in_dim3A_754 = vector.broadcast %jit3A_752 : i32 to vector<16xi32>
      %broadcast_in_dim3A_755 = vector.broadcast %jit3A_753 : i32 to vector<16xi32>
      %select_n3A_756 = arith.select %eq3A_751, %broadcast_in_dim3A_754, %broadcast_in_dim3A_755 : vector<16xi1>, vector<16xi32>
      %add3A_757 = arith.addi %select_n3A_744, %select_n3A_756 : vector<16xi32>
      %get3A_758 = arith.index_cast %scan3A_456 : i32 to index
      %get3A_759 = arith.constant 64 : index
      %get3A_760 = tpu.vector_load %arg16[%get3A_758, %get3A_759] {strides = array<i32>} : memref<80x80xi32, #tpu.memory_space<vmem>>, vector<1x16xi32>,
      %get3A_761 = vector.shape_cast %get3A_760 : vector<1x16xi32> to vector<16xi32>
      %eq3A_762 = arith.constant 0 : i32
      %eq3A_763 = vector.broadcast %eq3A_762 : i32 to vector<16xi32>
      %eq3A_764 = arith.cmpi eq, %get3A_761, %eq3A_763 : vector<16xi32>
      %jit3A_765 = arith.constant 4 : i32
      %jit3A_766 = arith.constant 0 : i32
      %broadcast_in_dim3A_767 = vector.broadcast %jit3A_765 : i32 to vector<16xi32>
      %broadcast_in_dim3A_768 = vector.broadcast %jit3A_766 : i32 to vector<16xi32>
      %select_n3A_769 = arith.select %eq3A_764, %broadcast_in_dim3A_767, %broadcast_in_dim3A_768 : vector<16xi1>, vector<16xi32>
      %add3A_770 = arith.addi %add3A_757, %select_n3A_769 : vector<16xi32>
      %get3A_771 = arith.index_cast %scan3A_456 : i32 to index
      %get3A_772 = arith.constant 64 : index
      %get3A_773 = tpu.vector_load %arg17[%get3A_771, %get3A_772] {strides = array<i32>} : memref<80x80xi32, #tpu.memory_space<vmem>>, vector<1x16xi32>,
      %get3A_774 = vector.shape_cast %get3A_773 : vector<1x16xi32> to vector<16xi32>
      %eq3A_775 = arith.constant 0 : i32
      %eq3A_776 = vector.broadcast %eq3A_775 : i32 to vector<16xi32>
      %eq3A_777 = arith.cmpi eq, %get3A_774, %eq3A_776 : vector<16xi32>
      %jit3A_778 = arith.constant 8 : i32
      %jit3A_779 = arith.constant 0 : i32
      %broadcast_in_dim3A_780 = vector.broadcast %jit3A_778 : i32 to vector<16xi32>
      %broadcast_in_dim3A_781 = vector.broadcast %jit3A_779 : i32 to vector<16xi32>
      %select_n3A_782 = arith.select %eq3A_777, %broadcast_in_dim3A_780, %broadcast_in_dim3A_781 : vector<16xi1>, vector<16xi32>
      %add3A_783 = arith.addi %add3A_770, %select_n3A_782 : vector<16xi32>
      %get3A_784 = arith.index_cast %scan3A_456 : i32 to index
      %get3A_785 = arith.constant 64 : index
      %get3A_786 = tpu.vector_load %arg18[%get3A_784, %get3A_785] {strides = array<i32>} : memref<80x80xi32, #tpu.memory_space<vmem>>, vector<1x16xi32>,
      %get3A_787 = vector.shape_cast %get3A_786 : vector<1x16xi32> to vector<16xi32>
      %eq3A_788 = arith.constant 0 : i32
      %eq3A_789 = vector.broadcast %eq3A_788 : i32 to vector<16xi32>
      %eq3A_790 = arith.cmpi eq, %get3A_787, %eq3A_789 : vector<16xi32>
      %jit3A_791 = arith.constant 16 : i32
      %jit3A_792 = arith.constant 0 : i32
      %broadcast_in_dim3A_793 = vector.broadcast %jit3A_791 : i32 to vector<16xi32>
      %broadcast_in_dim3A_794 = vector.broadcast %jit3A_792 : i32 to vector<16xi32>
      %select_n3A_795 = arith.select %eq3A_790, %broadcast_in_dim3A_793, %broadcast_in_dim3A_794 : vector<16xi1>, vector<16xi32>
      %add3A_796 = arith.addi %add3A_783, %select_n3A_795 : vector<16xi32>
      %swap3A_797 = arith.index_cast %scan3A_456 : i32 to index
      %swap3A_798 = arith.constant 64 : index
      %swap3A_799 = tpu.vector_load %arg19[%swap3A_797, %swap3A_798] {strides = array<i32>} : memref<80x80xi32, #tpu.memory_space<vmem>>, vector<1x16xi32>,
      %swap3A_800 = vector.shape_cast %swap3A_799 : vector<1x16xi32> to vector<16xi32>
      %swap3A_801 = vector.shape_cast %add3A_796 : vector<16xi32> to vector<1x16xi32>
      tpu.vector_store %arg19[%swap3A_797, %swap3A_798], %swap3A_801 {strides = array<i32>} : memref<80x80xi32, #tpu.memory_space<vmem>>, vector<1x16xi32>,
      %scan3A_802 = arith.constant 0 : i32
      scf.yield %scan3A_802 : i32
    }
    %scan3A_10 = arith.constant 80 : i32
    %dma_start3A = arith.constant 0 : i32
    %dma_start3A_11 = arith.constant 0 : i32
    %dma_start3A_12 = arith.constant 0 : i32
    %dma_start3A_13 = tpu.memref_slice %arg20[%dma_start3A_11, %dma_start3A_12] : memref<80x64xf32, #tpu.memory_space<vmem>> -> memref<40x64xf32, #tpu.memory_space<vmem>>
    %dma_start3A_14 = arith.constant 0 : i32
    %dma_start3A_15 = tpu.memref_slice %arg14[%dma_start3A, %dma_start3A_14] : memref<80x80xi32, #tpu.memory_space<vmem>> -> memref<1x40xi32, #tpu.memory_space<vmem>>
    %dma_start3A_16 = tpu.memref_squeeze %dma_start3A_15 : memref<1x40xi32, #tpu.memory_space<vmem>> -> memref<40xi32, #tpu.memory_space<vmem>>
    %dma_start3A_17 = arith.constant 0 : i32
    %dma_start3A_18 = arith.constant 0 : i32
    %dma_start3A_19 = tpu.memref_slice %arg7[%dma_start3A_17, %dma_start3A_18] : memref<100000x64xf32, #tpu.memory_space<hbm>> -> memref<100000x64xf32, #tpu.memory_space<hbm>>
    tpu.enqueue_indirect_dma source(%dma_start3A_19 : memref<100000x64xf32, #tpu.memory_space<hbm>>) target(%dma_start3A_13 : memref<40x64xf32, #tpu.memory_space<vmem>>) offsets(%dma_start3A_16 : memref<40xi32, #tpu.memory_space<vmem>>) semaphore(%arg34 : memref<!tpu.dma_semaphore, #tpu.memory_space<semaphore_mem>>)
    %dma_start3A_20 = arith.constant 0 : i32
    %dma_start3A_21 = arith.constant 40 : i32
    %dma_start3A_22 = arith.constant 0 : i32
    %dma_start3A_23 = tpu.memref_slice %arg20[%dma_start3A_21, %dma_start3A_22] : memref<80x64xf32, #tpu.memory_space<vmem>> -> memref<40x64xf32, #tpu.memory_space<vmem>>
    %dma_start3A_24 = arith.constant 40 : i32
    %dma_start3A_25 = tpu.memref_slice %arg14[%dma_start3A_20, %dma_start3A_24] : memref<80x80xi32, #tpu.memory_space<vmem>> -> memref<1x40xi32, #tpu.memory_space<vmem>>
    %dma_start3A_26 = tpu.memref_squeeze %dma_start3A_25 : memref<1x40xi32, #tpu.memory_space<vmem>> -> memref<40xi32, #tpu.memory_space<vmem>>
    %dma_start3A_27 = arith.constant 0 : i32
    %dma_start3A_28 = arith.constant 0 : i32
    %dma_start3A_29 = tpu.memref_slice %arg7[%dma_start3A_27, %dma_start3A_28] : memref<100000x64xf32, #tpu.memory_space<hbm>> -> memref<100000x64xf32, #tpu.memory_space<hbm>>
    tpu.enqueue_indirect_dma source(%dma_start3A_29 : memref<100000x64xf32, #tpu.memory_space<hbm>>) target(%dma_start3A_23 : memref<40x64xf32, #tpu.memory_space<vmem>>) offsets(%dma_start3A_26 : memref<40xi32, #tpu.memory_space<vmem>>) semaphore(%arg34 : memref<!tpu.dma_semaphore, #tpu.memory_space<semaphore_mem>>)
    %dma_start3A_30 = arith.constant 0 : i32
    %dma_start3A_31 = arith.constant 0 : i32
    %dma_start3A_32 = arith.constant 0 : i32
    %dma_start3A_33 = tpu.memref_slice %arg21[%dma_start3A_31, %dma_start3A_32] : memref<80x64xf32, #tpu.memory_space<vmem>> -> memref<40x64xf32, #tpu.memory_space<vmem>>
    %dma_start3A_34 = arith.constant 0 : i32
    %dma_start3A_35 = tpu.memref_slice %arg15[%dma_start3A_30, %dma_start3A_34] : memref<80x80xi32, #tpu.memory_space<vmem>> -> memref<1x40xi32, #tpu.memory_space<vmem>>
    %dma_start3A_36 = tpu.memref_squeeze %dma_start3A_35 : memref<1x40xi32, #tpu.memory_space<vmem>> -> memref<40xi32, #tpu.memory_space<vmem>>
    %dma_start3A_37 = arith.constant 0 : i32
    %dma_start3A_38 = arith.constant 0 : i32
    %dma_start3A_39 = tpu.memref_slice %arg8[%dma_start3A_37, %dma_start3A_38] : memref<1000000x64xf32, #tpu.memory_space<hbm>> -> memref<1000000x64xf32, #tpu.memory_space<hbm>>
    tpu.enqueue_indirect_dma source(%dma_start3A_39 : memref<1000000x64xf32, #tpu.memory_space<hbm>>) target(%dma_start3A_33 : memref<40x64xf32, #tpu.memory_space<vmem>>) offsets(%dma_start3A_36 : memref<40xi32, #tpu.memory_space<vmem>>) semaphore(%arg36 : memref<!tpu.dma_semaphore, #tpu.memory_space<semaphore_mem>>)
    %dma_start3A_40 = arith.constant 0 : i32
    %dma_start3A_41 = arith.constant 40 : i32
    %dma_start3A_42 = arith.constant 0 : i32
    %dma_start3A_43 = tpu.memref_slice %arg21[%dma_start3A_41, %dma_start3A_42] : memref<80x64xf32, #tpu.memory_space<vmem>> -> memref<40x64xf32, #tpu.memory_space<vmem>>
    %dma_start3A_44 = arith.constant 40 : i32
    %dma_start3A_45 = tpu.memref_slice %arg15[%dma_start3A_40, %dma_start3A_44] : memref<80x80xi32, #tpu.memory_space<vmem>> -> memref<1x40xi32, #tpu.memory_space<vmem>>
    %dma_start3A_46 = tpu.memref_squeeze %dma_start3A_45 : memref<1x40xi32, #tpu.memory_space<vmem>> -> memref<40xi32, #tpu.memory_space<vmem>>
    %dma_start3A_47 = arith.constant 0 : i32
    %dma_start3A_48 = arith.constant 0 : i32
    %dma_start3A_49 = tpu.memref_slice %arg8[%dma_start3A_47, %dma_start3A_48] : memref<1000000x64xf32, #tpu.memory_space<hbm>> -> memref<1000000x64xf32, #tpu.memory_space<hbm>>
    tpu.enqueue_indirect_dma source(%dma_start3A_49 : memref<1000000x64xf32, #tpu.memory_space<hbm>>) target(%dma_start3A_43 : memref<40x64xf32, #tpu.memory_space<vmem>>) offsets(%dma_start3A_46 : memref<40xi32, #tpu.memory_space<vmem>>) semaphore(%arg36 : memref<!tpu.dma_semaphore, #tpu.memory_space<semaphore_mem>>)
    %dma_start3A_50 = arith.constant 1 : i32
    %dma_start3A_51 = arith.constant 0 : i32
    %dma_start3A_52 = arith.constant 0 : i32
    %dma_start3A_53 = tpu.memref_slice %arg26[%dma_start3A_51, %dma_start3A_52] : memref<80x64xf32, #tpu.memory_space<vmem>> -> memref<40x64xf32, #tpu.memory_space<vmem>>
    %dma_start3A_54 = arith.constant 0 : i32
    %dma_start3A_55 = tpu.memref_slice %arg14[%dma_start3A_50, %dma_start3A_54] : memref<80x80xi32, #tpu.memory_space<vmem>> -> memref<1x40xi32, #tpu.memory_space<vmem>>
    %dma_start3A_56 = tpu.memref_squeeze %dma_start3A_55 : memref<1x40xi32, #tpu.memory_space<vmem>> -> memref<40xi32, #tpu.memory_space<vmem>>
    %dma_start3A_57 = arith.constant 0 : i32
    %dma_start3A_58 = arith.constant 0 : i32
    %dma_start3A_59 = tpu.memref_slice %arg7[%dma_start3A_57, %dma_start3A_58] : memref<100000x64xf32, #tpu.memory_space<hbm>> -> memref<100000x64xf32, #tpu.memory_space<hbm>>
    tpu.enqueue_indirect_dma source(%dma_start3A_59 : memref<100000x64xf32, #tpu.memory_space<hbm>>) target(%dma_start3A_53 : memref<40x64xf32, #tpu.memory_space<vmem>>) offsets(%dma_start3A_56 : memref<40xi32, #tpu.memory_space<vmem>>) semaphore(%arg35 : memref<!tpu.dma_semaphore, #tpu.memory_space<semaphore_mem>>)
    %dma_start3A_60 = arith.constant 1 : i32
    %dma_start3A_61 = arith.constant 40 : i32
    %dma_start3A_62 = arith.constant 0 : i32
    %dma_start3A_63 = tpu.memref_slice %arg26[%dma_start3A_61, %dma_start3A_62] : memref<80x64xf32, #tpu.memory_space<vmem>> -> memref<40x64xf32, #tpu.memory_space<vmem>>
    %dma_start3A_64 = arith.constant 40 : i32
    %dma_start3A_65 = tpu.memref_slice %arg14[%dma_start3A_60, %dma_start3A_64] : memref<80x80xi32, #tpu.memory_space<vmem>> -> memref<1x40xi32, #tpu.memory_space<vmem>>
    %dma_start3A_66 = tpu.memref_squeeze %dma_start3A_65 : memref<1x40xi32, #tpu.memory_space<vmem>> -> memref<40xi32, #tpu.memory_space<vmem>>
    %dma_start3A_67 = arith.constant 0 : i32
    %dma_start3A_68 = arith.constant 0 : i32
    %dma_start3A_69 = tpu.memref_slice %arg7[%dma_start3A_67, %dma_start3A_68] : memref<100000x64xf32, #tpu.memory_space<hbm>> -> memref<100000x64xf32, #tpu.memory_space<hbm>>
    tpu.enqueue_indirect_dma source(%dma_start3A_69 : memref<100000x64xf32, #tpu.memory_space<hbm>>) target(%dma_start3A_63 : memref<40x64xf32, #tpu.memory_space<vmem>>) offsets(%dma_start3A_66 : memref<40xi32, #tpu.memory_space<vmem>>) semaphore(%arg35 : memref<!tpu.dma_semaphore, #tpu.memory_space<semaphore_mem>>)
    %dma_start3A_70 = arith.constant 1 : i32
    %dma_start3A_71 = arith.constant 0 : i32
    %dma_start3A_72 = arith.constant 0 : i32
    %dma_start3A_73 = tpu.memref_slice %arg27[%dma_start3A_71, %dma_start3A_72] : memref<80x64xf32, #tpu.memory_space<vmem>> -> memref<40x64xf32, #tpu.memory_space<vmem>>
    %dma_start3A_74 = arith.constant 0 : i32
    %dma_start3A_75 = tpu.memref_slice %arg15[%dma_start3A_70, %dma_start3A_74] : memref<80x80xi32, #tpu.memory_space<vmem>> -> memref<1x40xi32, #tpu.memory_space<vmem>>
    %dma_start3A_76 = tpu.memref_squeeze %dma_start3A_75 : memref<1x40xi32, #tpu.memory_space<vmem>> -> memref<40xi32, #tpu.memory_space<vmem>>
    %dma_start3A_77 = arith.constant 0 : i32
    %dma_start3A_78 = arith.constant 0 : i32
    %dma_start3A_79 = tpu.memref_slice %arg8[%dma_start3A_77, %dma_start3A_78] : memref<1000000x64xf32, #tpu.memory_space<hbm>> -> memref<1000000x64xf32, #tpu.memory_space<hbm>>
    tpu.enqueue_indirect_dma source(%dma_start3A_79 : memref<1000000x64xf32, #tpu.memory_space<hbm>>) target(%dma_start3A_73 : memref<40x64xf32, #tpu.memory_space<vmem>>) offsets(%dma_start3A_76 : memref<40xi32, #tpu.memory_space<vmem>>) semaphore(%arg37 : memref<!tpu.dma_semaphore, #tpu.memory_space<semaphore_mem>>)
    %dma_start3A_80 = arith.constant 1 : i32
    %dma_start3A_81 = arith.constant 40 : i32
    %dma_start3A_82 = arith.constant 0 : i32
    %dma_start3A_83 = tpu.memref_slice %arg27[%dma_start3A_81, %dma_start3A_82] : memref<80x64xf32, #tpu.memory_space<vmem>> -> memref<40x64xf32, #tpu.memory_space<vmem>>
    %dma_start3A_84 = arith.constant 40 : i32
    %dma_start3A_85 = tpu.memref_slice %arg15[%dma_start3A_80, %dma_start3A_84] : memref<80x80xi32, #tpu.memory_space<vmem>> -> memref<1x40xi32, #tpu.memory_space<vmem>>
    %dma_start3A_86 = tpu.memref_squeeze %dma_start3A_85 : memref<1x40xi32, #tpu.memory_space<vmem>> -> memref<40xi32, #tpu.memory_space<vmem>>
    %dma_start3A_87 = arith.constant 0 : i32
    %dma_start3A_88 = arith.constant 0 : i32
    %dma_start3A_89 = tpu.memref_slice %arg8[%dma_start3A_87, %dma_start3A_88] : memref<1000000x64xf32, #tpu.memory_space<hbm>> -> memref<1000000x64xf32, #tpu.memory_space<hbm>>
    tpu.enqueue_indirect_dma source(%dma_start3A_89 : memref<1000000x64xf32, #tpu.memory_space<hbm>>) target(%dma_start3A_83 : memref<40x64xf32, #tpu.memory_space<vmem>>) offsets(%dma_start3A_86 : memref<40xi32, #tpu.memory_space<vmem>>) semaphore(%arg37 : memref<!tpu.dma_semaphore, #tpu.memory_space<semaphore_mem>>)
    %scan3A_90 = arith.constant 0 : i32
    %scan3A_91 = arith.constant 0 : i32
    %scan3A_92 = arith.constant 40 : i32
    %scan3A_93 = arith.addi %scan3A_91, %scan3A_92 : i32
    %scan3A_94 = arith.constant 1 : i32
    %scan3A_95 = scf.for %scan3A_112 = %scan3A_91 to %scan3A_93 step %scan3A_94 iter_args(%scan3A_113 = %scan3A_90) -> (i32)  : i32 {
      %mul3A_114 = arith.constant 2 : i32
      %mul3A_115 = arith.muli %scan3A_112, %mul3A_114 : i32
      %add3A_116 = arith.constant 0 : i32
      %add3A_117 = arith.addi %mul3A_115, %add3A_116 : i32
      %dma_start3A_118 = arith.constant 0 : i32
      %dma_start3A_119 = tpu.memref_slice %arg16[%add3A_117, %dma_start3A_118] : memref<80x80xi32, #tpu.memory_space<vmem>> -> memref<1x80xi32, #tpu.memory_space<vmem>>
      %dma_start3A_120 = tpu.memref_squeeze %dma_start3A_119 : memref<1x80xi32, #tpu.memory_space<vmem>> -> memref<80xi32, #tpu.memory_space<vmem>>
      %dma_start3A_121 = arith.constant 0 : i32
      %dma_start3A_122 = arith.constant 0 : i32
      %dma_start3A_123 = tpu.memref_slice %arg48[%dma_start3A_121, %dma_start3A_122] : memref<1000x64xf32, #tpu.memory_space<vmem_shared>> -> memref<1000x64xf32, #tpu.memory_space<vmem_shared>>
      tpu.enqueue_indirect_dma source(%dma_start3A_123 : memref<1000x64xf32, #tpu.memory_space<vmem_shared>>) target(%arg22 : memref<80x64xf32, #tpu.memory_space<vmem>>) offsets(%dma_start3A_120 : memref<80xi32, #tpu.memory_space<vmem>>) semaphore(%arg38 : memref<!tpu.dma_semaphore, #tpu.memory_space<semaphore_mem>>)
      %dma_start3A_124 = arith.constant 0 : i32
      %dma_start3A_125 = tpu.memref_slice %arg17[%add3A_117, %dma_start3A_124] : memref<80x80xi32, #tpu.memory_space<vmem>> -> memref<1x80xi32, #tpu.memory_space<vmem>>
      %dma_start3A_126 = tpu.memref_squeeze %dma_start3A_125 : memref<1x80xi32, #tpu.memory_space<vmem>> -> memref<80xi32, #tpu.memory_space<vmem>>
      %dma_start3A_127 = arith.constant 0 : i32
      %dma_start3A_128 = arith.constant 0 : i32
      %dma_start3A_129 = tpu.memref_slice %arg49[%dma_start3A_127, %dma_start3A_128] : memref<1000x64xf32, #tpu.memory_space<vmem_shared>> -> memref<1000x64xf32, #tpu.memory_space<vmem_shared>>
      tpu.enqueue_indirect_dma source(%dma_start3A_129 : memref<1000x64xf32, #tpu.memory_space<vmem_shared>>) target(%arg23 : memref<80x64xf32, #tpu.memory_space<vmem>>) offsets(%dma_start3A_126 : memref<80xi32, #tpu.memory_space<vmem>>) semaphore(%arg38 : memref<!tpu.dma_semaphore, #tpu.memory_space<semaphore_mem>>)
      %dma_start3A_130 = arith.constant 0 : i32
      %dma_start3A_131 = tpu.memref_slice %arg18[%add3A_117, %dma_start3A_130] : memref<80x80xi32, #tpu.memory_space<vmem>> -> memref<1x80xi32, #tpu.memory_space<vmem>>
      %dma_start3A_132 = tpu.memref_squeeze %dma_start3A_131 : memref<1x80xi32, #tpu.memory_space<vmem>> -> memref<80xi32, #tpu.memory_space<vmem>>
      %dma_start3A_133 = arith.constant 0 : i32
      %dma_start3A_134 = arith.constant 0 : i32
      %dma_start3A_135 = tpu.memref_slice %arg50[%dma_start3A_133, %dma_start3A_134] : memref<1000x64xf32, #tpu.memory_space<vmem_shared>> -> memref<1000x64xf32, #tpu.memory_space<vmem_shared>>
      tpu.enqueue_indirect_dma source(%dma_start3A_135 : memref<1000x64xf32, #tpu.memory_space<vmem_shared>>) target(%arg24 : memref<80x64xf32, #tpu.memory_space<vmem>>) offsets(%dma_start3A_132 : memref<80xi32, #tpu.memory_space<vmem>>) semaphore(%arg38 : memref<!tpu.dma_semaphore, #tpu.memory_space<semaphore_mem>>)
      %dma_start3A_136 = arith.constant 0 : i32
      %dma_start3A_137 = tpu.memref_slice %arg19[%add3A_117, %dma_start3A_136] : memref<80x80xi32, #tpu.memory_space<vmem>> -> memref<1x80xi32, #tpu.memory_space<vmem>>
      %dma_start3A_138 = tpu.memref_squeeze %dma_start3A_137 : memref<1x80xi32, #tpu.memory_space<vmem>> -> memref<80xi32, #tpu.memory_space<vmem>>
      %dma_start3A_139 = arith.constant 0 : i32
      %dma_start3A_140 = arith.constant 0 : i32
      %dma_start3A_141 = tpu.memref_slice %arg51[%dma_start3A_139, %dma_start3A_140] : memref<32x64xf32, #tpu.memory_space<vmem_shared>> -> memref<32x64xf32, #tpu.memory_space<vmem_shared>>
      tpu.enqueue_indirect_dma source(%dma_start3A_141 : memref<32x64xf32, #tpu.memory_space<vmem_shared>>) target(%arg25 : memref<80x64xf32, #tpu.memory_space<vmem>>) offsets(%dma_start3A_138 : memref<80xi32, #tpu.memory_space<vmem>>) semaphore(%arg38 : memref<!tpu.dma_semaphore, #tpu.memory_space<semaphore_mem>>)
      %dma_wait3A_142 = arith.constant 0 : i32
      %dma_wait3A_143 = arith.constant 0 : i32
      %dma_wait3A_144 = tpu.memref_slice %arg20[%dma_wait3A_142, %dma_wait3A_143] : memref<80x64xf32, #tpu.memory_space<vmem>> -> memref<40x64xf32, #tpu.memory_space<vmem>>
      %dma_wait3A_145 = arith.constant 0 : i32
      %dma_wait3A_146 = tpu.memref_slice %arg14[%add3A_117, %dma_wait3A_145] : memref<80x80xi32, #tpu.memory_space<vmem>> -> memref<1x40xi32, #tpu.memory_space<vmem>>
      %dma_wait3A_147 = tpu.memref_squeeze %dma_wait3A_146 : memref<1x40xi32, #tpu.memory_space<vmem>> -> memref<40xi32, #tpu.memory_space<vmem>>
      %dma_wait3A_148 = arith.constant 0 : i32
      %dma_wait3A_149 = arith.constant 0 : i32
      %dma_wait3A_150 = tpu.memref_slice %arg7[%dma_wait3A_148, %dma_wait3A_149] : memref<100000x64xf32, #tpu.memory_space<hbm>> -> memref<100000x64xf32, #tpu.memory_space<hbm>>
      tpu.wait_indirect_dma semaphore(%arg34 : memref<!tpu.dma_semaphore, #tpu.memory_space<semaphore_mem>>) src(%dma_wait3A_150 : memref<100000x64xf32, #tpu.memory_space<hbm>>) dst(%dma_wait3A_144 : memref<40x64xf32, #tpu.memory_space<vmem>>)
      %dma_wait3A_151 = arith.constant 40 : i32
      %dma_wait3A_152 = arith.constant 0 : i32
      %dma_wait3A_153 = tpu.memref_slice %arg20[%dma_wait3A_151, %dma_wait3A_152] : memref<80x64xf32, #tpu.memory_space<vmem>> -> memref<40x64xf32, #tpu.memory_space<vmem>>
      %dma_wait3A_154 = arith.constant 40 : i32
      %dma_wait3A_155 = tpu.memref_slice %arg14[%add3A_117, %dma_wait3A_154] : memref<80x80xi32, #tpu.memory_space<vmem>> -> memref<1x40xi32, #tpu.memory_space<vmem>>
      %dma_wait3A_156 = tpu.memref_squeeze %dma_wait3A_155 : memref<1x40xi32, #tpu.memory_space<vmem>> -> memref<40xi32, #tpu.memory_space<vmem>>
      %dma_wait3A_157 = arith.constant 0 : i32
      %dma_wait3A_158 = arith.constant 0 : i32
      %dma_wait3A_159 = tpu.memref_slice %arg7[%dma_wait3A_157, %dma_wait3A_158] : memref<100000x64xf32, #tpu.memory_space<hbm>> -> memref<100000x64xf32, #tpu.memory_space<hbm>>
      tpu.wait_indirect_dma semaphore(%arg34 : memref<!tpu.dma_semaphore, #tpu.memory_space<semaphore_mem>>) src(%dma_wait3A_159 : memref<100000x64xf32, #tpu.memory_space<hbm>>) dst(%dma_wait3A_153 : memref<40x64xf32, #tpu.memory_space<vmem>>)
      %dma_wait3A_160 = arith.constant 0 : i32
      %dma_wait3A_161 = arith.constant 0 : i32
      %dma_wait3A_162 = tpu.memref_slice %arg21[%dma_wait3A_160, %dma_wait3A_161] : memref<80x64xf32, #tpu.memory_space<vmem>> -> memref<40x64xf32, #tpu.memory_space<vmem>>
      %dma_wait3A_163 = arith.constant 0 : i32
      %dma_wait3A_164 = tpu.memref_slice %arg15[%add3A_117, %dma_wait3A_163] : memref<80x80xi32, #tpu.memory_space<vmem>> -> memref<1x40xi32, #tpu.memory_space<vmem>>
      %dma_wait3A_165 = tpu.memref_squeeze %dma_wait3A_164 : memref<1x40xi32, #tpu.memory_space<vmem>> -> memref<40xi32, #tpu.memory_space<vmem>>
      %dma_wait3A_166 = arith.constant 0 : i32
      %dma_wait3A_167 = arith.constant 0 : i32
      %dma_wait3A_168 = tpu.memref_slice %arg8[%dma_wait3A_166, %dma_wait3A_167] : memref<1000000x64xf32, #tpu.memory_space<hbm>> -> memref<1000000x64xf32, #tpu.memory_space<hbm>>
      tpu.wait_indirect_dma semaphore(%arg36 : memref<!tpu.dma_semaphore, #tpu.memory_space<semaphore_mem>>) src(%dma_wait3A_168 : memref<1000000x64xf32, #tpu.memory_space<hbm>>) dst(%dma_wait3A_162 : memref<40x64xf32, #tpu.memory_space<vmem>>)
      %dma_wait3A_169 = arith.constant 40 : i32
      %dma_wait3A_170 = arith.constant 0 : i32
      %dma_wait3A_171 = tpu.memref_slice %arg21[%dma_wait3A_169, %dma_wait3A_170] : memref<80x64xf32, #tpu.memory_space<vmem>> -> memref<40x64xf32, #tpu.memory_space<vmem>>
      %dma_wait3A_172 = arith.constant 40 : i32
      %dma_wait3A_173 = tpu.memref_slice %arg15[%add3A_117, %dma_wait3A_172] : memref<80x80xi32, #tpu.memory_space<vmem>> -> memref<1x40xi32, #tpu.memory_space<vmem>>
      %dma_wait3A_174 = tpu.memref_squeeze %dma_wait3A_173 : memref<1x40xi32, #tpu.memory_space<vmem>> -> memref<40xi32, #tpu.memory_space<vmem>>
      %dma_wait3A_175 = arith.constant 0 : i32
      %dma_wait3A_176 = arith.constant 0 : i32
      %dma_wait3A_177 = tpu.memref_slice %arg8[%dma_wait3A_175, %dma_wait3A_176] : memref<1000000x64xf32, #tpu.memory_space<hbm>> -> memref<1000000x64xf32, #tpu.memory_space<hbm>>
      tpu.wait_indirect_dma semaphore(%arg36 : memref<!tpu.dma_semaphore, #tpu.memory_space<semaphore_mem>>) src(%dma_wait3A_177 : memref<1000000x64xf32, #tpu.memory_space<hbm>>) dst(%dma_wait3A_171 : memref<40x64xf32, #tpu.memory_space<vmem>>)
      %dma_wait3A_178 = arith.constant 0 : i32
      %dma_wait3A_179 = tpu.memref_slice %arg16[%add3A_117, %dma_wait3A_178] : memref<80x80xi32, #tpu.memory_space<vmem>> -> memref<1x80xi32, #tpu.memory_space<vmem>>
      %dma_wait3A_180 = tpu.memref_squeeze %dma_wait3A_179 : memref<1x80xi32, #tpu.memory_space<vmem>> -> memref<80xi32, #tpu.memory_space<vmem>>
      %dma_wait3A_181 = arith.constant 0 : i32
      %dma_wait3A_182 = arith.constant 0 : i32
      %dma_wait3A_183 = tpu.memref_slice %arg48[%dma_wait3A_181, %dma_wait3A_182] : memref<1000x64xf32, #tpu.memory_space<vmem_shared>> -> memref<1000x64xf32, #tpu.memory_space<vmem_shared>>
      tpu.wait_indirect_dma semaphore(%arg38 : memref<!tpu.dma_semaphore, #tpu.memory_space<semaphore_mem>>) src(%dma_wait3A_183 : memref<1000x64xf32, #tpu.memory_space<vmem_shared>>) dst(%arg22 : memref<80x64xf32, #tpu.memory_space<vmem>>)
      %dma_wait3A_184 = arith.constant 0 : i32
      %dma_wait3A_185 = tpu.memref_slice %arg17[%add3A_117, %dma_wait3A_184] : memref<80x80xi32, #tpu.memory_space<vmem>> -> memref<1x80xi32, #tpu.memory_space<vmem>>
      %dma_wait3A_186 = tpu.memref_squeeze %dma_wait3A_185 : memref<1x80xi32, #tpu.memory_space<vmem>> -> memref<80xi32, #tpu.memory_space<vmem>>
      %dma_wait3A_187 = arith.constant 0 : i32
      %dma_wait3A_188 = arith.constant 0 : i32
      %dma_wait3A_189 = tpu.memref_slice %arg49[%dma_wait3A_187, %dma_wait3A_188] : memref<1000x64xf32, #tpu.memory_space<vmem_shared>> -> memref<1000x64xf32, #tpu.memory_space<vmem_shared>>
      tpu.wait_indirect_dma semaphore(%arg38 : memref<!tpu.dma_semaphore, #tpu.memory_space<semaphore_mem>>) src(%dma_wait3A_189 : memref<1000x64xf32, #tpu.memory_space<vmem_shared>>) dst(%arg23 : memref<80x64xf32, #tpu.memory_space<vmem>>)
      %dma_wait3A_190 = arith.constant 0 : i32
      %dma_wait3A_191 = tpu.memref_slice %arg18[%add3A_117, %dma_wait3A_190] : memref<80x80xi32, #tpu.memory_space<vmem>> -> memref<1x80xi32, #tpu.memory_space<vmem>>
      %dma_wait3A_192 = tpu.memref_squeeze %dma_wait3A_191 : memref<1x80xi32, #tpu.memory_space<vmem>> -> memref<80xi32, #tpu.memory_space<vmem>>
      %dma_wait3A_193 = arith.constant 0 : i32
      %dma_wait3A_194 = arith.constant 0 : i32
      %dma_wait3A_195 = tpu.memref_slice %arg50[%dma_wait3A_193, %dma_wait3A_194] : memref<1000x64xf32, #tpu.memory_space<vmem_shared>> -> memref<1000x64xf32, #tpu.memory_space<vmem_shared>>
      tpu.wait_indirect_dma semaphore(%arg38 : memref<!tpu.dma_semaphore, #tpu.memory_space<semaphore_mem>>) src(%dma_wait3A_195 : memref<1000x64xf32, #tpu.memory_space<vmem_shared>>) dst(%arg24 : memref<80x64xf32, #tpu.memory_space<vmem>>)
      %dma_wait3A_196 = arith.constant 0 : i32
      %dma_wait3A_197 = tpu.memref_slice %arg19[%add3A_117, %dma_wait3A_196] : memref<80x80xi32, #tpu.memory_space<vmem>> -> memref<1x80xi32, #tpu.memory_space<vmem>>
      %dma_wait3A_198 = tpu.memref_squeeze %dma_wait3A_197 : memref<1x80xi32, #tpu.memory_space<vmem>> -> memref<80xi32, #tpu.memory_space<vmem>>
      %dma_wait3A_199 = arith.constant 0 : i32
      %dma_wait3A_200 = arith.constant 0 : i32
      %dma_wait3A_201 = tpu.memref_slice %arg51[%dma_wait3A_199, %dma_wait3A_200] : memref<32x64xf32, #tpu.memory_space<vmem_shared>> -> memref<32x64xf32, #tpu.memory_space<vmem_shared>>
      tpu.wait_indirect_dma semaphore(%arg38 : memref<!tpu.dma_semaphore, #tpu.memory_space<semaphore_mem>>) src(%dma_wait3A_201 : memref<32x64xf32, #tpu.memory_space<vmem_shared>>) dst(%arg25 : memref<80x64xf32, #tpu.memory_space<vmem>>)
      %ge3A = arith.constant 1 : i32
      %ge3A_202 = arith.cmpi sge, %scan3A_112, %ge3A : i32
      %convert_element_type3A_203 = arith.extui %ge3A_202 : i1 to i32
      %cond3A_204 = arith.constant 0 : i32
      %cond3A_205 = arith.cmpi ne, %convert_element_type3A_203, %cond3A_204 : i32
      scf.if %cond3A_205 {
        %sub3A = arith.constant 2 : i32
        %sub3A_337 = arith.subi %add3A_117, %sub3A : i32
        %mul3A_338 = arith.constant 80 : i32
        %mul3A_339 = arith.muli %sub3A_337, %mul3A_338 : i32
        %add3A_340 = arith.addi %mul3A_2, %mul3A_339 : i32
        %dma_wait3A_341 = arith.constant 0 : i32
        %dma_wait3A_342 = tpu.memref_slice %arg13[%add3A_340, %dma_wait3A_341] : memref<204800x64xf32, #tpu.memory_space<hbm>> -> memref<80x64xf32, #tpu.memory_space<hbm>>
        %dma_wait3A_343 = arith.constant 0 : i32
        %dma_wait3A_344 = tpu.memref_slice %arg13[%add3A_340, %dma_wait3A_343] : memref<204800x64xf32, #tpu.memory_space<hbm>> -> memref<80x64xf32, #tpu.memory_space<hbm>>
        tpu.wait_dma2 semaphore(%arg46 : memref<!tpu.dma_semaphore, #tpu.memory_space<semaphore_mem>>) src(%arg32 : memref<80x64xf32, #tpu.memory_space<vmem>>) dst(%dma_wait3A_344 : memref<80x64xf32, #tpu.memory_space<hbm>>)
      } else {
      }
      %scan3A_206 = arith.constant 0 : i32
      %scan3A_207 = arith.constant 0 : i32
      %scan3A_208 = arith.constant 80 : i32
      %scan3A_209 = arith.addi %scan3A_207, %scan3A_208 : i32
      %scan3A_210 = arith.constant 2 : i32
      %scan3A_211 = scf.for %scan3A_337 = %scan3A_207 to %scan3A_209 step %scan3A_210 iter_args(%scan3A_338 = %scan3A_206) -> (i32)  : i32 {
        %get3A = arith.index_cast %scan3A_337 : i32 to index
        %get3A_339 = arith.constant 0 : index
        %get3A_340 = tpu.vector_load %arg20[%get3A, %get3A_339] {strides = array<i32>} : memref<80x64xf32, #tpu.memory_space<vmem>>, vector<1x16xf32>,
        %get3A_341 = vector.shape_cast %get3A_340 : vector<1x16xf32> to vector<16xf32>
        %get3A_342 = arith.index_cast %scan3A_337 : i32 to index
        %get3A_343 = arith.constant 0 : index
        %get3A_344 = tpu.vector_load %arg21[%get3A_342, %get3A_343] {strides = array<i32>} : memref<80x64xf32, #tpu.memory_space<vmem>>, vector<1x16xf32>,
        %get3A_345 = vector.shape_cast %get3A_344 : vector<1x16xf32> to vector<16xf32>
        %add3A_346 = arith.addf %get3A_341, %get3A_345 : vector<16xf32>
        %get3A_347 = arith.index_cast %scan3A_337 : i32 to index
        %get3A_348 = arith.constant 0 : index
        %get3A_349 = tpu.vector_load %arg22[%get3A_347, %get3A_348] {strides = array<i32>} : memref<80x64xf32, #tpu.memory_space<vmem>>, vector<1x16xf32>,
        %get3A_350 = vector.shape_cast %get3A_349 : vector<1x16xf32> to vector<16xf32>
        %get3A_351 = arith.index_cast %scan3A_337 : i32 to index
        %get3A_352 = arith.constant 0 : index
        %get3A_353 = tpu.vector_load %arg23[%get3A_351, %get3A_352] {strides = array<i32>} : memref<80x64xf32, #tpu.memory_space<vmem>>, vector<1x16xf32>,
        %get3A_354 = vector.shape_cast %get3A_353 : vector<1x16xf32> to vector<16xf32>
        %add3A_355 = arith.addf %get3A_350, %get3A_354 : vector<16xf32>
        %add3A_356 = arith.addf %add3A_346, %add3A_355 : vector<16xf32>
        %get3A_357 = arith.index_cast %scan3A_337 : i32 to index
        %get3A_358 = arith.constant 0 : index
        %get3A_359 = tpu.vector_load %arg24[%get3A_357, %get3A_358] {strides = array<i32>} : memref<80x64xf32, #tpu.memory_space<vmem>>, vector<1x16xf32>,
        %get3A_360 = vector.shape_cast %get3A_359 : vector<1x16xf32> to vector<16xf32>
        %get3A_361 = arith.index_cast %scan3A_337 : i32 to index
        %get3A_362 = arith.constant 0 : index
        %get3A_363 = tpu.vector_load %arg25[%get3A_361, %get3A_362] {strides = array<i32>} : memref<80x64xf32, #tpu.memory_space<vmem>>, vector<1x16xf32>,
        %get3A_364 = vector.shape_cast %get3A_363 : vector<1x16xf32> to vector<16xf32>
        %add3A_365 = arith.addf %get3A_360, %get3A_364 : vector<16xf32>
        %add3A_366 = arith.addf %add3A_356, %add3A_365 : vector<16xf32>
        %swap3A = arith.index_cast %scan3A_337 : i32 to index
        %swap3A_367 = arith.constant 0 : index
        %swap3A_368 = tpu.vector_load %arg32[%swap3A, %swap3A_367] {strides = array<i32>} : memref<80x64xf32, #tpu.memory_space<vmem>>, vector<1x16xf32>,
        %swap3A_369 = vector.shape_cast %swap3A_368 : vector<1x16xf32> to vector<16xf32>
        %swap3A_370 = vector.shape_cast %add3A_366 : vector<16xf32> to vector<1x16xf32>
        tpu.vector_store %arg32[%swap3A, %swap3A_367], %swap3A_370 {strides = array<i32>} : memref<80x64xf32, #tpu.memory_space<vmem>>, vector<1x16xf32>,
        %get3A_371 = arith.index_cast %scan3A_337 : i32 to index
        %get3A_372 = arith.constant 16 : index
        %get3A_373 = tpu.vector_load %arg20[%get3A_371, %get3A_372] {strides = array<i32>} : memref<80x64xf32, #tpu.memory_space<vmem>>, vector<1x16xf32>,
        %get3A_374 = vector.shape_cast %get3A_373 : vector<1x16xf32> to vector<16xf32>
        %get3A_375 = arith.index_cast %scan3A_337 : i32 to index
        %get3A_376 = arith.constant 16 : index
        %get3A_377 = tpu.vector_load %arg21[%get3A_375, %get3A_376] {strides = array<i32>} : memref<80x64xf32, #tpu.memory_space<vmem>>, vector<1x16xf32>,
        %get3A_378 = vector.shape_cast %get3A_377 : vector<1x16xf32> to vector<16xf32>
        %add3A_379 = arith.addf %get3A_374, %get3A_378 : vector<16xf32>
        %get3A_380 = arith.index_cast %scan3A_337 : i32 to index
        %get3A_381 = arith.constant 16 : index
        %get3A_382 = tpu.vector_load %arg22[%get3A_380, %get3A_381] {strides = array<i32>} : memref<80x64xf32, #tpu.memory_space<vmem>>, vector<1x16xf32>,
        %get3A_383 = vector.shape_cast %get3A_382 : vector<1x16xf32> to vector<16xf32>
        %get3A_384 = arith.index_cast %scan3A_337 : i32 to index
        %get3A_385 = arith.constant 16 : index
        %get3A_386 = tpu.vector_load %arg23[%get3A_384, %get3A_385] {strides = array<i32>} : memref<80x64xf32, #tpu.memory_space<vmem>>, vector<1x16xf32>,
        %get3A_387 = vector.shape_cast %get3A_386 : vector<1x16xf32> to vector<16xf32>
        %add3A_388 = arith.addf %get3A_383, %get3A_387 : vector<16xf32>
        %add3A_389 = arith.addf %add3A_379, %add3A_388 : vector<16xf32>
        %get3A_390 = arith.index_cast %scan3A_337 : i32 to index
        %get3A_391 = arith.constant 16 : index
        %get3A_392 = tpu.vector_load %arg24[%get3A_390, %get3A_391] {strides = array<i32>} : memref<80x64xf32, #tpu.memory_space<vmem>>, vector<1x16xf32>,
        %get3A_393 = vector.shape_cast %get3A_392 : vector<1x16xf32> to vector<16xf32>
        %get3A_394 = arith.index_cast %scan3A_337 : i32 to index
        %get3A_395 = arith.constant 16 : index
        %get3A_396 = tpu.vector_load %arg25[%get3A_394, %get3A_395] {strides = array<i32>} : memref<80x64xf32, #tpu.memory_space<vmem>>, vector<1x16xf32>,
        %get3A_397 = vector.shape_cast %get3A_396 : vector<1x16xf32> to vector<16xf32>
        %add3A_398 = arith.addf %get3A_393, %get3A_397 : vector<16xf32>
        %add3A_399 = arith.addf %add3A_389, %add3A_398 : vector<16xf32>
        %swap3A_400 = arith.index_cast %scan3A_337 : i32 to index
        %swap3A_401 = arith.constant 16 : index
        %swap3A_402 = tpu.vector_load %arg32[%swap3A_400, %swap3A_401] {strides = array<i32>} : memref<80x64xf32, #tpu.memory_space<vmem>>, vector<1x16xf32>,
        %swap3A_403 = vector.shape_cast %swap3A_402 : vector<1x16xf32> to vector<16xf32>
        %swap3A_404 = vector.shape_cast %add3A_399 : vector<16xf32> to vector<1x16xf32>
        tpu.vector_store %arg32[%swap3A_400, %swap3A_401], %swap3A_404 {strides = array<i32>} : memref<80x64xf32, #tpu.memory_space<vmem>>, vector<1x16xf32>,
        %get3A_405 = arith.index_cast %scan3A_337 : i32 to index
        %get3A_406 = arith.constant 32 : index
        %get3A_407 = tpu.vector_load %arg20[%get3A_405, %get3A_406] {strides = array<i32>} : memref<80x64xf32, #tpu.memory_space<vmem>>, vector<1x16xf32>,
        %get3A_408 = vector.shape_cast %get3A_407 : vector<1x16xf32> to vector<16xf32>
        %get3A_409 = arith.index_cast %scan3A_337 : i32 to index
        %get3A_410 = arith.constant 32 : index
        %get3A_411 = tpu.vector_load %arg21[%get3A_409, %get3A_410] {strides = array<i32>} : memref<80x64xf32, #tpu.memory_space<vmem>>, vector<1x16xf32>,
        %get3A_412 = vector.shape_cast %get3A_411 : vector<1x16xf32> to vector<16xf32>
        %add3A_413 = arith.addf %get3A_408, %get3A_412 : vector<16xf32>
        %get3A_414 = arith.index_cast %scan3A_337 : i32 to index
        %get3A_415 = arith.constant 32 : index
        %get3A_416 = tpu.vector_load %arg22[%get3A_414, %get3A_415] {strides = array<i32>} : memref<80x64xf32, #tpu.memory_space<vmem>>, vector<1x16xf32>,
        %get3A_417 = vector.shape_cast %get3A_416 : vector<1x16xf32> to vector<16xf32>
        %get3A_418 = arith.index_cast %scan3A_337 : i32 to index
        %get3A_419 = arith.constant 32 : index
        %get3A_420 = tpu.vector_load %arg23[%get3A_418, %get3A_419] {strides = array<i32>} : memref<80x64xf32, #tpu.memory_space<vmem>>, vector<1x16xf32>,
        %get3A_421 = vector.shape_cast %get3A_420 : vector<1x16xf32> to vector<16xf32>
        %add3A_422 = arith.addf %get3A_417, %get3A_421 : vector<16xf32>
        %add3A_423 = arith.addf %add3A_413, %add3A_422 : vector<16xf32>
        %get3A_424 = arith.index_cast %scan3A_337 : i32 to index
        %get3A_425 = arith.constant 32 : index
        %get3A_426 = tpu.vector_load %arg24[%get3A_424, %get3A_425] {strides = array<i32>} : memref<80x64xf32, #tpu.memory_space<vmem>>, vector<1x16xf32>,
        %get3A_427 = vector.shape_cast %get3A_426 : vector<1x16xf32> to vector<16xf32>
        %get3A_428 = arith.index_cast %scan3A_337 : i32 to index
        %get3A_429 = arith.constant 32 : index
        %get3A_430 = tpu.vector_load %arg25[%get3A_428, %get3A_429] {strides = array<i32>} : memref<80x64xf32, #tpu.memory_space<vmem>>, vector<1x16xf32>,
        %get3A_431 = vector.shape_cast %get3A_430 : vector<1x16xf32> to vector<16xf32>
        %add3A_432 = arith.addf %get3A_427, %get3A_431 : vector<16xf32>
        %add3A_433 = arith.addf %add3A_423, %add3A_432 : vector<16xf32>
        %swap3A_434 = arith.index_cast %scan3A_337 : i32 to index
        %swap3A_435 = arith.constant 32 : index
        %swap3A_436 = tpu.vector_load %arg32[%swap3A_434, %swap3A_435] {strides = array<i32>} : memref<80x64xf32, #tpu.memory_space<vmem>>, vector<1x16xf32>,
        %swap3A_437 = vector.shape_cast %swap3A_436 : vector<1x16xf32> to vector<16xf32>
        %swap3A_438 = vector.shape_cast %add3A_433 : vector<16xf32> to vector<1x16xf32>
        tpu.vector_store %arg32[%swap3A_434, %swap3A_435], %swap3A_438 {strides = array<i32>} : memref<80x64xf32, #tpu.memory_space<vmem>>, vector<1x16xf32>,
        %get3A_439 = arith.index_cast %scan3A_337 : i32 to index
        %get3A_440 = arith.constant 48 : index
        %get3A_441 = tpu.vector_load %arg20[%get3A_439, %get3A_440] {strides = array<i32>} : memref<80x64xf32, #tpu.memory_space<vmem>>, vector<1x16xf32>,
        %get3A_442 = vector.shape_cast %get3A_441 : vector<1x16xf32> to vector<16xf32>
        %get3A_443 = arith.index_cast %scan3A_337 : i32 to index
        %get3A_444 = arith.constant 48 : index
        %get3A_445 = tpu.vector_load %arg21[%get3A_443, %get3A_444] {strides = array<i32>} : memref<80x64xf32, #tpu.memory_space<vmem>>, vector<1x16xf32>,
        %get3A_446 = vector.shape_cast %get3A_445 : vector<1x16xf32> to vector<16xf32>
        %add3A_447 = arith.addf %get3A_442, %get3A_446 : vector<16xf32>
        %get3A_448 = arith.index_cast %scan3A_337 : i32 to index
        %get3A_449 = arith.constant 48 : index
        %get3A_450 = tpu.vector_load %arg22[%get3A_448, %get3A_449] {strides = array<i32>} : memref<80x64xf32, #tpu.memory_space<vmem>>, vector<1x16xf32>,
        %get3A_451 = vector.shape_cast %get3A_450 : vector<1x16xf32> to vector<16xf32>
        %get3A_452 = arith.index_cast %scan3A_337 : i32 to index
        %get3A_453 = arith.constant 48 : index
        %get3A_454 = tpu.vector_load %arg23[%get3A_452, %get3A_453] {strides = array<i32>} : memref<80x64xf32, #tpu.memory_space<vmem>>, vector<1x16xf32>,
        %get3A_455 = vector.shape_cast %get3A_454 : vector<1x16xf32> to vector<16xf32>
        %add3A_456 = arith.addf %get3A_451, %get3A_455 : vector<16xf32>
        %add3A_457 = arith.addf %add3A_447, %add3A_456 : vector<16xf32>
        %get3A_458 = arith.index_cast %scan3A_337 : i32 to index
        %get3A_459 = arith.constant 48 : index
        %get3A_460 = tpu.vector_load %arg24[%get3A_458, %get3A_459] {strides = array<i32>} : memref<80x64xf32, #tpu.memory_space<vmem>>, vector<1x16xf32>,
        %get3A_461 = vector.shape_cast %get3A_460 : vector<1x16xf32> to vector<16xf32>
        %get3A_462 = arith.index_cast %scan3A_337 : i32 to index
        %get3A_463 = arith.constant 48 : index
        %get3A_464 = tpu.vector_load %arg25[%get3A_462, %get3A_463] {strides = array<i32>} : memref<80x64xf32, #tpu.memory_space<vmem>>, vector<1x16xf32>,
        %get3A_465 = vector.shape_cast %get3A_464 : vector<1x16xf32> to vector<16xf32>
        %add3A_466 = arith.addf %get3A_461, %get3A_465 : vector<16xf32>
        %add3A_467 = arith.addf %add3A_457, %add3A_466 : vector<16xf32>
        %swap3A_468 = arith.index_cast %scan3A_337 : i32 to index
        %swap3A_469 = arith.constant 48 : index
        %swap3A_470 = tpu.vector_load %arg32[%swap3A_468, %swap3A_469] {strides = array<i32>} : memref<80x64xf32, #tpu.memory_space<vmem>>, vector<1x16xf32>,
        %swap3A_471 = vector.shape_cast %swap3A_470 : vector<1x16xf32> to vector<16xf32>
        %swap3A_472 = vector.shape_cast %add3A_467 : vector<16xf32> to vector<1x16xf32>
        tpu.vector_store %arg32[%swap3A_468, %swap3A_469], %swap3A_472 {strides = array<i32>} : memref<80x64xf32, #tpu.memory_space<vmem>>, vector<1x16xf32>,
        %scan3A_473 = arith.constant 0 : i32
        %scan3A_474 = arith.constant 1 : i32
        %scan3A_475 = arith.addi %scan3A_337, %scan3A_474 : i32
        %get3A_476 = arith.index_cast %scan3A_475 : i32 to index
        %get3A_477 = arith.constant 0 : index
        %get3A_478 = tpu.vector_load %arg20[%get3A_476, %get3A_477] {strides = array<i32>} : memref<80x64xf32, #tpu.memory_space<vmem>>, vector<1x16xf32>,
        %get3A_479 = vector.shape_cast %get3A_478 : vector<1x16xf32> to vector<16xf32>
        %get3A_480 = arith.index_cast %scan3A_475 : i32 to index
        %get3A_481 = arith.constant 0 : index
        %get3A_482 = tpu.vector_load %arg21[%get3A_480, %get3A_481] {strides = array<i32>} : memref<80x64xf32, #tpu.memory_space<vmem>>, vector<1x16xf32>,
        %get3A_483 = vector.shape_cast %get3A_482 : vector<1x16xf32> to vector<16xf32>
        %add3A_484 = arith.addf %get3A_479, %get3A_483 : vector<16xf32>
        %get3A_485 = arith.index_cast %scan3A_475 : i32 to index
        %get3A_486 = arith.constant 0 : index
        %get3A_487 = tpu.vector_load %arg22[%get3A_485, %get3A_486] {strides = array<i32>} : memref<80x64xf32, #tpu.memory_space<vmem>>, vector<1x16xf32>,
        %get3A_488 = vector.shape_cast %get3A_487 : vector<1x16xf32> to vector<16xf32>
        %get3A_489 = arith.index_cast %scan3A_475 : i32 to index
        %get3A_490 = arith.constant 0 : index
        %get3A_491 = tpu.vector_load %arg23[%get3A_489, %get3A_490] {strides = array<i32>} : memref<80x64xf32, #tpu.memory_space<vmem>>, vector<1x16xf32>,
        %get3A_492 = vector.shape_cast %get3A_491 : vector<1x16xf32> to vector<16xf32>
        %add3A_493 = arith.addf %get3A_488, %get3A_492 : vector<16xf32>
        %add3A_494 = arith.addf %add3A_484, %add3A_493 : vector<16xf32>
        %get3A_495 = arith.index_cast %scan3A_475 : i32 to index
        %get3A_496 = arith.constant 0 : index
        %get3A_497 = tpu.vector_load %arg24[%get3A_495, %get3A_496] {strides = array<i32>} : memref<80x64xf32, #tpu.memory_space<vmem>>, vector<1x16xf32>,
        %get3A_498 = vector.shape_cast %get3A_497 : vector<1x16xf32> to vector<16xf32>
        %get3A_499 = arith.index_cast %scan3A_475 : i32 to index
        %get3A_500 = arith.constant 0 : index
        %get3A_501 = tpu.vector_load %arg25[%get3A_499, %get3A_500] {strides = array<i32>} : memref<80x64xf32, #tpu.memory_space<vmem>>, vector<1x16xf32>,
        %get3A_502 = vector.shape_cast %get3A_501 : vector<1x16xf32> to vector<16xf32>
        %add3A_503 = arith.addf %get3A_498, %get3A_502 : vector<16xf32>
        %add3A_504 = arith.addf %add3A_494, %add3A_503 : vector<16xf32>
        %swap3A_505 = arith.index_cast %scan3A_475 : i32 to index
        %swap3A_506 = arith.constant 0 : index
        %swap3A_507 = tpu.vector_load %arg32[%swap3A_505, %swap3A_506] {strides = array<i32>} : memref<80x64xf32, #tpu.memory_space<vmem>>, vector<1x16xf32>,
        %swap3A_508 = vector.shape_cast %swap3A_507 : vector<1x16xf32> to vector<16xf32>
        %swap3A_509 = vector.shape_cast %add3A_504 : vector<16xf32> to vector<1x16xf32>
        tpu.vector_store %arg32[%swap3A_505, %swap3A_506], %swap3A_509 {strides = array<i32>} : memref<80x64xf32, #tpu.memory_space<vmem>>, vector<1x16xf32>,
        %get3A_510 = arith.index_cast %scan3A_475 : i32 to index
        %get3A_511 = arith.constant 16 : index
        %get3A_512 = tpu.vector_load %arg20[%get3A_510, %get3A_511] {strides = array<i32>} : memref<80x64xf32, #tpu.memory_space<vmem>>, vector<1x16xf32>,
        %get3A_513 = vector.shape_cast %get3A_512 : vector<1x16xf32> to vector<16xf32>
        %get3A_514 = arith.index_cast %scan3A_475 : i32 to index
        %get3A_515 = arith.constant 16 : index
        %get3A_516 = tpu.vector_load %arg21[%get3A_514, %get3A_515] {strides = array<i32>} : memref<80x64xf32, #tpu.memory_space<vmem>>, vector<1x16xf32>,
        %get3A_517 = vector.shape_cast %get3A_516 : vector<1x16xf32> to vector<16xf32>
        %add3A_518 = arith.addf %get3A_513, %get3A_517 : vector<16xf32>
        %get3A_519 = arith.index_cast %scan3A_475 : i32 to index
        %get3A_520 = arith.constant 16 : index
        %get3A_521 = tpu.vector_load %arg22[%get3A_519, %get3A_520] {strides = array<i32>} : memref<80x64xf32, #tpu.memory_space<vmem>>, vector<1x16xf32>,
        %get3A_522 = vector.shape_cast %get3A_521 : vector<1x16xf32> to vector<16xf32>
        %get3A_523 = arith.index_cast %scan3A_475 : i32 to index
        %get3A_524 = arith.constant 16 : index
        %get3A_525 = tpu.vector_load %arg23[%get3A_523, %get3A_524] {strides = array<i32>} : memref<80x64xf32, #tpu.memory_space<vmem>>, vector<1x16xf32>,
        %get3A_526 = vector.shape_cast %get3A_525 : vector<1x16xf32> to vector<16xf32>
        %add3A_527 = arith.addf %get3A_522, %get3A_526 : vector<16xf32>
        %add3A_528 = arith.addf %add3A_518, %add3A_527 : vector<16xf32>
        %get3A_529 = arith.index_cast %scan3A_475 : i32 to index
        %get3A_530 = arith.constant 16 : index
        %get3A_531 = tpu.vector_load %arg24[%get3A_529, %get3A_530] {strides = array<i32>} : memref<80x64xf32, #tpu.memory_space<vmem>>, vector<1x16xf32>,
        %get3A_532 = vector.shape_cast %get3A_531 : vector<1x16xf32> to vector<16xf32>
        %get3A_533 = arith.index_cast %scan3A_475 : i32 to index
        %get3A_534 = arith.constant 16 : index
        %get3A_535 = tpu.vector_load %arg25[%get3A_533, %get3A_534] {strides = array<i32>} : memref<80x64xf32, #tpu.memory_space<vmem>>, vector<1x16xf32>,
        %get3A_536 = vector.shape_cast %get3A_535 : vector<1x16xf32> to vector<16xf32>
        %add3A_537 = arith.addf %get3A_532, %get3A_536 : vector<16xf32>
        %add3A_538 = arith.addf %add3A_528, %add3A_537 : vector<16xf32>
        %swap3A_539 = arith.index_cast %scan3A_475 : i32 to index
        %swap3A_540 = arith.constant 16 : index
        %swap3A_541 = tpu.vector_load %arg32[%swap3A_539, %swap3A_540] {strides = array<i32>} : memref<80x64xf32, #tpu.memory_space<vmem>>, vector<1x16xf32>,
        %swap3A_542 = vector.shape_cast %swap3A_541 : vector<1x16xf32> to vector<16xf32>
        %swap3A_543 = vector.shape_cast %add3A_538 : vector<16xf32> to vector<1x16xf32>
        tpu.vector_store %arg32[%swap3A_539, %swap3A_540], %swap3A_543 {strides = array<i32>} : memref<80x64xf32, #tpu.memory_space<vmem>>, vector<1x16xf32>,
        %get3A_544 = arith.index_cast %scan3A_475 : i32 to index
        %get3A_545 = arith.constant 32 : index
        %get3A_546 = tpu.vector_load %arg20[%get3A_544, %get3A_545] {strides = array<i32>} : memref<80x64xf32, #tpu.memory_space<vmem>>, vector<1x16xf32>,
        %get3A_547 = vector.shape_cast %get3A_546 : vector<1x16xf32> to vector<16xf32>
        %get3A_548 = arith.index_cast %scan3A_475 : i32 to index
        %get3A_549 = arith.constant 32 : index
        %get3A_550 = tpu.vector_load %arg21[%get3A_548, %get3A_549] {strides = array<i32>} : memref<80x64xf32, #tpu.memory_space<vmem>>, vector<1x16xf32>,
        %get3A_551 = vector.shape_cast %get3A_550 : vector<1x16xf32> to vector<16xf32>
        %add3A_552 = arith.addf %get3A_547, %get3A_551 : vector<16xf32>
        %get3A_553 = arith.index_cast %scan3A_475 : i32 to index
        %get3A_554 = arith.constant 32 : index
        %get3A_555 = tpu.vector_load %arg22[%get3A_553, %get3A_554] {strides = array<i32>} : memref<80x64xf32, #tpu.memory_space<vmem>>, vector<1x16xf32>,
        %get3A_556 = vector.shape_cast %get3A_555 : vector<1x16xf32> to vector<16xf32>
        %get3A_557 = arith.index_cast %scan3A_475 : i32 to index
        %get3A_558 = arith.constant 32 : index
        %get3A_559 = tpu.vector_load %arg23[%get3A_557, %get3A_558] {strides = array<i32>} : memref<80x64xf32, #tpu.memory_space<vmem>>, vector<1x16xf32>,
        %get3A_560 = vector.shape_cast %get3A_559 : vector<1x16xf32> to vector<16xf32>
        %add3A_561 = arith.addf %get3A_556, %get3A_560 : vector<16xf32>
        %add3A_562 = arith.addf %add3A_552, %add3A_561 : vector<16xf32>
        %get3A_563 = arith.index_cast %scan3A_475 : i32 to index
        %get3A_564 = arith.constant 32 : index
        %get3A_565 = tpu.vector_load %arg24[%get3A_563, %get3A_564] {strides = array<i32>} : memref<80x64xf32, #tpu.memory_space<vmem>>, vector<1x16xf32>,
        %get3A_566 = vector.shape_cast %get3A_565 : vector<1x16xf32> to vector<16xf32>
        %get3A_567 = arith.index_cast %scan3A_475 : i32 to index
        %get3A_568 = arith.constant 32 : index
        %get3A_569 = tpu.vector_load %arg25[%get3A_567, %get3A_568] {strides = array<i32>} : memref<80x64xf32, #tpu.memory_space<vmem>>, vector<1x16xf32>,
        %get3A_570 = vector.shape_cast %get3A_569 : vector<1x16xf32> to vector<16xf32>
        %add3A_571 = arith.addf %get3A_566, %get3A_570 : vector<16xf32>
        %add3A_572 = arith.addf %add3A_562, %add3A_571 : vector<16xf32>
        %swap3A_573 = arith.index_cast %scan3A_475 : i32 to index
        %swap3A_574 = arith.constant 32 : index
        %swap3A_575 = tpu.vector_load %arg32[%swap3A_573, %swap3A_574] {strides = array<i32>} : memref<80x64xf32, #tpu.memory_space<vmem>>, vector<1x16xf32>,
        %swap3A_576 = vector.shape_cast %swap3A_575 : vector<1x16xf32> to vector<16xf32>
        %swap3A_577 = vector.shape_cast %add3A_572 : vector<16xf32> to vector<1x16xf32>
        tpu.vector_store %arg32[%swap3A_573, %swap3A_574], %swap3A_577 {strides = array<i32>} : memref<80x64xf32, #tpu.memory_space<vmem>>, vector<1x16xf32>,
        %get3A_578 = arith.index_cast %scan3A_475 : i32 to index
        %get3A_579 = arith.constant 48 : index
        %get3A_580 = tpu.vector_load %arg20[%get3A_578, %get3A_579] {strides = array<i32>} : memref<80x64xf32, #tpu.memory_space<vmem>>, vector<1x16xf32>,
        %get3A_581 = vector.shape_cast %get3A_580 : vector<1x16xf32> to vector<16xf32>
        %get3A_582 = arith.index_cast %scan3A_475 : i32 to index
        %get3A_583 = arith.constant 48 : index
        %get3A_584 = tpu.vector_load %arg21[%get3A_582, %get3A_583] {strides = array<i32>} : memref<80x64xf32, #tpu.memory_space<vmem>>, vector<1x16xf32>,
        %get3A_585 = vector.shape_cast %get3A_584 : vector<1x16xf32> to vector<16xf32>
        %add3A_586 = arith.addf %get3A_581, %get3A_585 : vector<16xf32>
        %get3A_587 = arith.index_cast %scan3A_475 : i32 to index
        %get3A_588 = arith.constant 48 : index
        %get3A_589 = tpu.vector_load %arg22[%get3A_587, %get3A_588] {strides = array<i32>} : memref<80x64xf32, #tpu.memory_space<vmem>>, vector<1x16xf32>,
        %get3A_590 = vector.shape_cast %get3A_589 : vector<1x16xf32> to vector<16xf32>
        %get3A_591 = arith.index_cast %scan3A_475 : i32 to index
        %get3A_592 = arith.constant 48 : index
        %get3A_593 = tpu.vector_load %arg23[%get3A_591, %get3A_592] {strides = array<i32>} : memref<80x64xf32, #tpu.memory_space<vmem>>, vector<1x16xf32>,
        %get3A_594 = vector.shape_cast %get3A_593 : vector<1x16xf32> to vector<16xf32>
        %add3A_595 = arith.addf %get3A_590, %get3A_594 : vector<16xf32>
        %add3A_596 = arith.addf %add3A_586, %add3A_595 : vector<16xf32>
        %get3A_597 = arith.index_cast %scan3A_475 : i32 to index
        %get3A_598 = arith.constant 48 : index
        %get3A_599 = tpu.vector_load %arg24[%get3A_597, %get3A_598] {strides = array<i32>} : memref<80x64xf32, #tpu.memory_space<vmem>>, vector<1x16xf32>,
        %get3A_600 = vector.shape_cast %get3A_599 : vector<1x16xf32> to vector<16xf32>
        %get3A_601 = arith.index_cast %scan3A_475 : i32 to index
        %get3A_602 = arith.constant 48 : index
        %get3A_603 = tpu.vector_load %arg25[%get3A_601, %get3A_602] {strides = array<i32>} : memref<80x64xf32, #tpu.memory_space<vmem>>, vector<1x16xf32>,
        %get3A_604 = vector.shape_cast %get3A_603 : vector<1x16xf32> to vector<16xf32>
        %add3A_605 = arith.addf %get3A_600, %get3A_604 : vector<16xf32>
        %add3A_606 = arith.addf %add3A_596, %add3A_605 : vector<16xf32>
        %swap3A_607 = arith.index_cast %scan3A_475 : i32 to index
        %swap3A_608 = arith.constant 48 : index
        %swap3A_609 = tpu.vector_load %arg32[%swap3A_607, %swap3A_608] {strides = array<i32>} : memref<80x64xf32, #tpu.memory_space<vmem>>, vector<1x16xf32>,
        %swap3A_610 = vector.shape_cast %swap3A_609 : vector<1x16xf32> to vector<16xf32>
        %swap3A_611 = vector.shape_cast %add3A_606 : vector<16xf32> to vector<1x16xf32>
        tpu.vector_store %arg32[%swap3A_607, %swap3A_608], %swap3A_611 {strides = array<i32>} : memref<80x64xf32, #tpu.memory_space<vmem>>, vector<1x16xf32>,
        %scan3A_612 = arith.constant 0 : i32
        scf.yield %scan3A_612 : i32
      }
      %scan3A_212 = arith.constant 80 : i32
      %mul3A_213 = arith.constant 80 : i32
      %mul3A_214 = arith.muli %add3A_117, %mul3A_213 : i32
      %add3A_215 = arith.addi %mul3A_2, %mul3A_214 : i32
      %dma_start3A_216 = arith.constant 0 : i32
      %dma_start3A_217 = tpu.memref_slice %arg13[%add3A_215, %dma_start3A_216] : memref<204800x64xf32, #tpu.memory_space<hbm>> -> memref<80x64xf32, #tpu.memory_space<hbm>>
      %dma_start3A_218 = arith.constant 0 : i32
      %dma_start3A_219 = tpu.memref_slice %arg13[%add3A_215, %dma_start3A_218] : memref<204800x64xf32, #tpu.memory_space<hbm>> -> memref<80x64xf32, #tpu.memory_space<hbm>>
      tpu.enqueue_dma source(%arg32 : memref<80x64xf32, #tpu.memory_space<vmem>>) target(%dma_start3A_219 : memref<80x64xf32, #tpu.memory_space<hbm>>) target_semaphore(%arg46 : memref<!tpu.dma_semaphore, #tpu.memory_space<semaphore_mem>>)
      %lt3A = arith.constant 39 : i32
      %lt3A_220 = arith.cmpi slt, %scan3A_112, %lt3A : i32
      %convert_element_type3A_221 = arith.extui %lt3A_220 : i1 to i32
      %cond3A_222 = arith.constant 0 : i32
      %cond3A_223 = arith.cmpi ne, %convert_element_type3A_221, %cond3A_222 : i32
      scf.if %cond3A_223 {
        %add3A_337 = arith.constant 2 : i32
        %add3A_338 = arith.addi %add3A_117, %add3A_337 : i32
        %dma_start3A_339 = arith.constant 0 : i32
        %dma_start3A_340 = arith.constant 0 : i32
        %dma_start3A_341 = tpu.memref_slice %arg20[%dma_start3A_339, %dma_start3A_340] : memref<80x64xf32, #tpu.memory_space<vmem>> -> memref<40x64xf32, #tpu.memory_space<vmem>>
        %dma_start3A_342 = arith.constant 0 : i32
        %dma_start3A_343 = tpu.memref_slice %arg14[%add3A_338, %dma_start3A_342] : memref<80x80xi32, #tpu.memory_space<vmem>> -> memref<1x40xi32, #tpu.memory_space<vmem>>
        %dma_start3A_344 = tpu.memref_squeeze %dma_start3A_343 : memref<1x40xi32, #tpu.memory_space<vmem>> -> memref<40xi32, #tpu.memory_space<vmem>>
        %dma_start3A_345 = arith.constant 0 : i32
        %dma_start3A_346 = arith.constant 0 : i32
        %dma_start3A_347 = tpu.memref_slice %arg7[%dma_start3A_345, %dma_start3A_346] : memref<100000x64xf32, #tpu.memory_space<hbm>> -> memref<100000x64xf32, #tpu.memory_space<hbm>>
        tpu.enqueue_indirect_dma source(%dma_start3A_347 : memref<100000x64xf32, #tpu.memory_space<hbm>>) target(%dma_start3A_341 : memref<40x64xf32, #tpu.memory_space<vmem>>) offsets(%dma_start3A_344 : memref<40xi32, #tpu.memory_space<vmem>>) semaphore(%arg34 : memref<!tpu.dma_semaphore, #tpu.memory_space<semaphore_mem>>)
        %dma_start3A_348 = arith.constant 40 : i32
        %dma_start3A_349 = arith.constant 0 : i32
        %dma_start3A_350 = tpu.memref_slice %arg20[%dma_start3A_348, %dma_start3A_349] : memref<80x64xf32, #tpu.memory_space<vmem>> -> memref<40x64xf32, #tpu.memory_space<vmem>>
        %dma_start3A_351 = arith.constant 40 : i32
        %dma_start3A_352 = tpu.memref_slice %arg14[%add3A_338, %dma_start3A_351] : memref<80x80xi32, #tpu.memory_space<vmem>> -> memref<1x40xi32, #tpu.memory_space<vmem>>
        %dma_start3A_353 = tpu.memref_squeeze %dma_start3A_352 : memref<1x40xi32, #tpu.memory_space<vmem>> -> memref<40xi32, #tpu.memory_space<vmem>>
        %dma_start3A_354 = arith.constant 0 : i32
        %dma_start3A_355 = arith.constant 0 : i32
        %dma_start3A_356 = tpu.memref_slice %arg7[%dma_start3A_354, %dma_start3A_355] : memref<100000x64xf32, #tpu.memory_space<hbm>> -> memref<100000x64xf32, #tpu.memory_space<hbm>>
        tpu.enqueue_indirect_dma source(%dma_start3A_356 : memref<100000x64xf32, #tpu.memory_space<hbm>>) target(%dma_start3A_350 : memref<40x64xf32, #tpu.memory_space<vmem>>) offsets(%dma_start3A_353 : memref<40xi32, #tpu.memory_space<vmem>>) semaphore(%arg34 : memref<!tpu.dma_semaphore, #tpu.memory_space<semaphore_mem>>)
        %dma_start3A_357 = arith.constant 0 : i32
        %dma_start3A_358 = arith.constant 0 : i32
        %dma_start3A_359 = tpu.memref_slice %arg21[%dma_start3A_357, %dma_start3A_358] : memref<80x64xf32, #tpu.memory_space<vmem>> -> memref<40x64xf32, #tpu.memory_space<vmem>>
        %dma_start3A_360 = arith.constant 0 : i32
        %dma_start3A_361 = tpu.memref_slice %arg15[%add3A_338, %dma_start3A_360] : memref<80x80xi32, #tpu.memory_space<vmem>> -> memref<1x40xi32, #tpu.memory_space<vmem>>
        %dma_start3A_362 = tpu.memref_squeeze %dma_start3A_361 : memref<1x40xi32, #tpu.memory_space<vmem>> -> memref<40xi32, #tpu.memory_space<vmem>>
        %dma_start3A_363 = arith.constant 0 : i32
        %dma_start3A_364 = arith.constant 0 : i32
        %dma_start3A_365 = tpu.memref_slice %arg8[%dma_start3A_363, %dma_start3A_364] : memref<1000000x64xf32, #tpu.memory_space<hbm>> -> memref<1000000x64xf32, #tpu.memory_space<hbm>>
        tpu.enqueue_indirect_dma source(%dma_start3A_365 : memref<1000000x64xf32, #tpu.memory_space<hbm>>) target(%dma_start3A_359 : memref<40x64xf32, #tpu.memory_space<vmem>>) offsets(%dma_start3A_362 : memref<40xi32, #tpu.memory_space<vmem>>) semaphore(%arg36 : memref<!tpu.dma_semaphore, #tpu.memory_space<semaphore_mem>>)
        %dma_start3A_366 = arith.constant 40 : i32
        %dma_start3A_367 = arith.constant 0 : i32
        %dma_start3A_368 = tpu.memref_slice %arg21[%dma_start3A_366, %dma_start3A_367] : memref<80x64xf32, #tpu.memory_space<vmem>> -> memref<40x64xf32, #tpu.memory_space<vmem>>
        %dma_start3A_369 = arith.constant 40 : i32
        %dma_start3A_370 = tpu.memref_slice %arg15[%add3A_338, %dma_start3A_369] : memref<80x80xi32, #tpu.memory_space<vmem>> -> memref<1x40xi32, #tpu.memory_space<vmem>>
        %dma_start3A_371 = tpu.memref_squeeze %dma_start3A_370 : memref<1x40xi32, #tpu.memory_space<vmem>> -> memref<40xi32, #tpu.memory_space<vmem>>
        %dma_start3A_372 = arith.constant 0 : i32
        %dma_start3A_373 = arith.constant 0 : i32
        %dma_start3A_374 = tpu.memref_slice %arg8[%dma_start3A_372, %dma_start3A_373] : memref<1000000x64xf32, #tpu.memory_space<hbm>> -> memref<1000000x64xf32, #tpu.memory_space<hbm>>
        tpu.enqueue_indirect_dma source(%dma_start3A_374 : memref<1000000x64xf32, #tpu.memory_space<hbm>>) target(%dma_start3A_368 : memref<40x64xf32, #tpu.memory_space<vmem>>) offsets(%dma_start3A_371 : memref<40xi32, #tpu.memory_space<vmem>>) semaphore(%arg36 : memref<!tpu.dma_semaphore, #tpu.memory_space<semaphore_mem>>)
      } else {
      }
      %mul3A_224 = arith.constant 2 : i32
      %mul3A_225 = arith.muli %scan3A_112, %mul3A_224 : i32
      %add3A_226 = arith.constant 1 : i32
      %add3A_227 = arith.addi %mul3A_225, %add3A_226 : i32
      %dma_start3A_228 = arith.constant 0 : i32
      %dma_start3A_229 = tpu.memref_slice %arg16[%add3A_227, %dma_start3A_228] : memref<80x80xi32, #tpu.memory_space<vmem>> -> memref<1x80xi32, #tpu.memory_space<vmem>>
      %dma_start3A_230 = tpu.memref_squeeze %dma_start3A_229 : memref<1x80xi32, #tpu.memory_space<vmem>> -> memref<80xi32, #tpu.memory_space<vmem>>
      %dma_start3A_231 = arith.constant 0 : i32
      %dma_start3A_232 = arith.constant 0 : i32
      %dma_start3A_233 = tpu.memref_slice %arg48[%dma_start3A_231, %dma_start3A_232] : memref<1000x64xf32, #tpu.memory_space<vmem_shared>> -> memref<1000x64xf32, #tpu.memory_space<vmem_shared>>
      tpu.enqueue_indirect_dma source(%dma_start3A_233 : memref<1000x64xf32, #tpu.memory_space<vmem_shared>>) target(%arg28 : memref<80x64xf32, #tpu.memory_space<vmem>>) offsets(%dma_start3A_230 : memref<80xi32, #tpu.memory_space<vmem>>) semaphore(%arg39 : memref<!tpu.dma_semaphore, #tpu.memory_space<semaphore_mem>>)
      %dma_start3A_234 = arith.constant 0 : i32
      %dma_start3A_235 = tpu.memref_slice %arg17[%add3A_227, %dma_start3A_234] : memref<80x80xi32, #tpu.memory_space<vmem>> -> memref<1x80xi32, #tpu.memory_space<vmem>>
      %dma_start3A_236 = tpu.memref_squeeze %dma_start3A_235 : memref<1x80xi32, #tpu.memory_space<vmem>> -> memref<80xi32, #tpu.memory_space<vmem>>
      %dma_start3A_237 = arith.constant 0 : i32
      %dma_start3A_238 = arith.constant 0 : i32
      %dma_start3A_239 = tpu.memref_slice %arg49[%dma_start3A_237, %dma_start3A_238] : memref<1000x64xf32, #tpu.memory_space<vmem_shared>> -> memref<1000x64xf32, #tpu.memory_space<vmem_shared>>
      tpu.enqueue_indirect_dma source(%dma_start3A_239 : memref<1000x64xf32, #tpu.memory_space<vmem_shared>>) target(%arg29 : memref<80x64xf32, #tpu.memory_space<vmem>>) offsets(%dma_start3A_236 : memref<80xi32, #tpu.memory_space<vmem>>) semaphore(%arg39 : memref<!tpu.dma_semaphore, #tpu.memory_space<semaphore_mem>>)
      %dma_start3A_240 = arith.constant 0 : i32
      %dma_start3A_241 = tpu.memref_slice %arg18[%add3A_227, %dma_start3A_240] : memref<80x80xi32, #tpu.memory_space<vmem>> -> memref<1x80xi32, #tpu.memory_space<vmem>>
      %dma_start3A_242 = tpu.memref_squeeze %dma_start3A_241 : memref<1x80xi32, #tpu.memory_space<vmem>> -> memref<80xi32, #tpu.memory_space<vmem>>
      %dma_start3A_243 = arith.constant 0 : i32
      %dma_start3A_244 = arith.constant 0 : i32
      %dma_start3A_245 = tpu.memref_slice %arg50[%dma_start3A_243, %dma_start3A_244] : memref<1000x64xf32, #tpu.memory_space<vmem_shared>> -> memref<1000x64xf32, #tpu.memory_space<vmem_shared>>
      tpu.enqueue_indirect_dma source(%dma_start3A_245 : memref<1000x64xf32, #tpu.memory_space<vmem_shared>>) target(%arg30 : memref<80x64xf32, #tpu.memory_space<vmem>>) offsets(%dma_start3A_242 : memref<80xi32, #tpu.memory_space<vmem>>) semaphore(%arg39 : memref<!tpu.dma_semaphore, #tpu.memory_space<semaphore_mem>>)
      %dma_start3A_246 = arith.constant 0 : i32
      %dma_start3A_247 = tpu.memref_slice %arg19[%add3A_227, %dma_start3A_246] : memref<80x80xi32, #tpu.memory_space<vmem>> -> memref<1x80xi32, #tpu.memory_space<vmem>>
      %dma_start3A_248 = tpu.memref_squeeze %dma_start3A_247 : memref<1x80xi32, #tpu.memory_space<vmem>> -> memref<80xi32, #tpu.memory_space<vmem>>
      %dma_start3A_249 = arith.constant 0 : i32
      %dma_start3A_250 = arith.constant 0 : i32
      %dma_start3A_251 = tpu.memref_slice %arg51[%dma_start3A_249, %dma_start3A_250] : memref<32x64xf32, #tpu.memory_space<vmem_shared>> -> memref<32x64xf32, #tpu.memory_space<vmem_shared>>
      tpu.enqueue_indirect_dma source(%dma_start3A_251 : memref<32x64xf32, #tpu.memory_space<vmem_shared>>) target(%arg31 : memref<80x64xf32, #tpu.memory_space<vmem>>) offsets(%dma_start3A_248 : memref<80xi32, #tpu.memory_space<vmem>>) semaphore(%arg39 : memref<!tpu.dma_semaphore, #tpu.memory_space<semaphore_mem>>)
      %dma_wait3A_252 = arith.constant 0 : i32
      %dma_wait3A_253 = arith.constant 0 : i32
      %dma_wait3A_254 = tpu.memref_slice %arg26[%dma_wait3A_252, %dma_wait3A_253] : memref<80x64xf32, #tpu.memory_space<vmem>> -> memref<40x64xf32, #tpu.memory_space<vmem>>
      %dma_wait3A_255 = arith.constant 0 : i32
      %dma_wait3A_256 = tpu.memref_slice %arg14[%add3A_227, %dma_wait3A_255] : memref<80x80xi32, #tpu.memory_space<vmem>> -> memref<1x40xi32, #tpu.memory_space<vmem>>
      %dma_wait3A_257 = tpu.memref_squeeze %dma_wait3A_256 : memref<1x40xi32, #tpu.memory_space<vmem>> -> memref<40xi32, #tpu.memory_space<vmem>>
      %dma_wait3A_258 = arith.constant 0 : i32
      %dma_wait3A_259 = arith.constant 0 : i32
      %dma_wait3A_260 = tpu.memref_slice %arg7[%dma_wait3A_258, %dma_wait3A_259] : memref<100000x64xf32, #tpu.memory_space<hbm>> -> memref<100000x64xf32, #tpu.memory_space<hbm>>
      tpu.wait_indirect_dma semaphore(%arg35 : memref<!tpu.dma_semaphore, #tpu.memory_space<semaphore_mem>>) src(%dma_wait3A_260 : memref<100000x64xf32, #tpu.memory_space<hbm>>) dst(%dma_wait3A_254 : memref<40x64xf32, #tpu.memory_space<vmem>>)
      %dma_wait3A_261 = arith.constant 40 : i32
      %dma_wait3A_262 = arith.constant 0 : i32
      %dma_wait3A_263 = tpu.memref_slice %arg26[%dma_wait3A_261, %dma_wait3A_262] : memref<80x64xf32, #tpu.memory_space<vmem>> -> memref<40x64xf32, #tpu.memory_space<vmem>>
      %dma_wait3A_264 = arith.constant 40 : i32
      %dma_wait3A_265 = tpu.memref_slice %arg14[%add3A_227, %dma_wait3A_264] : memref<80x80xi32, #tpu.memory_space<vmem>> -> memref<1x40xi32, #tpu.memory_space<vmem>>
      %dma_wait3A_266 = tpu.memref_squeeze %dma_wait3A_265 : memref<1x40xi32, #tpu.memory_space<vmem>> -> memref<40xi32, #tpu.memory_space<vmem>>
      %dma_wait3A_267 = arith.constant 0 : i32
      %dma_wait3A_268 = arith.constant 0 : i32
      %dma_wait3A_269 = tpu.memref_slice %arg7[%dma_wait3A_267, %dma_wait3A_268] : memref<100000x64xf32, #tpu.memory_space<hbm>> -> memref<100000x64xf32, #tpu.memory_space<hbm>>
      tpu.wait_indirect_dma semaphore(%arg35 : memref<!tpu.dma_semaphore, #tpu.memory_space<semaphore_mem>>) src(%dma_wait3A_269 : memref<100000x64xf32, #tpu.memory_space<hbm>>) dst(%dma_wait3A_263 : memref<40x64xf32, #tpu.memory_space<vmem>>)
      %dma_wait3A_270 = arith.constant 0 : i32
      %dma_wait3A_271 = arith.constant 0 : i32
      %dma_wait3A_272 = tpu.memref_slice %arg27[%dma_wait3A_270, %dma_wait3A_271] : memref<80x64xf32, #tpu.memory_space<vmem>> -> memref<40x64xf32, #tpu.memory_space<vmem>>
      %dma_wait3A_273 = arith.constant 0 : i32
      %dma_wait3A_274 = tpu.memref_slice %arg15[%add3A_227, %dma_wait3A_273] : memref<80x80xi32, #tpu.memory_space<vmem>> -> memref<1x40xi32, #tpu.memory_space<vmem>>
      %dma_wait3A_275 = tpu.memref_squeeze %dma_wait3A_274 : memref<1x40xi32, #tpu.memory_space<vmem>> -> memref<40xi32, #tpu.memory_space<vmem>>
      %dma_wait3A_276 = arith.constant 0 : i32
      %dma_wait3A_277 = arith.constant 0 : i32
      %dma_wait3A_278 = tpu.memref_slice %arg8[%dma_wait3A_276, %dma_wait3A_277] : memref<1000000x64xf32, #tpu.memory_space<hbm>> -> memref<1000000x64xf32, #tpu.memory_space<hbm>>
      tpu.wait_indirect_dma semaphore(%arg37 : memref<!tpu.dma_semaphore, #tpu.memory_space<semaphore_mem>>) src(%dma_wait3A_278 : memref<1000000x64xf32, #tpu.memory_space<hbm>>) dst(%dma_wait3A_272 : memref<40x64xf32, #tpu.memory_space<vmem>>)
      %dma_wait3A_279 = arith.constant 40 : i32
      %dma_wait3A_280 = arith.constant 0 : i32
      %dma_wait3A_281 = tpu.memref_slice %arg27[%dma_wait3A_279, %dma_wait3A_280] : memref<80x64xf32, #tpu.memory_space<vmem>> -> memref<40x64xf32, #tpu.memory_space<vmem>>
      %dma_wait3A_282 = arith.constant 40 : i32
      %dma_wait3A_283 = tpu.memref_slice %arg15[%add3A_227, %dma_wait3A_282] : memref<80x80xi32, #tpu.memory_space<vmem>> -> memref<1x40xi32, #tpu.memory_space<vmem>>
      %dma_wait3A_284 = tpu.memref_squeeze %dma_wait3A_283 : memref<1x40xi32, #tpu.memory_space<vmem>> -> memref<40xi32, #tpu.memory_space<vmem>>
      %dma_wait3A_285 = arith.constant 0 : i32
      %dma_wait3A_286 = arith.constant 0 : i32
      %dma_wait3A_287 = tpu.memref_slice %arg8[%dma_wait3A_285, %dma_wait3A_286] : memref<1000000x64xf32, #tpu.memory_space<hbm>> -> memref<1000000x64xf32, #tpu.memory_space<hbm>>
      tpu.wait_indirect_dma semaphore(%arg37 : memref<!tpu.dma_semaphore, #tpu.memory_space<semaphore_mem>>) src(%dma_wait3A_287 : memref<1000000x64xf32, #tpu.memory_space<hbm>>) dst(%dma_wait3A_281 : memref<40x64xf32, #tpu.memory_space<vmem>>)
      %dma_wait3A_288 = arith.constant 0 : i32
      %dma_wait3A_289 = tpu.memref_slice %arg16[%add3A_227, %dma_wait3A_288] : memref<80x80xi32, #tpu.memory_space<vmem>> -> memref<1x80xi32, #tpu.memory_space<vmem>>
      %dma_wait3A_290 = tpu.memref_squeeze %dma_wait3A_289 : memref<1x80xi32, #tpu.memory_space<vmem>> -> memref<80xi32, #tpu.memory_space<vmem>>
      %dma_wait3A_291 = arith.constant 0 : i32
      %dma_wait3A_292 = arith.constant 0 : i32
      %dma_wait3A_293 = tpu.memref_slice %arg48[%dma_wait3A_291, %dma_wait3A_292] : memref<1000x64xf32, #tpu.memory_space<vmem_shared>> -> memref<1000x64xf32, #tpu.memory_space<vmem_shared>>
      tpu.wait_indirect_dma semaphore(%arg39 : memref<!tpu.dma_semaphore, #tpu.memory_space<semaphore_mem>>) src(%dma_wait3A_293 : memref<1000x64xf32, #tpu.memory_space<vmem_shared>>) dst(%arg28 : memref<80x64xf32, #tpu.memory_space<vmem>>)
      %dma_wait3A_294 = arith.constant 0 : i32
      %dma_wait3A_295 = tpu.memref_slice %arg17[%add3A_227, %dma_wait3A_294] : memref<80x80xi32, #tpu.memory_space<vmem>> -> memref<1x80xi32, #tpu.memory_space<vmem>>
      %dma_wait3A_296 = tpu.memref_squeeze %dma_wait3A_295 : memref<1x80xi32, #tpu.memory_space<vmem>> -> memref<80xi32, #tpu.memory_space<vmem>>
      %dma_wait3A_297 = arith.constant 0 : i32
      %dma_wait3A_298 = arith.constant 0 : i32
      %dma_wait3A_299 = tpu.memref_slice %arg49[%dma_wait3A_297, %dma_wait3A_298] : memref<1000x64xf32, #tpu.memory_space<vmem_shared>> -> memref<1000x64xf32, #tpu.memory_space<vmem_shared>>
      tpu.wait_indirect_dma semaphore(%arg39 : memref<!tpu.dma_semaphore, #tpu.memory_space<semaphore_mem>>) src(%dma_wait3A_299 : memref<1000x64xf32, #tpu.memory_space<vmem_shared>>) dst(%arg29 : memref<80x64xf32, #tpu.memory_space<vmem>>)
      %dma_wait3A_300 = arith.constant 0 : i32
      %dma_wait3A_301 = tpu.memref_slice %arg18[%add3A_227, %dma_wait3A_300] : memref<80x80xi32, #tpu.memory_space<vmem>> -> memref<1x80xi32, #tpu.memory_space<vmem>>
      %dma_wait3A_302 = tpu.memref_squeeze %dma_wait3A_301 : memref<1x80xi32, #tpu.memory_space<vmem>> -> memref<80xi32, #tpu.memory_space<vmem>>
      %dma_wait3A_303 = arith.constant 0 : i32
      %dma_wait3A_304 = arith.constant 0 : i32
      %dma_wait3A_305 = tpu.memref_slice %arg50[%dma_wait3A_303, %dma_wait3A_304] : memref<1000x64xf32, #tpu.memory_space<vmem_shared>> -> memref<1000x64xf32, #tpu.memory_space<vmem_shared>>
      tpu.wait_indirect_dma semaphore(%arg39 : memref<!tpu.dma_semaphore, #tpu.memory_space<semaphore_mem>>) src(%dma_wait3A_305 : memref<1000x64xf32, #tpu.memory_space<vmem_shared>>) dst(%arg30 : memref<80x64xf32, #tpu.memory_space<vmem>>)
      %dma_wait3A_306 = arith.constant 0 : i32
      %dma_wait3A_307 = tpu.memref_slice %arg19[%add3A_227, %dma_wait3A_306] : memref<80x80xi32, #tpu.memory_space<vmem>> -> memref<1x80xi32, #tpu.memory_space<vmem>>
      %dma_wait3A_308 = tpu.memref_squeeze %dma_wait3A_307 : memref<1x80xi32, #tpu.memory_space<vmem>> -> memref<80xi32, #tpu.memory_space<vmem>>
      %dma_wait3A_309 = arith.constant 0 : i32
      %dma_wait3A_310 = arith.constant 0 : i32
      %dma_wait3A_311 = tpu.memref_slice %arg51[%dma_wait3A_309, %dma_wait3A_310] : memref<32x64xf32, #tpu.memory_space<vmem_shared>> -> memref<32x64xf32, #tpu.memory_space<vmem_shared>>
      tpu.wait_indirect_dma semaphore(%arg39 : memref<!tpu.dma_semaphore, #tpu.memory_space<semaphore_mem>>) src(%dma_wait3A_311 : memref<32x64xf32, #tpu.memory_space<vmem_shared>>) dst(%arg31 : memref<80x64xf32, #tpu.memory_space<vmem>>)
      %ge3A_312 = arith.constant 1 : i32
      %ge3A_313 = arith.cmpi sge, %scan3A_112, %ge3A_312 : i32
      %convert_element_type3A_314 = arith.extui %ge3A_313 : i1 to i32
      %cond3A_315 = arith.constant 0 : i32
      %cond3A_316 = arith.cmpi ne, %convert_element_type3A_314, %cond3A_315 : i32
      scf.if %cond3A_316 {
        %sub3A = arith.constant 2 : i32
        %sub3A_337 = arith.subi %add3A_227, %sub3A : i32
        %mul3A_338 = arith.constant 80 : i32
        %mul3A_339 = arith.muli %sub3A_337, %mul3A_338 : i32
        %add3A_340 = arith.addi %mul3A_2, %mul3A_339 : i32
        %dma_wait3A_341 = arith.constant 0 : i32
        %dma_wait3A_342 = tpu.memref_slice %arg13[%add3A_340, %dma_wait3A_341] : memref<204800x64xf32, #tpu.memory_space<hbm>> -> memref<80x64xf32, #tpu.memory_space<hbm>>
        %dma_wait3A_343 = arith.constant 0 : i32
        %dma_wait3A_344 = tpu.memref_slice %arg13[%add3A_340, %dma_wait3A_343] : memref<204800x64xf32, #tpu.memory_space<hbm>> -> memref<80x64xf32, #tpu.memory_space<hbm>>
        tpu.wait_dma2 semaphore(%arg47 : memref<!tpu.dma_semaphore, #tpu.memory_space<semaphore_mem>>) src(%arg33 : memref<80x64xf32, #tpu.memory_space<vmem>>) dst(%dma_wait3A_344 : memref<80x64xf32, #tpu.memory_space<hbm>>)
      } else {
      }
      %scan3A_317 = arith.constant 0 : i32
      %scan3A_318 = arith.constant 0 : i32
      %scan3A_319 = arith.constant 80 : i32
      %scan3A_320 = arith.addi %scan3A_318, %scan3A_319 : i32
      %scan3A_321 = arith.constant 2 : i32
      %scan3A_322 = scf.for %scan3A_337 = %scan3A_318 to %scan3A_320 step %scan3A_321 iter_args(%scan3A_338 = %scan3A_317) -> (i32)  : i32 {
        %get3A = arith.index_cast %scan3A_337 : i32 to index
        %get3A_339 = arith.constant 0 : index
        %get3A_340 = tpu.vector_load %arg26[%get3A, %get3A_339] {strides = array<i32>} : memref<80x64xf32, #tpu.memory_space<vmem>>, vector<1x16xf32>,
        %get3A_341 = vector.shape_cast %get3A_340 : vector<1x16xf32> to vector<16xf32>
        %get3A_342 = arith.index_cast %scan3A_337 : i32 to index
        %get3A_343 = arith.constant 0 : index
        %get3A_344 = tpu.vector_load %arg27[%get3A_342, %get3A_343] {strides = array<i32>} : memref<80x64xf32, #tpu.memory_space<vmem>>, vector<1x16xf32>,
        %get3A_345 = vector.shape_cast %get3A_344 : vector<1x16xf32> to vector<16xf32>
        %add3A_346 = arith.addf %get3A_341, %get3A_345 : vector<16xf32>
        %get3A_347 = arith.index_cast %scan3A_337 : i32 to index
        %get3A_348 = arith.constant 0 : index
        %get3A_349 = tpu.vector_load %arg28[%get3A_347, %get3A_348] {strides = array<i32>} : memref<80x64xf32, #tpu.memory_space<vmem>>, vector<1x16xf32>,
        %get3A_350 = vector.shape_cast %get3A_349 : vector<1x16xf32> to vector<16xf32>
        %get3A_351 = arith.index_cast %scan3A_337 : i32 to index
        %get3A_352 = arith.constant 0 : index
        %get3A_353 = tpu.vector_load %arg29[%get3A_351, %get3A_352] {strides = array<i32>} : memref<80x64xf32, #tpu.memory_space<vmem>>, vector<1x16xf32>,
        %get3A_354 = vector.shape_cast %get3A_353 : vector<1x16xf32> to vector<16xf32>
        %add3A_355 = arith.addf %get3A_350, %get3A_354 : vector<16xf32>
        %add3A_356 = arith.addf %add3A_346, %add3A_355 : vector<16xf32>
        %get3A_357 = arith.index_cast %scan3A_337 : i32 to index
        %get3A_358 = arith.constant 0 : index
        %get3A_359 = tpu.vector_load %arg30[%get3A_357, %get3A_358] {strides = array<i32>} : memref<80x64xf32, #tpu.memory_space<vmem>>, vector<1x16xf32>,
        %get3A_360 = vector.shape_cast %get3A_359 : vector<1x16xf32> to vector<16xf32>
        %get3A_361 = arith.index_cast %scan3A_337 : i32 to index
        %get3A_362 = arith.constant 0 : index
        %get3A_363 = tpu.vector_load %arg31[%get3A_361, %get3A_362] {strides = array<i32>} : memref<80x64xf32, #tpu.memory_space<vmem>>, vector<1x16xf32>,
        %get3A_364 = vector.shape_cast %get3A_363 : vector<1x16xf32> to vector<16xf32>
        %add3A_365 = arith.addf %get3A_360, %get3A_364 : vector<16xf32>
        %add3A_366 = arith.addf %add3A_356, %add3A_365 : vector<16xf32>
        %swap3A = arith.index_cast %scan3A_337 : i32 to index
        %swap3A_367 = arith.constant 0 : index
        %swap3A_368 = tpu.vector_load %arg33[%swap3A, %swap3A_367] {strides = array<i32>} : memref<80x64xf32, #tpu.memory_space<vmem>>, vector<1x16xf32>,
        %swap3A_369 = vector.shape_cast %swap3A_368 : vector<1x16xf32> to vector<16xf32>
        %swap3A_370 = vector.shape_cast %add3A_366 : vector<16xf32> to vector<1x16xf32>
        tpu.vector_store %arg33[%swap3A, %swap3A_367], %swap3A_370 {strides = array<i32>} : memref<80x64xf32, #tpu.memory_space<vmem>>, vector<1x16xf32>,
        %get3A_371 = arith.index_cast %scan3A_337 : i32 to index
        %get3A_372 = arith.constant 16 : index
        %get3A_373 = tpu.vector_load %arg26[%get3A_371, %get3A_372] {strides = array<i32>} : memref<80x64xf32, #tpu.memory_space<vmem>>, vector<1x16xf32>,
        %get3A_374 = vector.shape_cast %get3A_373 : vector<1x16xf32> to vector<16xf32>
        %get3A_375 = arith.index_cast %scan3A_337 : i32 to index
        %get3A_376 = arith.constant 16 : index
        %get3A_377 = tpu.vector_load %arg27[%get3A_375, %get3A_376] {strides = array<i32>} : memref<80x64xf32, #tpu.memory_space<vmem>>, vector<1x16xf32>,
        %get3A_378 = vector.shape_cast %get3A_377 : vector<1x16xf32> to vector<16xf32>
        %add3A_379 = arith.addf %get3A_374, %get3A_378 : vector<16xf32>
        %get3A_380 = arith.index_cast %scan3A_337 : i32 to index
        %get3A_381 = arith.constant 16 : index
        %get3A_382 = tpu.vector_load %arg28[%get3A_380, %get3A_381] {strides = array<i32>} : memref<80x64xf32, #tpu.memory_space<vmem>>, vector<1x16xf32>,
        %get3A_383 = vector.shape_cast %get3A_382 : vector<1x16xf32> to vector<16xf32>
        %get3A_384 = arith.index_cast %scan3A_337 : i32 to index
        %get3A_385 = arith.constant 16 : index
        %get3A_386 = tpu.vector_load %arg29[%get3A_384, %get3A_385] {strides = array<i32>} : memref<80x64xf32, #tpu.memory_space<vmem>>, vector<1x16xf32>,
        %get3A_387 = vector.shape_cast %get3A_386 : vector<1x16xf32> to vector<16xf32>
        %add3A_388 = arith.addf %get3A_383, %get3A_387 : vector<16xf32>
        %add3A_389 = arith.addf %add3A_379, %add3A_388 : vector<16xf32>
        %get3A_390 = arith.index_cast %scan3A_337 : i32 to index
        %get3A_391 = arith.constant 16 : index
        %get3A_392 = tpu.vector_load %arg30[%get3A_390, %get3A_391] {strides = array<i32>} : memref<80x64xf32, #tpu.memory_space<vmem>>, vector<1x16xf32>,
        %get3A_393 = vector.shape_cast %get3A_392 : vector<1x16xf32> to vector<16xf32>
        %get3A_394 = arith.index_cast %scan3A_337 : i32 to index
        %get3A_395 = arith.constant 16 : index
        %get3A_396 = tpu.vector_load %arg31[%get3A_394, %get3A_395] {strides = array<i32>} : memref<80x64xf32, #tpu.memory_space<vmem>>, vector<1x16xf32>,
        %get3A_397 = vector.shape_cast %get3A_396 : vector<1x16xf32> to vector<16xf32>
        %add3A_398 = arith.addf %get3A_393, %get3A_397 : vector<16xf32>
        %add3A_399 = arith.addf %add3A_389, %add3A_398 : vector<16xf32>
        %swap3A_400 = arith.index_cast %scan3A_337 : i32 to index
        %swap3A_401 = arith.constant 16 : index
        %swap3A_402 = tpu.vector_load %arg33[%swap3A_400, %swap3A_401] {strides = array<i32>} : memref<80x64xf32, #tpu.memory_space<vmem>>, vector<1x16xf32>,
        %swap3A_403 = vector.shape_cast %swap3A_402 : vector<1x16xf32> to vector<16xf32>
        %swap3A_404 = vector.shape_cast %add3A_399 : vector<16xf32> to vector<1x16xf32>
        tpu.vector_store %arg33[%swap3A_400, %swap3A_401], %swap3A_404 {strides = array<i32>} : memref<80x64xf32, #tpu.memory_space<vmem>>, vector<1x16xf32>,
        %get3A_405 = arith.index_cast %scan3A_337 : i32 to index
        %get3A_406 = arith.constant 32 : index
        %get3A_407 = tpu.vector_load %arg26[%get3A_405, %get3A_406] {strides = array<i32>} : memref<80x64xf32, #tpu.memory_space<vmem>>, vector<1x16xf32>,
        %get3A_408 = vector.shape_cast %get3A_407 : vector<1x16xf32> to vector<16xf32>
        %get3A_409 = arith.index_cast %scan3A_337 : i32 to index
        %get3A_410 = arith.constant 32 : index
        %get3A_411 = tpu.vector_load %arg27[%get3A_409, %get3A_410] {strides = array<i32>} : memref<80x64xf32, #tpu.memory_space<vmem>>, vector<1x16xf32>,
        %get3A_412 = vector.shape_cast %get3A_411 : vector<1x16xf32> to vector<16xf32>
        %add3A_413 = arith.addf %get3A_408, %get3A_412 : vector<16xf32>
        %get3A_414 = arith.index_cast %scan3A_337 : i32 to index
        %get3A_415 = arith.constant 32 : index
        %get3A_416 = tpu.vector_load %arg28[%get3A_414, %get3A_415] {strides = array<i32>} : memref<80x64xf32, #tpu.memory_space<vmem>>, vector<1x16xf32>,
        %get3A_417 = vector.shape_cast %get3A_416 : vector<1x16xf32> to vector<16xf32>
        %get3A_418 = arith.index_cast %scan3A_337 : i32 to index
        %get3A_419 = arith.constant 32 : index
        %get3A_420 = tpu.vector_load %arg29[%get3A_418, %get3A_419] {strides = array<i32>} : memref<80x64xf32, #tpu.memory_space<vmem>>, vector<1x16xf32>,
        %get3A_421 = vector.shape_cast %get3A_420 : vector<1x16xf32> to vector<16xf32>
        %add3A_422 = arith.addf %get3A_417, %get3A_421 : vector<16xf32>
        %add3A_423 = arith.addf %add3A_413, %add3A_422 : vector<16xf32>
        %get3A_424 = arith.index_cast %scan3A_337 : i32 to index
        %get3A_425 = arith.constant 32 : index
        %get3A_426 = tpu.vector_load %arg30[%get3A_424, %get3A_425] {strides = array<i32>} : memref<80x64xf32, #tpu.memory_space<vmem>>, vector<1x16xf32>,
        %get3A_427 = vector.shape_cast %get3A_426 : vector<1x16xf32> to vector<16xf32>
        %get3A_428 = arith.index_cast %scan3A_337 : i32 to index
        %get3A_429 = arith.constant 32 : index
        %get3A_430 = tpu.vector_load %arg31[%get3A_428, %get3A_429] {strides = array<i32>} : memref<80x64xf32, #tpu.memory_space<vmem>>, vector<1x16xf32>,
        %get3A_431 = vector.shape_cast %get3A_430 : vector<1x16xf32> to vector<16xf32>
        %add3A_432 = arith.addf %get3A_427, %get3A_431 : vector<16xf32>
        %add3A_433 = arith.addf %add3A_423, %add3A_432 : vector<16xf32>
        %swap3A_434 = arith.index_cast %scan3A_337 : i32 to index
        %swap3A_435 = arith.constant 32 : index
        %swap3A_436 = tpu.vector_load %arg33[%swap3A_434, %swap3A_435] {strides = array<i32>} : memref<80x64xf32, #tpu.memory_space<vmem>>, vector<1x16xf32>,
        %swap3A_437 = vector.shape_cast %swap3A_436 : vector<1x16xf32> to vector<16xf32>
        %swap3A_438 = vector.shape_cast %add3A_433 : vector<16xf32> to vector<1x16xf32>
        tpu.vector_store %arg33[%swap3A_434, %swap3A_435], %swap3A_438 {strides = array<i32>} : memref<80x64xf32, #tpu.memory_space<vmem>>, vector<1x16xf32>,
        %get3A_439 = arith.index_cast %scan3A_337 : i32 to index
        %get3A_440 = arith.constant 48 : index
        %get3A_441 = tpu.vector_load %arg26[%get3A_439, %get3A_440] {strides = array<i32>} : memref<80x64xf32, #tpu.memory_space<vmem>>, vector<1x16xf32>,
        %get3A_442 = vector.shape_cast %get3A_441 : vector<1x16xf32> to vector<16xf32>
        %get3A_443 = arith.index_cast %scan3A_337 : i32 to index
        %get3A_444 = arith.constant 48 : index
        %get3A_445 = tpu.vector_load %arg27[%get3A_443, %get3A_444] {strides = array<i32>} : memref<80x64xf32, #tpu.memory_space<vmem>>, vector<1x16xf32>,
        %get3A_446 = vector.shape_cast %get3A_445 : vector<1x16xf32> to vector<16xf32>
        %add3A_447 = arith.addf %get3A_442, %get3A_446 : vector<16xf32>
        %get3A_448 = arith.index_cast %scan3A_337 : i32 to index
        %get3A_449 = arith.constant 48 : index
        %get3A_450 = tpu.vector_load %arg28[%get3A_448, %get3A_449] {strides = array<i32>} : memref<80x64xf32, #tpu.memory_space<vmem>>, vector<1x16xf32>,
        %get3A_451 = vector.shape_cast %get3A_450 : vector<1x16xf32> to vector<16xf32>
        %get3A_452 = arith.index_cast %scan3A_337 : i32 to index
        %get3A_453 = arith.constant 48 : index
        %get3A_454 = tpu.vector_load %arg29[%get3A_452, %get3A_453] {strides = array<i32>} : memref<80x64xf32, #tpu.memory_space<vmem>>, vector<1x16xf32>,
        %get3A_455 = vector.shape_cast %get3A_454 : vector<1x16xf32> to vector<16xf32>
        %add3A_456 = arith.addf %get3A_451, %get3A_455 : vector<16xf32>
        %add3A_457 = arith.addf %add3A_447, %add3A_456 : vector<16xf32>
        %get3A_458 = arith.index_cast %scan3A_337 : i32 to index
        %get3A_459 = arith.constant 48 : index
        %get3A_460 = tpu.vector_load %arg30[%get3A_458, %get3A_459] {strides = array<i32>} : memref<80x64xf32, #tpu.memory_space<vmem>>, vector<1x16xf32>,
        %get3A_461 = vector.shape_cast %get3A_460 : vector<1x16xf32> to vector<16xf32>
        %get3A_462 = arith.index_cast %scan3A_337 : i32 to index
        %get3A_463 = arith.constant 48 : index
        %get3A_464 = tpu.vector_load %arg31[%get3A_462, %get3A_463] {strides = array<i32>} : memref<80x64xf32, #tpu.memory_space<vmem>>, vector<1x16xf32>,
        %get3A_465 = vector.shape_cast %get3A_464 : vector<1x16xf32> to vector<16xf32>
        %add3A_466 = arith.addf %get3A_461, %get3A_465 : vector<16xf32>
        %add3A_467 = arith.addf %add3A_457, %add3A_466 : vector<16xf32>
        %swap3A_468 = arith.index_cast %scan3A_337 : i32 to index
        %swap3A_469 = arith.constant 48 : index
        %swap3A_470 = tpu.vector_load %arg33[%swap3A_468, %swap3A_469] {strides = array<i32>} : memref<80x64xf32, #tpu.memory_space<vmem>>, vector<1x16xf32>,
        %swap3A_471 = vector.shape_cast %swap3A_470 : vector<1x16xf32> to vector<16xf32>
        %swap3A_472 = vector.shape_cast %add3A_467 : vector<16xf32> to vector<1x16xf32>
        tpu.vector_store %arg33[%swap3A_468, %swap3A_469], %swap3A_472 {strides = array<i32>} : memref<80x64xf32, #tpu.memory_space<vmem>>, vector<1x16xf32>,
        %scan3A_473 = arith.constant 0 : i32
        %scan3A_474 = arith.constant 1 : i32
        %scan3A_475 = arith.addi %scan3A_337, %scan3A_474 : i32
        %get3A_476 = arith.index_cast %scan3A_475 : i32 to index
        %get3A_477 = arith.constant 0 : index
        %get3A_478 = tpu.vector_load %arg26[%get3A_476, %get3A_477] {strides = array<i32>} : memref<80x64xf32, #tpu.memory_space<vmem>>, vector<1x16xf32>,
        %get3A_479 = vector.shape_cast %get3A_478 : vector<1x16xf32> to vector<16xf32>
        %get3A_480 = arith.index_cast %scan3A_475 : i32 to index
        %get3A_481 = arith.constant 0 : index
        %get3A_482 = tpu.vector_load %arg27[%get3A_480, %get3A_481] {strides = array<i32>} : memref<80x64xf32, #tpu.memory_space<vmem>>, vector<1x16xf32>,
        %get3A_483 = vector.shape_cast %get3A_482 : vector<1x16xf32> to vector<16xf32>
        %add3A_484 = arith.addf %get3A_479, %get3A_483 : vector<16xf32>
        %get3A_485 = arith.index_cast %scan3A_475 : i32 to index
        %get3A_486 = arith.constant 0 : index
        %get3A_487 = tpu.vector_load %arg28[%get3A_485, %get3A_486] {strides = array<i32>} : memref<80x64xf32, #tpu.memory_space<vmem>>, vector<1x16xf32>,
        %get3A_488 = vector.shape_cast %get3A_487 : vector<1x16xf32> to vector<16xf32>
        %get3A_489 = arith.index_cast %scan3A_475 : i32 to index
        %get3A_490 = arith.constant 0 : index
        %get3A_491 = tpu.vector_load %arg29[%get3A_489, %get3A_490] {strides = array<i32>} : memref<80x64xf32, #tpu.memory_space<vmem>>, vector<1x16xf32>,
        %get3A_492 = vector.shape_cast %get3A_491 : vector<1x16xf32> to vector<16xf32>
        %add3A_493 = arith.addf %get3A_488, %get3A_492 : vector<16xf32>
        %add3A_494 = arith.addf %add3A_484, %add3A_493 : vector<16xf32>
        %get3A_495 = arith.index_cast %scan3A_475 : i32 to index
        %get3A_496 = arith.constant 0 : index
        %get3A_497 = tpu.vector_load %arg30[%get3A_495, %get3A_496] {strides = array<i32>} : memref<80x64xf32, #tpu.memory_space<vmem>>, vector<1x16xf32>,
        %get3A_498 = vector.shape_cast %get3A_497 : vector<1x16xf32> to vector<16xf32>
        %get3A_499 = arith.index_cast %scan3A_475 : i32 to index
        %get3A_500 = arith.constant 0 : index
        %get3A_501 = tpu.vector_load %arg31[%get3A_499, %get3A_500] {strides = array<i32>} : memref<80x64xf32, #tpu.memory_space<vmem>>, vector<1x16xf32>,
        %get3A_502 = vector.shape_cast %get3A_501 : vector<1x16xf32> to vector<16xf32>
        %add3A_503 = arith.addf %get3A_498, %get3A_502 : vector<16xf32>
        %add3A_504 = arith.addf %add3A_494, %add3A_503 : vector<16xf32>
        %swap3A_505 = arith.index_cast %scan3A_475 : i32 to index
        %swap3A_506 = arith.constant 0 : index
        %swap3A_507 = tpu.vector_load %arg33[%swap3A_505, %swap3A_506] {strides = array<i32>} : memref<80x64xf32, #tpu.memory_space<vmem>>, vector<1x16xf32>,
        %swap3A_508 = vector.shape_cast %swap3A_507 : vector<1x16xf32> to vector<16xf32>
        %swap3A_509 = vector.shape_cast %add3A_504 : vector<16xf32> to vector<1x16xf32>
        tpu.vector_store %arg33[%swap3A_505, %swap3A_506], %swap3A_509 {strides = array<i32>} : memref<80x64xf32, #tpu.memory_space<vmem>>, vector<1x16xf32>,
        %get3A_510 = arith.index_cast %scan3A_475 : i32 to index
        %get3A_511 = arith.constant 16 : index
        %get3A_512 = tpu.vector_load %arg26[%get3A_510, %get3A_511] {strides = array<i32>} : memref<80x64xf32, #tpu.memory_space<vmem>>, vector<1x16xf32>,
        %get3A_513 = vector.shape_cast %get3A_512 : vector<1x16xf32> to vector<16xf32>
        %get3A_514 = arith.index_cast %scan3A_475 : i32 to index
        %get3A_515 = arith.constant 16 : index
        %get3A_516 = tpu.vector_load %arg27[%get3A_514, %get3A_515] {strides = array<i32>} : memref<80x64xf32, #tpu.memory_space<vmem>>, vector<1x16xf32>,
        %get3A_517 = vector.shape_cast %get3A_516 : vector<1x16xf32> to vector<16xf32>
        %add3A_518 = arith.addf %get3A_513, %get3A_517 : vector<16xf32>
        %get3A_519 = arith.index_cast %scan3A_475 : i32 to index
        %get3A_520 = arith.constant 16 : index
        %get3A_521 = tpu.vector_load %arg28[%get3A_519, %get3A_520] {strides = array<i32>} : memref<80x64xf32, #tpu.memory_space<vmem>>, vector<1x16xf32>,
        %get3A_522 = vector.shape_cast %get3A_521 : vector<1x16xf32> to vector<16xf32>
        %get3A_523 = arith.index_cast %scan3A_475 : i32 to index
        %get3A_524 = arith.constant 16 : index
        %get3A_525 = tpu.vector_load %arg29[%get3A_523, %get3A_524] {strides = array<i32>} : memref<80x64xf32, #tpu.memory_space<vmem>>, vector<1x16xf32>,
        %get3A_526 = vector.shape_cast %get3A_525 : vector<1x16xf32> to vector<16xf32>
        %add3A_527 = arith.addf %get3A_522, %get3A_526 : vector<16xf32>
        %add3A_528 = arith.addf %add3A_518, %add3A_527 : vector<16xf32>
        %get3A_529 = arith.index_cast %scan3A_475 : i32 to index
        %get3A_530 = arith.constant 16 : index
        %get3A_531 = tpu.vector_load %arg30[%get3A_529, %get3A_530] {strides = array<i32>} : memref<80x64xf32, #tpu.memory_space<vmem>>, vector<1x16xf32>,
        %get3A_532 = vector.shape_cast %get3A_531 : vector<1x16xf32> to vector<16xf32>
        %get3A_533 = arith.index_cast %scan3A_475 : i32 to index
        %get3A_534 = arith.constant 16 : index
        %get3A_535 = tpu.vector_load %arg31[%get3A_533, %get3A_534] {strides = array<i32>} : memref<80x64xf32, #tpu.memory_space<vmem>>, vector<1x16xf32>,
        %get3A_536 = vector.shape_cast %get3A_535 : vector<1x16xf32> to vector<16xf32>
        %add3A_537 = arith.addf %get3A_532, %get3A_536 : vector<16xf32>
        %add3A_538 = arith.addf %add3A_528, %add3A_537 : vector<16xf32>
        %swap3A_539 = arith.index_cast %scan3A_475 : i32 to index
        %swap3A_540 = arith.constant 16 : index
        %swap3A_541 = tpu.vector_load %arg33[%swap3A_539, %swap3A_540] {strides = array<i32>} : memref<80x64xf32, #tpu.memory_space<vmem>>, vector<1x16xf32>,
        %swap3A_542 = vector.shape_cast %swap3A_541 : vector<1x16xf32> to vector<16xf32>
        %swap3A_543 = vector.shape_cast %add3A_538 : vector<16xf32> to vector<1x16xf32>
        tpu.vector_store %arg33[%swap3A_539, %swap3A_540], %swap3A_543 {strides = array<i32>} : memref<80x64xf32, #tpu.memory_space<vmem>>, vector<1x16xf32>,
        %get3A_544 = arith.index_cast %scan3A_475 : i32 to index
        %get3A_545 = arith.constant 32 : index
        %get3A_546 = tpu.vector_load %arg26[%get3A_544, %get3A_545] {strides = array<i32>} : memref<80x64xf32, #tpu.memory_space<vmem>>, vector<1x16xf32>,
        %get3A_547 = vector.shape_cast %get3A_546 : vector<1x16xf32> to vector<16xf32>
        %get3A_548 = arith.index_cast %scan3A_475 : i32 to index
        %get3A_549 = arith.constant 32 : index
        %get3A_550 = tpu.vector_load %arg27[%get3A_548, %get3A_549] {strides = array<i32>} : memref<80x64xf32, #tpu.memory_space<vmem>>, vector<1x16xf32>,
        %get3A_551 = vector.shape_cast %get3A_550 : vector<1x16xf32> to vector<16xf32>
        %add3A_552 = arith.addf %get3A_547, %get3A_551 : vector<16xf32>
        %get3A_553 = arith.index_cast %scan3A_475 : i32 to index
        %get3A_554 = arith.constant 32 : index
        %get3A_555 = tpu.vector_load %arg28[%get3A_553, %get3A_554] {strides = array<i32>} : memref<80x64xf32, #tpu.memory_space<vmem>>, vector<1x16xf32>,
        %get3A_556 = vector.shape_cast %get3A_555 : vector<1x16xf32> to vector<16xf32>
        %get3A_557 = arith.index_cast %scan3A_475 : i32 to index
        %get3A_558 = arith.constant 32 : index
        %get3A_559 = tpu.vector_load %arg29[%get3A_557, %get3A_558] {strides = array<i32>} : memref<80x64xf32, #tpu.memory_space<vmem>>, vector<1x16xf32>,
        %get3A_560 = vector.shape_cast %get3A_559 : vector<1x16xf32> to vector<16xf32>
        %add3A_561 = arith.addf %get3A_556, %get3A_560 : vector<16xf32>
        %add3A_562 = arith.addf %add3A_552, %add3A_561 : vector<16xf32>
        %get3A_563 = arith.index_cast %scan3A_475 : i32 to index
        %get3A_564 = arith.constant 32 : index
        %get3A_565 = tpu.vector_load %arg30[%get3A_563, %get3A_564] {strides = array<i32>} : memref<80x64xf32, #tpu.memory_space<vmem>>, vector<1x16xf32>,
        %get3A_566 = vector.shape_cast %get3A_565 : vector<1x16xf32> to vector<16xf32>
        %get3A_567 = arith.index_cast %scan3A_475 : i32 to index
        %get3A_568 = arith.constant 32 : index
        %get3A_569 = tpu.vector_load %arg31[%get3A_567, %get3A_568] {strides = array<i32>} : memref<80x64xf32, #tpu.memory_space<vmem>>, vector<1x16xf32>,
        %get3A_570 = vector.shape_cast %get3A_569 : vector<1x16xf32> to vector<16xf32>
        %add3A_571 = arith.addf %get3A_566, %get3A_570 : vector<16xf32>
        %add3A_572 = arith.addf %add3A_562, %add3A_571 : vector<16xf32>
        %swap3A_573 = arith.index_cast %scan3A_475 : i32 to index
        %swap3A_574 = arith.constant 32 : index
        %swap3A_575 = tpu.vector_load %arg33[%swap3A_573, %swap3A_574] {strides = array<i32>} : memref<80x64xf32, #tpu.memory_space<vmem>>, vector<1x16xf32>,
        %swap3A_576 = vector.shape_cast %swap3A_575 : vector<1x16xf32> to vector<16xf32>
        %swap3A_577 = vector.shape_cast %add3A_572 : vector<16xf32> to vector<1x16xf32>
        tpu.vector_store %arg33[%swap3A_573, %swap3A_574], %swap3A_577 {strides = array<i32>} : memref<80x64xf32, #tpu.memory_space<vmem>>, vector<1x16xf32>,
        %get3A_578 = arith.index_cast %scan3A_475 : i32 to index
        %get3A_579 = arith.constant 48 : index
        %get3A_580 = tpu.vector_load %arg26[%get3A_578, %get3A_579] {strides = array<i32>} : memref<80x64xf32, #tpu.memory_space<vmem>>, vector<1x16xf32>,
        %get3A_581 = vector.shape_cast %get3A_580 : vector<1x16xf32> to vector<16xf32>
        %get3A_582 = arith.index_cast %scan3A_475 : i32 to index
        %get3A_583 = arith.constant 48 : index
        %get3A_584 = tpu.vector_load %arg27[%get3A_582, %get3A_583] {strides = array<i32>} : memref<80x64xf32, #tpu.memory_space<vmem>>, vector<1x16xf32>,
        %get3A_585 = vector.shape_cast %get3A_584 : vector<1x16xf32> to vector<16xf32>
        %add3A_586 = arith.addf %get3A_581, %get3A_585 : vector<16xf32>
        %get3A_587 = arith.index_cast %scan3A_475 : i32 to index
        %get3A_588 = arith.constant 48 : index
        %get3A_589 = tpu.vector_load %arg28[%get3A_587, %get3A_588] {strides = array<i32>} : memref<80x64xf32, #tpu.memory_space<vmem>>, vector<1x16xf32>,
        %get3A_590 = vector.shape_cast %get3A_589 : vector<1x16xf32> to vector<16xf32>
        %get3A_591 = arith.index_cast %scan3A_475 : i32 to index
        %get3A_592 = arith.constant 48 : index
        %get3A_593 = tpu.vector_load %arg29[%get3A_591, %get3A_592] {strides = array<i32>} : memref<80x64xf32, #tpu.memory_space<vmem>>, vector<1x16xf32>,
        %get3A_594 = vector.shape_cast %get3A_593 : vector<1x16xf32> to vector<16xf32>
        %add3A_595 = arith.addf %get3A_590, %get3A_594 : vector<16xf32>
        %add3A_596 = arith.addf %add3A_586, %add3A_595 : vector<16xf32>
        %get3A_597 = arith.index_cast %scan3A_475 : i32 to index
        %get3A_598 = arith.constant 48 : index
        %get3A_599 = tpu.vector_load %arg30[%get3A_597, %get3A_598] {strides = array<i32>} : memref<80x64xf32, #tpu.memory_space<vmem>>, vector<1x16xf32>,
        %get3A_600 = vector.shape_cast %get3A_599 : vector<1x16xf32> to vector<16xf32>
        %get3A_601 = arith.index_cast %scan3A_475 : i32 to index
        %get3A_602 = arith.constant 48 : index
        %get3A_603 = tpu.vector_load %arg31[%get3A_601, %get3A_602] {strides = array<i32>} : memref<80x64xf32, #tpu.memory_space<vmem>>, vector<1x16xf32>,
        %get3A_604 = vector.shape_cast %get3A_603 : vector<1x16xf32> to vector<16xf32>
        %add3A_605 = arith.addf %get3A_600, %get3A_604 : vector<16xf32>
        %add3A_606 = arith.addf %add3A_596, %add3A_605 : vector<16xf32>
        %swap3A_607 = arith.index_cast %scan3A_475 : i32 to index
        %swap3A_608 = arith.constant 48 : index
        %swap3A_609 = tpu.vector_load %arg33[%swap3A_607, %swap3A_608] {strides = array<i32>} : memref<80x64xf32, #tpu.memory_space<vmem>>, vector<1x16xf32>,
        %swap3A_610 = vector.shape_cast %swap3A_609 : vector<1x16xf32> to vector<16xf32>
        %swap3A_611 = vector.shape_cast %add3A_606 : vector<16xf32> to vector<1x16xf32>
        tpu.vector_store %arg33[%swap3A_607, %swap3A_608], %swap3A_611 {strides = array<i32>} : memref<80x64xf32, #tpu.memory_space<vmem>>, vector<1x16xf32>,
        %scan3A_612 = arith.constant 0 : i32
        scf.yield %scan3A_612 : i32
      }
      %scan3A_323 = arith.constant 80 : i32
      %mul3A_324 = arith.constant 80 : i32
      %mul3A_325 = arith.muli %add3A_227, %mul3A_324 : i32
      %add3A_326 = arith.addi %mul3A_2, %mul3A_325 : i32
      %dma_start3A_327 = arith.constant 0 : i32
      %dma_start3A_328 = tpu.memref_slice %arg13[%add3A_326, %dma_start3A_327] : memref<204800x64xf32, #tpu.memory_space<hbm>> -> memref<80x64xf32, #tpu.memory_space<hbm>>
      %dma_start3A_329 = arith.constant 0 : i32
      %dma_start3A_330 = tpu.memref_slice %arg13[%add3A_326, %dma_start3A_329] : memref<204800x64xf32, #tpu.memory_space<hbm>> -> memref<80x64xf32, #tpu.memory_space<hbm>>
      tpu.enqueue_dma source(%arg33 : memref<80x64xf32, #tpu.memory_space<vmem>>) target(%dma_start3A_330 : memref<80x64xf32, #tpu.memory_space<hbm>>) target_semaphore(%arg47 : memref<!tpu.dma_semaphore, #tpu.memory_space<semaphore_mem>>)
      %lt3A_331 = arith.constant 39 : i32
      %lt3A_332 = arith.cmpi slt, %scan3A_112, %lt3A_331 : i32
      %convert_element_type3A_333 = arith.extui %lt3A_332 : i1 to i32
      %cond3A_334 = arith.constant 0 : i32
      %cond3A_335 = arith.cmpi ne, %convert_element_type3A_333, %cond3A_334 : i32
      scf.if %cond3A_335 {
        %add3A_337 = arith.constant 2 : i32
        %add3A_338 = arith.addi %add3A_227, %add3A_337 : i32
        %dma_start3A_339 = arith.constant 0 : i32
        %dma_start3A_340 = arith.constant 0 : i32
        %dma_start3A_341 = tpu.memref_slice %arg26[%dma_start3A_339, %dma_start3A_340] : memref<80x64xf32, #tpu.memory_space<vmem>> -> memref<40x64xf32, #tpu.memory_space<vmem>>
        %dma_start3A_342 = arith.constant 0 : i32
        %dma_start3A_343 = tpu.memref_slice %arg14[%add3A_338, %dma_start3A_342] : memref<80x80xi32, #tpu.memory_space<vmem>> -> memref<1x40xi32, #tpu.memory_space<vmem>>
        %dma_start3A_344 = tpu.memref_squeeze %dma_start3A_343 : memref<1x40xi32, #tpu.memory_space<vmem>> -> memref<40xi32, #tpu.memory_space<vmem>>
        %dma_start3A_345 = arith.constant 0 : i32
        %dma_start3A_346 = arith.constant 0 : i32
        %dma_start3A_347 = tpu.memref_slice %arg7[%dma_start3A_345, %dma_start3A_346] : memref<100000x64xf32, #tpu.memory_space<hbm>> -> memref<100000x64xf32, #tpu.memory_space<hbm>>
        tpu.enqueue_indirect_dma source(%dma_start3A_347 : memref<100000x64xf32, #tpu.memory_space<hbm>>) target(%dma_start3A_341 : memref<40x64xf32, #tpu.memory_space<vmem>>) offsets(%dma_start3A_344 : memref<40xi32, #tpu.memory_space<vmem>>) semaphore(%arg35 : memref<!tpu.dma_semaphore, #tpu.memory_space<semaphore_mem>>)
        %dma_start3A_348 = arith.constant 40 : i32
        %dma_start3A_349 = arith.constant 0 : i32
        %dma_start3A_350 = tpu.memref_slice %arg26[%dma_start3A_348, %dma_start3A_349] : memref<80x64xf32, #tpu.memory_space<vmem>> -> memref<40x64xf32, #tpu.memory_space<vmem>>
        %dma_start3A_351 = arith.constant 40 : i32
        %dma_start3A_352 = tpu.memref_slice %arg14[%add3A_338, %dma_start3A_351] : memref<80x80xi32, #tpu.memory_space<vmem>> -> memref<1x40xi32, #tpu.memory_space<vmem>>
        %dma_start3A_353 = tpu.memref_squeeze %dma_start3A_352 : memref<1x40xi32, #tpu.memory_space<vmem>> -> memref<40xi32, #tpu.memory_space<vmem>>
        %dma_start3A_354 = arith.constant 0 : i32
        %dma_start3A_355 = arith.constant 0 : i32
        %dma_start3A_356 = tpu.memref_slice %arg7[%dma_start3A_354, %dma_start3A_355] : memref<100000x64xf32, #tpu.memory_space<hbm>> -> memref<100000x64xf32, #tpu.memory_space<hbm>>
        tpu.enqueue_indirect_dma source(%dma_start3A_356 : memref<100000x64xf32, #tpu.memory_space<hbm>>) target(%dma_start3A_350 : memref<40x64xf32, #tpu.memory_space<vmem>>) offsets(%dma_start3A_353 : memref<40xi32, #tpu.memory_space<vmem>>) semaphore(%arg35 : memref<!tpu.dma_semaphore, #tpu.memory_space<semaphore_mem>>)
        %dma_start3A_357 = arith.constant 0 : i32
        %dma_start3A_358 = arith.constant 0 : i32
        %dma_start3A_359 = tpu.memref_slice %arg27[%dma_start3A_357, %dma_start3A_358] : memref<80x64xf32, #tpu.memory_space<vmem>> -> memref<40x64xf32, #tpu.memory_space<vmem>>
        %dma_start3A_360 = arith.constant 0 : i32
        %dma_start3A_361 = tpu.memref_slice %arg15[%add3A_338, %dma_start3A_360] : memref<80x80xi32, #tpu.memory_space<vmem>> -> memref<1x40xi32, #tpu.memory_space<vmem>>
        %dma_start3A_362 = tpu.memref_squeeze %dma_start3A_361 : memref<1x40xi32, #tpu.memory_space<vmem>> -> memref<40xi32, #tpu.memory_space<vmem>>
        %dma_start3A_363 = arith.constant 0 : i32
        %dma_start3A_364 = arith.constant 0 : i32
        %dma_start3A_365 = tpu.memref_slice %arg8[%dma_start3A_363, %dma_start3A_364] : memref<1000000x64xf32, #tpu.memory_space<hbm>> -> memref<1000000x64xf32, #tpu.memory_space<hbm>>
        tpu.enqueue_indirect_dma source(%dma_start3A_365 : memref<1000000x64xf32, #tpu.memory_space<hbm>>) target(%dma_start3A_359 : memref<40x64xf32, #tpu.memory_space<vmem>>) offsets(%dma_start3A_362 : memref<40xi32, #tpu.memory_space<vmem>>) semaphore(%arg37 : memref<!tpu.dma_semaphore, #tpu.memory_space<semaphore_mem>>)
        %dma_start3A_366 = arith.constant 40 : i32
        %dma_start3A_367 = arith.constant 0 : i32
        %dma_start3A_368 = tpu.memref_slice %arg27[%dma_start3A_366, %dma_start3A_367] : memref<80x64xf32, #tpu.memory_space<vmem>> -> memref<40x64xf32, #tpu.memory_space<vmem>>
        %dma_start3A_369 = arith.constant 40 : i32
        %dma_start3A_370 = tpu.memref_slice %arg15[%add3A_338, %dma_start3A_369] : memref<80x80xi32, #tpu.memory_space<vmem>> -> memref<1x40xi32, #tpu.memory_space<vmem>>
        %dma_start3A_371 = tpu.memref_squeeze %dma_start3A_370 : memref<1x40xi32, #tpu.memory_space<vmem>> -> memref<40xi32, #tpu.memory_space<vmem>>
        %dma_start3A_372 = arith.constant 0 : i32
        %dma_start3A_373 = arith.constant 0 : i32
        %dma_start3A_374 = tpu.memref_slice %arg8[%dma_start3A_372, %dma_start3A_373] : memref<1000000x64xf32, #tpu.memory_space<hbm>> -> memref<1000000x64xf32, #tpu.memory_space<hbm>>
        tpu.enqueue_indirect_dma source(%dma_start3A_374 : memref<1000000x64xf32, #tpu.memory_space<hbm>>) target(%dma_start3A_368 : memref<40x64xf32, #tpu.memory_space<vmem>>) offsets(%dma_start3A_371 : memref<40xi32, #tpu.memory_space<vmem>>) semaphore(%arg37 : memref<!tpu.dma_semaphore, #tpu.memory_space<semaphore_mem>>)
      } else {
      }
      %scan3A_336 = arith.constant 0 : i32
      scf.yield %scan3A_336 : i32
    }
    %scan3A_96 = arith.constant 40 : i32
    %mul3A_97 = arith.constant 78 : i32
    %mul3A_98 = arith.constant 80 : i32
    %mul3A_99 = arith.muli %mul3A_97, %mul3A_98 : i32
    %add3A_100 = arith.addi %mul3A_2, %mul3A_99 : i32
    %dma_wait3A = arith.constant 0 : i32
    %dma_wait3A_101 = tpu.memref_slice %arg13[%add3A_100, %dma_wait3A] : memref<204800x64xf32, #tpu.memory_space<hbm>> -> memref<80x64xf32, #tpu.memory_space<hbm>>
    %dma_wait3A_102 = arith.constant 0 : i32
    %dma_wait3A_103 = tpu.memref_slice %arg13[%add3A_100, %dma_wait3A_102] : memref<204800x64xf32, #tpu.memory_space<hbm>> -> memref<80x64xf32, #tpu.memory_space<hbm>>
    tpu.wait_dma2 semaphore(%arg46 : memref<!tpu.dma_semaphore, #tpu.memory_space<semaphore_mem>>) src(%arg32 : memref<80x64xf32, #tpu.memory_space<vmem>>) dst(%dma_wait3A_103 : memref<80x64xf32, #tpu.memory_space<hbm>>)
    %mul3A_104 = arith.constant 79 : i32
    %mul3A_105 = arith.constant 80 : i32
    %mul3A_106 = arith.muli %mul3A_104, %mul3A_105 : i32
    %add3A_107 = arith.addi %mul3A_2, %mul3A_106 : i32
    %dma_wait3A_108 = arith.constant 0 : i32
    %dma_wait3A_109 = tpu.memref_slice %arg13[%add3A_107, %dma_wait3A_108] : memref<204800x64xf32, #tpu.memory_space<hbm>> -> memref<80x64xf32, #tpu.memory_space<hbm>>
    %dma_wait3A_110 = arith.constant 0 : i32
    %dma_wait3A_111 = tpu.memref_slice %arg13[%add3A_107, %dma_wait3A_110] : memref<204800x64xf32, #tpu.memory_space<hbm>> -> memref<80x64xf32, #tpu.memory_space<hbm>>
    tpu.wait_dma2 semaphore(%arg47 : memref<!tpu.dma_semaphore, #tpu.memory_space<semaphore_mem>>) src(%arg33 : memref<80x64xf32, #tpu.memory_space<vmem>>) dst(%dma_wait3A_111 : memref<80x64xf32, #tpu.memory_space<hbm>>)
    return
  }
}

</mosaic_0001>

<sc_bundles>
// kernel: kernel.3.cloned.1.call-start
scs
__scs_entry_jumppad:
0x0: {  	(pc) =	sbr.rel $0x88, $3  }
0x1: {  	(tag) =	ssettag $0x0;
	lr =	simm.s32 $0x1  }
0x2: {  	[smem:$0x3F97] =	sst lr;
	_ =	strace $0xD0000000  }
0x3: {  	_ = 	snop  }
0x4: {  	_ = 	snop  }
0x5: {  	_ = 	snop  }
0x6: {  	_ = 	snop  }
0x7: {  	_ = 	snop  }
__scs_overlays_trampoline_lowered:
0x8: {  	[smem:$0x3FA6] =	sst s0  }
0x9: {  	[smem:$0x3FA7] =	sst s1  }
0xa: {  	[smem:$0x3FA8] =	sst s2  }
0xb: {  	[smem:$0x3FA9] =	sst s3  }
0xc: {  	[smem:$0x3FAA] =	sst s4  }
0xd: {  	[smem:$0x3FAB] =	sst s5  }
0xe: {  	[smem:$0x3FAC] =	sst s6  }
0xf: {  	[smem:$0x3FAD] =	sst s7  }
0x10: {  	[smem:$0x3FAE] =	sst s8  }
0x11: {  	[smem:$0x3FAF] =	sst s9;
	s0 =	simm.s32 @!p0 $0x0  }
0x12: {  	s1 =	sld [smem:$0x3F95];
	s0 =	simm.s32 @p0 $0x1  }
0x13: {  	[smem:$0x3FB0] =	sst s0;
	s0 =	simm.s32 @!p1 $0x0  }
0x14: {  	s2 =	sld [smem:$0x3F94];
	s0 =	simm.s32 @p1 $0x1  }
0x15: {  	[smem:$0x3FB1] =	sst s0;
	s0 =	simm.s32 @!p2 $0x0  }
0x16: {  	s3 =	sld [smem:$0x3FDB];
	s0 =	simm.s32 @p2 $0x1  }
0x17: {  	s4 =	simm.s32 $0x1BF5;
	[smem:$0x3FB3] =	sst s0  }
0x18: {  	s0 =	sld [smem:$0x3F96];
	_ =	swait.ge [sflag:s4], $0x0  }
0x19: {  	s7 =	sld [smem:$0x3F97]  }
0x1a: {  	s8 =	sadd.s32 $0xFFFFE003, lr  }
0x1b: {  	s9 =	sadd.s32 $0xFFFFFEF7, lr;
	s5 =	simm.s32 $0xFFFFFFFF;
	p2 =	slt.u32 s8, $0xFFFFF086  }
0x1c: {  	p1 =	slt.u32 s9, $0xF7A;
	s5 =	simm.s32 @!p2 $0x0  }
0x1d: {  	s5 =	simm.s32 @p1 $0x1;
	p0 =	seq.s32 s7, s2  }
0x1e: {  	s7 =	smul.u32 @!p0 $0xF7A, s2;
	p2 =	seq.s32 @!p0 s5, $0x0  }
0x1f: {  	s9 =	smul.u32 $0xF7A, s1;
	s8 =	simm.s32 @!p0 $0x1BF5;
	p2 =	por !p2, p0  }
0x20: {  	[sflag:s8] =	ssyncset.s32 @!p0 $0xFFFFF086;
	s6 =	sadd.s32 @!p0 s3, s7;
	s7 =	simm.s32 @!p0 $0x108  }
0x21: {  	s3 =	sadd.s32 s3, s9;
	s6 =	sadd.s32 @!p0 $0x88, s6;
	s7 =	simm.s32 @p2 $0x1082  }
0x22: {  	[simem:s7], [sflag:s8] =	dma.local @!p0 [hbm:s6], $0xF7A  }
0x23: {  	s9 =	sor.u32 $0xD0000000, s2;
	s6 =	simm.s32 $0x108;
	_ =	swait.ge @!p0 [sflag:s8], $0x0  }
0x24: {  	s3 =	sadd.s32 $0x88, s3;
	s6 =	simm.s32 @!p1 $0x1082;
	[sflag:s4] =	ssyncset.s32 $0xFFFFF086  }
0x25: {  	[simem:s6], [sflag:s4] =	dma.local [hbm:s3], $0xF7A  }
0x26: {  	[smem:$0x3F97] =	sst s1;
	(tag) =	ssettag s2;
	_ =	strace s9  }
0x27: {  	s1 =	sld [smem:$0x3FA7]  }
0x28: {  	s2 =	sld [smem:$0x3FA8]  }
0x29: {  	s4 =	sld [smem:$0x3FAA]  }
0x2a: {  	p0 =	seq.s32 s5, $0x0;
	s5 =	sld [smem:$0x3FAB]  }
0x2b: {  	s6 =	sld [smem:$0x3FAC]  }
0x2c: {  	s7 =	sld [smem:$0x3FAD]  }
0x2d: {  	s3 =	simm.s32 $0x108;
	s8 =	sld [smem:$0x3FAE]  }
0x2e: {  	s3 =	simm.s32 @!p0 $0x1082;
	s9 =	sld [smem:$0x3FAF]  }
0x2f: {  	lr =	sadd.s32 s0, s3;
	s0 =	sld [smem:$0x3FA6]  }
0x30: {  	s3 =	sld [smem:$0x3FA9]  }
0x31: {  	[smem:$0x3FB2] =	sst s10  }
0x32: {  	s10 =	sld [smem:$0x3FB0];
	_ =	sdelay $0x3  }
0x33: {  	p0 =	seq.s32 s10, $0x1;
	s10 =	sld [smem:$0x3FB2];
	_ =	sdelay $0x3  }
0x34: {  	[smem:$0x3FB2] =	sst s10  }
0x35: {  	s10 =	sld [smem:$0x3FB1];
	_ =	sdelay $0x3  }
0x36: {  	p1 =	seq.s32 s10, $0x1;
	s10 =	sld [smem:$0x3FB2];
	_ =	sdelay $0x3  }
0x37: {  	[smem:$0x3FB2] =	sst s10  }
0x38: {  	s10 =	sld [smem:$0x3FB3]  }
0x39: {  	_ = 	snop;
	(pc) =	sbr.ind lr, $3  }
0x3a: {  	_ = 	snop  }
0x3b: {  	_ = 	snop  }
0x3c: {  	p2 =	seq.s32 s10, $0x1;
	s10 =	sld [smem:$0x3FB2]  }
0x3d: {  	_ =	shalt  }
0x3e: {  	_ =	shalt  }
0x3f: {  	_ =	shalt  }
0x40: {  	_ =	shalt  }
0x41: {  	_ =	shalt  }
0x42: {  	_ =	shalt  }
0x43: {  	_ =	shalt  }
0x44: {  	_ =	shalt  }
0x45: {  	_ =	shalt  }
0x46: {  	_ =	shalt  }
0x47: {  	_ =	shalt  }
0x48: {  	_ =	shalt  }
0x49: {  	_ =	shalt  }
0x4a: {  	_ =	shalt  }
0x4b: {  	_ =	shalt  }
0x4c: {  	_ =	shalt  }
0x4d: {  	_ =	shalt  }
0x4e: {  	_ =	shalt  }
0x4f: {  	_ =	shalt  }
0x50: {  	_ =	shalt  }
0x51: {  	_ =	shalt  }
0x52: {  	_ =	shalt  }
0x53: {  	_ =	shalt  }
0x54: {  	_ =	shalt  }
0x55: {  	_ =	shalt  }
0x56: {  	_ =	shalt  }
0x57: {  	_ =	shalt  }
0x58: {  	_ =	shalt  }
0x59: {  	_ =	shalt  }
0x5a: {  	_ =	shalt  }
0x5b: {  	_ =	shalt  }
0x5c: {  	_ =	shalt  }
0x5d: {  	_ =	shalt  }
0x5e: {  	_ =	shalt  }
0x5f: {  	_ =	shalt  }
0x60: {  	_ =	shalt  }
0x61: {  	_ =	shalt  }
0x62: {  	_ =	shalt  }
0x63: {  	_ =	shalt  }
0x64: {  	_ =	shalt  }
0x65: {  	_ =	shalt  }
0x66: {  	_ =	shalt  }
0x67: {  	_ =	shalt  }
0x68: {  	_ =	shalt  }
0x69: {  	_ =	shalt  }
0x6a: {  	_ =	shalt  }
0x6b: {  	_ =	shalt  }
0x6c: {  	_ =	shalt  }
0x6d: {  	_ =	shalt  }
0x6e: {  	_ =	shalt  }
0x6f: {  	_ =	shalt  }
0x70: {  	_ =	shalt  }
0x71: {  	_ =	shalt  }
0x72: {  	_ =	shalt  }
0x73: {  	_ =	shalt  }
0x74: {  	_ =	shalt  }
0x75: {  	_ =	shalt  }
0x76: {  	_ =	shalt  }
0x77: {  	_ =	shalt  }
0x78: {  	_ =	shalt  }
0x79: {  	_ =	shalt  }
0x7a: {  	_ =	shalt  }
0x7b: {  	_ =	shalt  }
0x7c: {  	_ =	shalt  }
0x7d: {  	_ =	shalt  }
0x7e: {  	_ =	shalt  }
0x7f: {  	_ =	shalt  }
0x80: {  	_ =	shalt  }
0x81: {  	_ =	shalt  }
0x82: {  	_ =	shalt  }
0x83: {  	_ =	shalt  }
0x84: {  	_ =	shalt  }
0x85: {  	_ =	shalt  }
0x86: {  	_ =	shalt  }
0x87: {  	_ =	shalt  }
.Lfunc_end0:
.L_simem_size_0:
called_computation.1_lowered:
.L_overlay_start_0:
0x88: {  	s2 =	sld [smem:$0x3FD9]  }
0x89: {  	s3 =	sld [smem:$0x3FFE];
	_ =	sdelay $0x1  }
0x8a: {  	s1 =	srdreg.scid  }
0x8b: {  	s0 =	sand.u32 $0x1, s1  }
0x8c: {  	s17 =	sshll.u32 s0, $0xA;
	s2 =	sadd.s32 s3, s2  }
0x8d: {  	s2 =	sadd.s32 s2, s17  }
0x8e: {  	[smem:$0x3FBE] =	sst s2  }
0x8f: {  	_ = 	snop  }
0x90: {  	s2 =	sld [smem:$0x3FD0];
	(tm) =	ssettm $0x1  }
0x91: {  	s18 =	sld [smem:$0x3FFB];
	_ =	sdelay $0x3  }
0x92: {  	_ =	strace s18  }
0x93: {  	s3 =	sld [smem:$0x3FFC];
	_ =	sdelay $0x3  }
0x94: {  	_ =	strace s3  }
0x95: {  	s3 =	sld [smem:$0x3FFD];
	_ =	sdelay $0x3  }
0x96: {  	_ =	strace s3  }
0x97: {  	_ =	strace $0x8FFFFFFF  }
0x98: {  	s19 =	sld [smem:$0x3FDB];
	_ =	sdelay $0x1  }
0x99: {  	s4 =	simm.s32 $_scs_section_size  }
0x9a: {  	s5 =	simm.s32 $_size__tile_overlayer_lowered;
	s6 =	simm.s32 $_tile_overlayer_lowered  }
0x9b: {  	s22 =	simm.s32 $0x1BFF;
	s21 =	sshll.u32 s6, $0x1;
	s3 =	sadd.s32 s4, s19  }
0x9c: {  	s7 =	simm.s32 $0x0;
	s20 =	sshll.u32 s5, $0x1;
	s5 =	sadd.s32 s21, s3  }
0x9d: {  	[timem:s7], [sflag:s22] =	dma.local [hbm:s5], s20  }
0x9e: {  	_ =	swait.ge [sflag:s22], s20  }
0x9f: {  	s4 =	ssub.s32 $0x0, s20;
	[sflag:s22] =	ssyncset.done $0x0  }
0xa0: {  	[sflag:s22] =	ssyncadd.s32 s4;
	_ =	sdelay $0x1  }
0xa1: {  	s23 =	simm.s32 $0x1B8B  }
0xa2: {  	_ =	swait.ge [sflag:s23], $0x1  }
0xa3: {  	[sflag:s23] =	ssyncset.done $0x0  }
0xa4: {  	s25 =	simm.s32 $0x1B8E;
	s24 =	sld [smem:$0x3FFE];
	[sflag:s23] =	ssyncadd.s32 $0xFFFFFFFF  }
0xa5: {  	s26 =	simm.s32 $execute0_lowered;
	[smem:$0x3FD2] =	sst s25  }
0xa6: {  	s5 =	sshll.u32 s26, $0x1;
	_ =	strace $0x80000046;
	[dreg:$0x1] =	wrdreg $0xFFFFFFFF  }
0xa7: {  	s28 =	simm.s32 $_size_execute0_lowered;
	s3 =	sadd.s32 s3, s5;
	[dreg:$0x0] =	wrdreg $0x0  }
0xa8: {  	s5 =	sshll.u32 s28, $0x1;
	[dreg:$0x2] =	wrdreg s3  }
0xa9: {  	[dreg:$0x3] =	wrdreg s5  }
0xaa: {  	[dreg:$0x4] =	wrdreg $0xC0  }
0xab: {  	_ =	task [dreg:s7], $0x5FFFF  }
0xac: {  	[dreg:$0x1] =	wrdreg $0xFFFFFFFF  }
0xad: {  	[dreg:$0x0] =	wrdreg $0x60  }
0xae: {  	[dreg:$0x2] =	wrdreg s24  }
0xaf: {  	[dreg:$0x3] =	wrdreg s2  }
0xb0: {  	[dreg:$0x4] =	wrdreg $0x1AE000  }
0xb1: {  	[dreg:$0x5] =	wrdreg $0x1BDA00  }
0xb2: {  	[dreg:$0x6] =	wrdreg $0x1CD400  }
0xb3: {  	[dreg:$0x7] =	wrdreg $0x1DCE00  }
0xb4: {  	[dreg:$0x8] =	wrdreg $0x9  }
0xb5: {  	_ =	task.clear_ibuf [dreg:s7], $0x9FFFF;
	_ =	strace $0x90000046  }
0xb6: {  	s29 =	simm.s32 $0x9;
	_ =	strace $0x80000048  }
0xb7: {  	_ =	swait.ge [sflag:s29], $0x1  }
0xb8: {  	[sflag:s29] =	ssyncadd.s32 $0xFFFFFFFF  }
0xb9: {  	_ =	strace $0x90000048  }
0xba: {  	_ =	sfence  }
0xbb: {  	s30 =	sld [smem:$0x0];
	_ =	sdelay $0x2  }
0xbc: {  	s31 =	sshll.u32 s1, $0xD;
	s1 =	sshrl.u32 s1, $0x2  }
0xbd: {  	s3 =	sand.u32 $0x4000, s31;
	s1 =	sadd.s32 s1, s30  }
0xbe: {  	s0 =	sor.u32 s3, s0;
	s1 =	sshll.u32 s1, $0x11  }
0xbf: {  	s0 =	sor.u32 s1, s0  }
0xc0: {  	s0 =	sadd.s32 $0x8F2B, s0  }
0xc1: {  	[sflag:s0] =	ssyncadd.remote.s32 $0x1  }
0xc2: {  	_ =	sfence.sel $0xFFFF  }
0xc3: {  	[dreg:$0x0] =	wrdreg $0xFFFFFFFF;
	(pc) =	sbr.abs _section_cstart, $3  }
0xc4: {  	[dreg:$0x1] =	wrdreg $0xFFFFFFFF  }
0xc5: {  	_ =	task.clear_ibuf [dreg:s7], $0x2FFFF;
	_ =	strace $0x9FFFFFFF  }
0xc6: {  	(tm) =	ssettm $0x7FFFFFFF  }
0xc7: {  	_ =	shalt  }
tec
execute0_lowered:
.L_overlay_start_1:
0x0: {  	(tag) =	ssettag $0x1  }
0x1: {  	s0 =	rddreg [dreg:$0x0]  }
0x2: {  	s5 =	rddreg [dreg:$0x2]  }
0x3: {  	s1 =	srdreg.scid;
	s10 =	rddreg [dreg:$0x3]  }
0x4: {  	s2 =	stileid.u32;
	s11 =	rddreg [dreg:$0x4]  }
0x5: {  	s12 =	rddreg [dreg:$0x5];
	s7 =	simm.s32 $0x0;
	s30 =	simm.s32 $0x28  }
0x6: {  	s31 =	simm.s32 $0x50;
	s14 =	simm.s32 $0x1;
	s15 =	simm.s32 $0x3  }
0x7: {  	s16 =	simm.s32 $0x5;
	s1 =	sand.u32 $0x1, s1;
	s3 =	sshll.u32 s2, $0x1  }
0x8: {  	[smem:$0x7FF] =	sst s7;
	s8 =	sadd.s32 $0x9C00, s0;
	s3 =	sor.u32 s1, s3  }
0x9: {  	s9 =	sadd.s32 $0xF50000, s0;
	s4 =	sadd.s32 $0x5A00, s0;
	s6 =	smul.u32 $0x1900, s3  }
0xa: {  	s19 =	sadd.s32 $0x3600, s0;
	_ =	strace $0x80000047;
	[dreg:$0x7] =	wrdreg s4  }
0xb: {  	s20 =	sadd.s32 $0x1600, s0;
	[dreg:$0x8] =	wrdreg s19;
	s3 =	sshrl.u32 s6, $0x3  }
0xc: {  	[dreg:$0x9] =	wrdreg s20;
	s3 =	sadd.s32 s3, s0;
	s0 =	sadd.s32 $0x5800, s0  }
0xd: {  	s29 =	simm.s32 $0x6;
	[dreg:$0xa] =	wrdreg s0;
	s23 =	sadd.s32 $0xD3600, s3  }
0xe: {  	p0 =	sne.s32 s2, $0x0;
	s24 =	sadd.s32 $0xCD200, s3;
	[dreg:$0xb] =	wrdreg s23  }
0xf: {  	s1 =	ssub.s32 $0x2, s1;
	s25 =	sadd.s32 $0xE6200, s3;
	[dreg:$0xc] =	wrdreg s24  }
0x10: {  	s21 =	sshrl.u32 s1, $0x1;
	s26 =	sadd.s32 $0xDFE00, s3;
	[dreg:$0xd] =	wrdreg s25  }
0x11: {  	s22 =	ssub.s32 s1, s21;
	s28 =	sadd.s32 $0xD9A00, s3;
	[dreg:$0xe] =	wrdreg s26  }
0x12: {  	s2 =	simm.s32 $0x0;
	s0 =	smax.u32 s22, $0x1;
	[dreg:$0xf] =	wrdreg s28  }
.Ltmp0:
0x13: {  	[dreg:$0x10] =	wrdreg s0;
	s0 =	sshrl.u32 @!p0 s5, $0x3;
	(pc) =	sbr.rel .LBB2_1-.Ltmp0, $4  }
0x14: {  	s4 =	simm.s32 $0x1900;
	[dreg:$0x11] =	wrdreg s0;
	s0 =	sshrl.u32 @!p0 s10, $0x3  }
0x15: {  	s22 =	simm.s32 $0x2;
	[dreg:$0x12] =	wrdreg s0;
	s0 =	sshrl.u32 @!p0 s11, $0x3  }
0x16: {  	s5 =	smov.u32 s12;
	[dreg:$0x13] =	wrdreg s0;
	s0 =	sshrl.u32 @!p0 s12, $0x3  }
0x17: {  	v0 =	vimm.s32 $0x0;
	s24 =	simm.s32 $0x1950;
	s23 =	simm.s32 $0x4;
	[dreg:$0x14] =	wrdreg s0  }
.LBB2_10:
0x18: {  	s0 =	simm.s32 $0x7  }
0x19: {  	_ =	swait.ge [sflag:s0], $0x1400  }
0x1a: {  	[sflag:s0] =	ssyncset.done $0x0  }
0x1b: {  	s1 =	simm.s32 $0x8;
	[sflag:s0] =	ssyncadd.s32 $0xFFFFEC00  }
0x1c: {  	_ =	swait.ge [sflag:s1], $0x1400  }
0x1d: {  	s2 =	rddreg [dreg:$0x15]  }
0x1e: {  	s28 =	rddreg [dreg:$0x10];
	s2 =	sadd.s32 $0x1, s2  }
0x1f: {  	p1 =	sne.s32 s2, s28  }
.Ltmp1:
0x20: {  	_ = 	snop;
	(pc) =	sbr.rel @!p1 .LBB2_11-.Ltmp1, $3  }
0x21: {  	_ =	sdelay $0x1  }
0x22: {  	[sflag:s1] =	ssyncset.done $0x0  }
0x23: {  	s4 =	simm.s32 $0x1900;
	s24 =	simm.s32 $0x1950;
	[sflag:s1] =	ssyncadd.s32 $0xFFFFEC00  }
.LBB2_1:
0x24: {  	[dreg:$0x15] =	wrdreg s2  }
0x25: {  	s1 =	rddreg [dreg:$0x7]  }
0x26: {  	s0 =	simm.s32 @!p0 $0x1C09;
	s2 =	rddreg [dreg:$0x11]  }
0x27: {  	[spmem:s2], [sflag:s0] =	dma.local @!p0 [hbm:s1], $0x1F40  }
0x28: {  	s1 =	simm.s32 @!p0 $0x9  }
0x29: {  	_ =	swait.ge @!p0 [sflag:s1], $0x1F40  }
0x2a: {  	[sflag:s1] =	ssyncset.done @!p0 $0x0;
	s2 =	rddreg [dreg:$0x8]  }
0x2b: {  	s3 =	rddreg [dreg:$0x12];
	[sflag:s1] =	ssyncadd.s32 @!p0 $0xFFFFE0C0  }
0x2c: {  	[spmem:s3], [sflag:s0] =	dma.local @!p0 [hbm:s2], $0x1F40  }
0x2d: {  	_ =	swait.ge @!p0 [sflag:s1], $0x1F40  }
0x2e: {  	[sflag:s1] =	ssyncset.done @!p0 $0x0;
	s2 =	rddreg [dreg:$0x9]  }
0x2f: {  	s3 =	rddreg [dreg:$0x13];
	[sflag:s1] =	ssyncadd.s32 @!p0 $0xFFFFE0C0  }
0x30: {  	[spmem:s3], [sflag:s0] =	dma.local @!p0 [hbm:s2], $0x1F40  }
0x31: {  	_ =	swait.ge @!p0 [sflag:s1], $0x1F40  }
0x32: {  	[sflag:s1] =	ssyncset.done @!p0 $0x0;
	s2 =	rddreg [dreg:$0xa]  }
0x33: {  	s3 =	rddreg [dreg:$0x14];
	[sflag:s1] =	ssyncadd.s32 @!p0 $0xFFFFE0C0  }
0x34: {  	[spmem:s3], [sflag:s0] =	dma.local @!p0 [hbm:s2], $0x100  }
0x35: {  	_ =	swait.ge @!p0 [sflag:s1], $0x100  }
0x36: {  	[sflag:s1] =	ssyncset.done @!p0 $0x0  }
0x37: {  	[sflag:s1] =	ssyncadd.s32 @!p0 $0xFFFFFF00  }
0x38: {  	[bflag:$0x0] =	sbarrier.arrive $0xFFFF  }
0x39: {  	s13 =	simm.s32 $0x9;
	s12 =	rddreg [dreg:$0xb]  }
0x3a: {  	[tilespmem:s7], [sflag:$0x9] =	stream.linear.gather [hbm4b:s12+s7], $0x1900, $0x38;
	[tilespmem:$0x1DD60] =	vst v63  }
0x3b: {  	_ =	swait.ge [sflag:s13], $0x1900  }
0x3c: {  	[sflag:s13] =	ssyncset.done $0x0  }
0x3d: {  	s17 =	rddreg [dreg:$0xc];
	[sflag:s13] =	ssyncadd.s32 $0xFFFFE700  }
0x3e: {  	[tilespmem:s4], [sflag:$0x9] =	stream.linear.gather [hbm4b:s17+s7], $0x1900, $0x38;
	[tilespmem:$0x1DD60] =	vst v63  }
0x3f: {  	_ =	swait.ge [sflag:s13], $0x1900  }
0x40: {  	[sflag:s13] =	ssyncset.done $0x0  }
0x41: {  	s19 =	simm.s32 $0x3200;
	s18 =	rddreg [dreg:$0xd];
	[sflag:s13] =	ssyncadd.s32 $0xFFFFE700  }
0x42: {  	[tilespmem:s19], [sflag:$0x9] =	stream.linear.gather [hbm4b:s18+s7], $0x1900, $0x38;
	[tilespmem:$0x1DD60] =	vst v63  }
0x43: {  	_ =	swait.ge [sflag:s13], $0x1900  }
0x44: {  	[sflag:s13] =	ssyncset.done $0x0  }
0x45: {  	s21 =	simm.s32 $0x4B00;
	s20 =	rddreg [dreg:$0xe];
	[sflag:s13] =	ssyncadd.s32 $0xFFFFE700  }
0x46: {  	[tilespmem:s21], [sflag:$0x9] =	stream.linear.gather [hbm4b:s20+s7], $0x1900, $0x38;
	[tilespmem:$0x1DD60] =	vst v63  }
0x47: {  	_ =	swait.ge [sflag:s13], $0x1900  }
0x48: {  	[sflag:s13] =	ssyncset.done $0x0  }
0x49: {  	s26 =	simm.s32 $0x6400;
	s25 =	rddreg [dreg:$0xf];
	[sflag:s13] =	ssyncadd.s32 $0xFFFFE700  }
0x4a: {  	[tilespmem:s26], [sflag:$0x9] =	stream.linear.gather [hbm4b:s25+s7], $0x1900, $0x38;
	[tilespmem:$0x1DD60] =	vst v63  }
0x4b: {  	_ =	swait.ge [sflag:s13], $0x1900  }
0x4c: {  	[sflag:s13] =	ssyncset.done $0x0  }
0x4d: {  	[sflag:s13] =	ssyncadd.s32 $0xFFFFE700  }
0x4e: {  	v1 =	vld [tilespmem:s31+$0xFFFFFFB0]  }
0x4f: {  	s3 =	simm.s32 $0x3250;
	v2 =	vld [tilespmem:s24+$0xFFFFFFB0]  }
0x50: {  	s28 =	simm.s32 $0x4B50;
	v3 =	vld [tilespmem:s3+$0xFFFFFFB0]  }
0x51: {  	s26 =	simm.s32 $0x6450;
	v4 =	vld [tilespmem:s28+$0xFFFFFFB0]  }
0x52: {  	v5 =	vld [tilespmem:s26+$0xFFFFFFB0];
	_ =	sdelay $0x1  }
0x53: {  	vm0 =	veq.s32 v1, $0x0;
	vm1 =	veq.s32 v2, $0x0  }
0x54: {  	vm2 =	veq.s32 v3, $0x0;
	v1 =	vsel vm0, $0x1, v0;
	v2 =	vsel vm1, $0x2, v0  }
0x55: {  	vm4 =	veq.s32 v4, $0x0;
	v3 =	vsel vm2, $0x4, v0;
	v1 =	vor.u32 v1, v2  }
0x56: {  	vm5 =	veq.s32 v5, $0x0;
	v2 =	vsel vm4, $0x8, v0;
	v1 =	vor.u32 v3, v1  }
0x57: {  	v1 =	vor.u32 v2, v1;
	v2 =	vsel vm5, $0x10, v0  }
0x58: {  	s25 =	simm.s32 $0x7D50;
	v1 =	vor.u32 v2, v1  }
0x59: {  	[tilespmem:s25+$0xFFFFFFB0] =	vst v1  }
0x5a: {  	v1 =	vld [tilespmem:s31+$0xFFFFFFC0]  }
0x5b: {  	v2 =	vld [tilespmem:s24+$0xFFFFFFC0]  }
0x5c: {  	v3 =	vld [tilespmem:s3+$0xFFFFFFC0]  }
0x5d: {  	v60 =	vld [tilespmem:s28+$0xFFFFFFC0]  }
0x5e: {  	v61 =	vld [tilespmem:s26+$0xFFFFFFC0];
	_ =	sdelay $0x1  }
0x5f: {  	vm6 =	veq.s32 v1, $0x0;
	vm7 =	veq.s32 v2, $0x0  }
0x60: {  	vm8 =	veq.s32 v3, $0x0;
	v1 =	vsel vm6, $0x1, v0;
	v2 =	vsel vm7, $0x2, v0  }
0x61: {  	vm9 =	veq.s32 v60, $0x0;
	v1 =	vor.u32 v1, v2;
	v2 =	vsel vm8, $0x4, v0  }
0x62: {  	vm10 =	veq.s32 v61, $0x0;
	v1 =	vor.u32 v2, v1;
	v2 =	vsel vm9, $0x8, v0  }
0x63: {  	v1 =	vor.u32 v2, v1;
	v2 =	vsel vm10, $0x10, v0  }
0x64: {  	v1 =	vor.u32 v2, v1  }
0x65: {  	[tilespmem:s25+$0xFFFFFFC0] =	vst v1  }
0x66: {  	v1 =	vld [tilespmem:s31+$0xFFFFFFD0]  }
0x67: {  	v2 =	vld [tilespmem:s24+$0xFFFFFFD0]  }
0x68: {  	v3 =	vld [tilespmem:s3+$0xFFFFFFD0]  }
0x69: {  	v62 =	vld [tilespmem:s28+$0xFFFFFFD0]  }
0x6a: {  	v63 =	vld [tilespmem:s26+$0xFFFFFFD0];
	_ =	sdelay $0x1  }
0x6b: {  	vm11 =	veq.s32 v1, $0x0;
	vm12 =	veq.s32 v2, $0x0  }
0x6c: {  	vm13 =	veq.s32 v3, $0x0;
	v1 =	vsel vm11, $0x1, v0;
	v2 =	vsel vm12, $0x2, v0  }
0x6d: {  	vm14 =	veq.s32 v62, $0x0;
	v1 =	vor.u32 v1, v2;
	v2 =	vsel vm13, $0x4, v0  }
0x6e: {  	vm15 =	veq.s32 v63, $0x0;
	v1 =	vor.u32 v2, v1;
	v2 =	vsel vm14, $0x8, v0  }
0x6f: {  	v1 =	vor.u32 v2, v1;
	v2 =	vsel vm15, $0x10, v0  }
0x70: {  	v1 =	vor.u32 v2, v1  }
0x71: {  	s10 =	simm.s32 $0x50;
	s11 =	simm.s32 $0x1950;
	s12 =	simm.s32 $0x0;
	[tilespmem:s25+$0xFFFFFFD0] =	vst v1  }
0x72: {  	s17 =	simm.s32 $0x32F0;
	s18 =	simm.s32 $0x4BF0;
	s19 =	simm.s32 $0x64F0;
	v1 =	vld [tilespmem:s31+$0xFFFFFFE0]  }
0x73: {  	s20 =	simm.s32 $0x50;
	s21 =	simm.s32 $0x1950;
	s13 =	simm.s32 $0x7DF0;
	v2 =	vld [tilespmem:s24+$0xFFFFFFE0]  }
.LBB2_2:
0x74: {  	s12 =	sadd.s32 $0x2, s12;
	v3 =	vld [tilespmem:s3+$0xFFFFFFE0];
	s20 =	sadd.s32 $0xA0, s20;
	s21 =	sadd.s32 $0xA0, s21  }
0x75: {  	p1 =	slt.u32 s12, $0x4E;
	v4 =	vld [tilespmem:s28+$0xFFFFFFE0]  }
0x76: {  	v5 =	vld [tilespmem:s26+$0xFFFFFFE0]  }
0x77: {  	vm0 =	veq.s32 v1, $0x0  }
0x78: {  	vm1 =	veq.s32 v2, $0x0  }
0x79: {  	v1 =	vsel vm0, $0x1, v0;
	v2 =	vsel vm1, $0x2, v0;
	vm0 =	veq.s32 v3, $0x0  }
0x7a: {  	v1 =	vor.u32 v1, v2;
	v2 =	vsel vm0, $0x4, v0;
	vm0 =	veq.s32 v4, $0x0  }
0x7b: {  	v1 =	vor.u32 v2, v1;
	v2 =	vsel vm0, $0x8, v0;
	vm0 =	veq.s32 v5, $0x0  }
0x7c: {  	v1 =	vor.u32 v2, v1;
	v2 =	vsel vm0, $0x10, v0  }
0x7d: {  	v1 =	vor.u32 v2, v1  }
0x7e: {  	[tilespmem:s25+$0xFFFFFFE0] =	vst v1  }
0x7f: {  	v1 =	vld [tilespmem:s10+$0xFFFFFFF0]  }
0x80: {  	v2 =	vld [tilespmem:s11+$0xFFFFFFF0]  }
0x81: {  	v3 =	vld [tilespmem:s3+$0xFFFFFFF0]  }
0x82: {  	v4 =	vld [tilespmem:s28+$0xFFFFFFF0]  }
0x83: {  	v5 =	vld [tilespmem:s26+$0xFFFFFFF0]  }
0x84: {  	vm0 =	veq.s32 v1, $0x0  }
0x85: {  	v1 =	vsel vm0, $0x1, v0;
	vm0 =	veq.s32 v2, $0x0  }
0x86: {  	v2 =	vsel vm0, $0x2, v0;
	vm0 =	veq.s32 v3, $0x0  }
0x87: {  	v1 =	vor.u32 v1, v2;
	v2 =	vsel vm0, $0x4, v0;
	vm0 =	veq.s32 v4, $0x0  }
0x88: {  	v1 =	vor.u32 v2, v1;
	v2 =	vsel vm0, $0x8, v0;
	vm0 =	veq.s32 v5, $0x0  }
0x89: {  	v1 =	vor.u32 v2, v1;
	v2 =	vsel vm0, $0x10, v0  }
0x8a: {  	v1 =	vor.u32 v2, v1  }
0x8b: {  	[tilespmem:s25+$0xFFFFFFF0] =	vst v1  }
0x8c: {  	v1 =	vld [tilespmem:s10+$0x0]  }
0x8d: {  	v2 =	vld [tilespmem:s11+$0x0]  }
0x8e: {  	v3 =	vld [tilespmem:s3+$0x0]  }
0x8f: {  	v4 =	vld [tilespmem:s28+$0x0]  }
0x90: {  	v5 =	vld [tilespmem:s26+$0x0]  }
0x91: {  	vm0 =	veq.s32 v1, $0x0  }
0x92: {  	vm1 =	veq.s32 v2, $0x0  }
0x93: {  	v1 =	vsel vm0, $0x1, v0;
	v2 =	vsel vm1, $0x2, v0;
	vm0 =	veq.s32 v3, $0x0  }
0x94: {  	v1 =	vor.u32 v1, v2;
	v2 =	vsel vm0, $0x4, v0;
	vm0 =	veq.s32 v4, $0x0  }
0x95: {  	v1 =	vor.u32 v2, v1;
	v2 =	vsel vm0, $0x8, v0;
	vm0 =	veq.s32 v5, $0x0  }
0x96: {  	v1 =	vor.u32 v2, v1;
	v2 =	vsel vm0, $0x10, v0  }
0x97: {  	v1 =	vor.u32 v2, v1  }
0x98: {  	[tilespmem:s25+$0x0] =	vst v1  }
0x99: {  	v1 =	vld [tilespmem:s10+$0x10]  }
0x9a: {  	v2 =	vld [tilespmem:s11+$0x10]  }
0x9b: {  	v3 =	vld [tilespmem:s3+$0x10]  }
0x9c: {  	v4 =	vld [tilespmem:s28+$0x10]  }
0x9d: {  	v5 =	vld [tilespmem:s26+$0x10]  }
0x9e: {  	vm0 =	veq.s32 v1, $0x0  }
0x9f: {  	vm1 =	veq.s32 v2, $0x0  }
0xa0: {  	v1 =	vsel vm0, $0x1, v0;
	v2 =	vsel vm1, $0x2, v0;
	vm0 =	veq.s32 v3, $0x0  }
0xa1: {  	v1 =	vor.u32 v1, v2;
	v2 =	vsel vm0, $0x4, v0;
	vm0 =	veq.s32 v4, $0x0  }
0xa2: {  	v1 =	vor.u32 v2, v1;
	v2 =	vsel vm0, $0x8, v0;
	vm0 =	veq.s32 v5, $0x0  }
0xa3: {  	v1 =	vor.u32 v2, v1;
	v2 =	vsel vm0, $0x10, v0  }
0xa4: {  	v1 =	vor.u32 v2, v1  }
0xa5: {  	[tilespmem:s25+$0x10] =	vst v1  }
0xa6: {  	v1 =	vld [tilespmem:s10+$0x20]  }
0xa7: {  	v2 =	vld [tilespmem:s11+$0x20]  }
0xa8: {  	v3 =	vld [tilespmem:s3+$0x20]  }
0xa9: {  	v4 =	vld [tilespmem:s28+$0x20]  }
0xaa: {  	v5 =	vld [tilespmem:s26+$0x20]  }
0xab: {  	vm0 =	veq.s32 v1, $0x0  }
0xac: {  	vm1 =	veq.s32 v2, $0x0  }
0xad: {  	v1 =	vsel vm0, $0x1, v0;
	v2 =	vsel vm1, $0x2, v0;
	vm0 =	veq.s32 v3, $0x0  }
0xae: {  	v1 =	vor.u32 v1, v2;
	v2 =	vsel vm0, $0x4, v0;
	vm0 =	veq.s32 v4, $0x0  }
0xaf: {  	v1 =	vor.u32 v2, v1;
	v2 =	vsel vm0, $0x8, v0;
	vm0 =	veq.s32 v5, $0x0  }
0xb0: {  	v1 =	vor.u32 v2, v1;
	v2 =	vsel vm0, $0x10, v0  }
0xb1: {  	v1 =	vor.u32 v2, v1  }
0xb2: {  	[tilespmem:s25+$0x20] =	vst v1  }
0xb3: {  	v1 =	vld [tilespmem:s11+$0x30]  }
0xb4: {  	v2 =	vld [tilespmem:s10+$0x30]  }
0xb5: {  	v3 =	vld [tilespmem:s3+$0x30]  }
0xb6: {  	v4 =	vld [tilespmem:s28+$0x30]  }
0xb7: {  	v5 =	vld [tilespmem:s26+$0x30];
	_ =	sdelay $0x1  }
0xb8: {  	vm1 =	veq.s32 v1, $0x0;
	vm0 =	veq.s32 v2, $0x0  }
0xb9: {  	v2 =	vsel vm1, $0x2, v0;
	v1 =	vsel vm0, $0x1, v0;
	vm0 =	veq.s32 v3, $0x0  }
0xba: {  	v1 =	vor.u32 v1, v2;
	v2 =	vsel vm0, $0x4, v0;
	vm0 =	veq.s32 v4, $0x0  }
0xbb: {  	v1 =	vor.u32 v2, v1;
	v2 =	vsel vm0, $0x8, v0;
	vm0 =	veq.s32 v5, $0x0  }
0xbc: {  	v1 =	vor.u32 v2, v1;
	v2 =	vsel vm0, $0x10, v0  }
0xbd: {  	v1 =	vor.u32 v2, v1  }
0xbe: {  	[tilespmem:s25+$0x30] =	vst v1  }
0xbf: {  	v1 =	vld [tilespmem:s10+$0x40];
	s10 =	smov.u32 s20  }
0xc0: {  	v2 =	vld [tilespmem:s11+$0x40];
	s11 =	smov.u32 s21  }
0xc1: {  	v3 =	vld [tilespmem:s3+$0x40];
	s3 =	smov.u32 s17  }
0xc2: {  	v4 =	vld [tilespmem:s28+$0x40];
	s28 =	smov.u32 s18  }
0xc3: {  	v5 =	vld [tilespmem:s26+$0x40];
	s26 =	smov.u32 s19  }
0xc4: {  	vm0 =	veq.s32 v1, $0x0  }
0xc5: {  	vm1 =	veq.s32 v2, $0x0  }
0xc6: {  	v1 =	vsel vm0, $0x1, v0;
	v2 =	vsel vm1, $0x2, v0;
	vm0 =	veq.s32 v3, $0x0  }
0xc7: {  	v1 =	vor.u32 v1, v2;
	v2 =	vsel vm0, $0x4, v0;
	vm0 =	veq.s32 v4, $0x0  }
0xc8: {  	v1 =	vor.u32 v2, v1;
	v2 =	vsel vm0, $0x8, v0;
	vm0 =	veq.s32 v5, $0x0  }
0xc9: {  	v1 =	vor.u32 v2, v1;
	v2 =	vsel vm0, $0x10, v0  }
0xca: {  	v1 =	vor.u32 v2, v1  }
0xcb: {  	[tilespmem:s25+$0x40] =	vst v1;
	s25 =	smov.u32 s13  }
0xcc: {  	v1 =	vld [tilespmem:s17+$0xFFFFFFB0]  }
0xcd: {  	v2 =	vld [tilespmem:s20+$0xFFFFFFB0]  }
0xce: {  	v3 =	vld [tilespmem:s21+$0xFFFFFFB0];
	_ =	sdelay $0x1  }
0xcf: {  	v4 =	vld [tilespmem:s18+$0xFFFFFFB0]  }
0xd0: {  	v5 =	vld [tilespmem:s19+$0xFFFFFFB0]  }
0xd1: {  	vm1 =	veq.s32 v1, $0x0;
	vm0 =	veq.s32 v2, $0x0  }
0xd2: {  	v1 =	vsel vm1, $0x4, v0;
	vm2 =	veq.s32 v3, $0x0  }
0xd3: {  	v2 =	vsel vm0, $0x1, v0;
	v3 =	vsel vm2, $0x2, v0  }
0xd4: {  	v2 =	vor.u32 v2, v3;
	vm0 =	veq.s32 v4, $0x0  }
0xd5: {  	v1 =	vor.u32 v1, v2;
	v2 =	vsel vm0, $0x8, v0;
	vm0 =	veq.s32 v5, $0x0  }
0xd6: {  	v1 =	vor.u32 v2, v1;
	v2 =	vsel vm0, $0x10, v0  }
0xd7: {  	v1 =	vor.u32 v2, v1  }
0xd8: {  	[tilespmem:s13+$0xFFFFFFB0] =	vst v1  }
0xd9: {  	v1 =	vld [tilespmem:s20+$0xFFFFFFC0]  }
0xda: {  	v2 =	vld [tilespmem:s21+$0xFFFFFFC0]  }
0xdb: {  	v3 =	vld [tilespmem:s17+$0xFFFFFFC0]  }
0xdc: {  	v4 =	vld [tilespmem:s18+$0xFFFFFFC0]  }
0xdd: {  	v5 =	vld [tilespmem:s19+$0xFFFFFFC0]  }
0xde: {  	vm0 =	veq.s32 v1, $0x0  }
0xdf: {  	vm1 =	veq.s32 v2, $0x0  }
0xe0: {  	v1 =	vsel vm0, $0x1, v0;
	v2 =	vsel vm1, $0x2, v0;
	vm0 =	veq.s32 v3, $0x0  }
0xe1: {  	v1 =	vor.u32 v1, v2;
	v2 =	vsel vm0, $0x4, v0;
	vm0 =	veq.s32 v4, $0x0  }
0xe2: {  	v1 =	vor.u32 v2, v1;
	v2 =	vsel vm0, $0x8, v0;
	vm0 =	veq.s32 v5, $0x0  }
0xe3: {  	v1 =	vor.u32 v2, v1;
	v2 =	vsel vm0, $0x10, v0  }
0xe4: {  	v1 =	vor.u32 v2, v1  }
0xe5: {  	[tilespmem:s13+$0xFFFFFFC0] =	vst v1  }
0xe6: {  	v1 =	vld [tilespmem:s20+$0xFFFFFFD0]  }
0xe7: {  	v2 =	vld [tilespmem:s21+$0xFFFFFFD0]  }
0xe8: {  	v3 =	vld [tilespmem:s17+$0xFFFFFFD0]  }
0xe9: {  	v4 =	vld [tilespmem:s18+$0xFFFFFFD0]  }
0xea: {  	v5 =	vld [tilespmem:s19+$0xFFFFFFD0]  }
0xeb: {  	vm0 =	veq.s32 v1, $0x0  }
0xec: {  	vm1 =	veq.s32 v2, $0x0  }
0xed: {  	v1 =	vsel vm0, $0x1, v0;
	v2 =	vsel vm1, $0x2, v0;
	vm0 =	veq.s32 v3, $0x0  }
0xee: {  	v1 =	vor.u32 v1, v2;
	v2 =	vsel vm0, $0x4, v0;
	vm0 =	veq.s32 v4, $0x0  }
0xef: {  	v1 =	vor.u32 v2, v1;
	v2 =	vsel vm0, $0x8, v0;
	vm0 =	veq.s32 v5, $0x0  }
.Ltmp2:
0xf0: {  	v1 =	vor.u32 v2, v1;
	v2 =	vsel vm0, $0x10, v0;
	(pc) =	sbr.rel @p1 .LBB2_2-.Ltmp2, $4  }
0xf1: {  	v1 =	vor.u32 v2, v1  }
0xf2: {  	[tilespmem:s13+$0xFFFFFFD0] =	vst v1  }
0xf3: {  	s13 =	sadd.s32 $0xA0, s13;
	v1 =	vld [tilespmem:s20+$0xFFFFFFE0]  }
0xf4: {  	s17 =	sadd.s32 $0xA0, s17;
	s18 =	sadd.s32 $0xA0, s18;
	s19 =	sadd.s32 $0xA0, s19;
	v2 =	vld [tilespmem:s21+$0xFFFFFFE0]  }
0xf5: {  	v3 =	vld [tilespmem:s3+$0xFFFFFFE0]  }
0xf6: {  	v4 =	vld [tilespmem:s28+$0xFFFFFFE0]  }
0xf7: {  	v5 =	vld [tilespmem:s26+$0xFFFFFFE0];
	_ =	sdelay $0x1  }
0xf8: {  	vm0 =	veq.s32 v1, $0x0;
	vm1 =	veq.s32 v2, $0x0  }
0xf9: {  	v1 =	vsel vm0, $0x1, v0;
	v2 =	vsel vm1, $0x2, v0;
	vm7 =	veq.s32 v3, $0x0  }
0xfa: {  	vm8 =	veq.s32 v4, $0x0;
	v1 =	vor.u32 v1, v2;
	v2 =	vsel vm7, $0x4, v0  }
0xfb: {  	vm9 =	veq.s32 v5, $0x0;
	v1 =	vor.u32 v2, v1;
	v2 =	vsel vm8, $0x8, v0  }
0xfc: {  	v1 =	vor.u32 v2, v1;
	v2 =	vsel vm9, $0x10, v0  }
0xfd: {  	v1 =	vor.u32 v2, v1  }
0xfe: {  	[tilespmem:s25+$0xFFFFFFE0] =	vst v1  }
0xff: {  	v1 =	vld [tilespmem:s10+$0xFFFFFFF0]  }
0x100: {  	v2 =	vld [tilespmem:s11+$0xFFFFFFF0]  }
0x101: {  	v3 =	vld [tilespmem:s3+$0xFFFFFFF0]  }
0x102: {  	v52 =	vld [tilespmem:s28+$0xFFFFFFF0]  }
0x103: {  	v53 =	vld [tilespmem:s26+$0xFFFFFFF0];
	_ =	sdelay $0x1  }
0x104: {  	vm10 =	veq.s32 v1, $0x0;
	vm11 =	veq.s32 v2, $0x0  }
0x105: {  	vm12 =	veq.s32 v3, $0x0;
	v1 =	vsel vm10, $0x1, v0;
	v2 =	vsel vm11, $0x2, v0  }
0x106: {  	vm13 =	veq.s32 v52, $0x0;
	v1 =	vor.u32 v1, v2;
	v2 =	vsel vm12, $0x4, v0  }
0x107: {  	vm14 =	veq.s32 v53, $0x0;
	v1 =	vor.u32 v2, v1;
	v2 =	vsel vm13, $0x8, v0  }
0x108: {  	v1 =	vor.u32 v2, v1;
	v2 =	vsel vm14, $0x10, v0  }
0x109: {  	v1 =	vor.u32 v2, v1  }
0x10a: {  	[tilespmem:s25+$0xFFFFFFF0] =	vst v1  }
0x10b: {  	v1 =	vld [tilespmem:s10+$0x0]  }
0x10c: {  	v2 =	vld [tilespmem:s11+$0x0]  }
0x10d: {  	v3 =	vld [tilespmem:s3+$0x0]  }
0x10e: {  	v54 =	vld [tilespmem:s28+$0x0]  }
0x10f: {  	v55 =	vld [tilespmem:s26+$0x0];
	_ =	sdelay $0x1  }
0x110: {  	vm15 =	veq.s32 v1, $0x0;
	vm4 =	veq.s32 v2, $0x0  }
0x111: {  	vm5 =	veq.s32 v3, $0x0;
	v1 =	vsel vm15, $0x1, v0;
	v2 =	vsel vm4, $0x2, v0  }
0x112: {  	vm6 =	veq.s32 v54, $0x0;
	v1 =	vor.u32 v1, v2;
	v2 =	vsel vm5, $0x4, v0  }
0x113: {  	vm7 =	veq.s32 v55, $0x0;
	v1 =	vor.u32 v2, v1;
	v2 =	vsel vm6, $0x8, v0  }
0x114: {  	v1 =	vor.u32 v2, v1;
	v2 =	vsel vm7, $0x10, v0  }
0x115: {  	v1 =	vor.u32 v2, v1  }
0x116: {  	[tilespmem:s25+$0x0] =	vst v1  }
0x117: {  	v1 =	vld [tilespmem:s10+$0x10]  }
0x118: {  	v2 =	vld [tilespmem:s11+$0x10]  }
0x119: {  	v3 =	vld [tilespmem:s3+$0x10]  }
0x11a: {  	v56 =	vld [tilespmem:s28+$0x10]  }
0x11b: {  	v57 =	vld [tilespmem:s26+$0x10];
	_ =	sdelay $0x1  }
0x11c: {  	vm8 =	veq.s32 v1, $0x0;
	vm9 =	veq.s32 v2, $0x0  }
0x11d: {  	vm10 =	veq.s32 v3, $0x0;
	v1 =	vsel vm8, $0x1, v0;
	v2 =	vsel vm9, $0x2, v0  }
0x11e: {  	vm11 =	veq.s32 v56, $0x0;
	v1 =	vor.u32 v1, v2;
	v2 =	vsel vm10, $0x4, v0  }
0x11f: {  	vm12 =	veq.s32 v57, $0x0;
	v1 =	vor.u32 v2, v1;
	v2 =	vsel vm11, $0x8, v0  }
0x120: {  	v1 =	vor.u32 v2, v1;
	v2 =	vsel vm12, $0x10, v0  }
0x121: {  	v1 =	vor.u32 v2, v1  }
0x122: {  	[tilespmem:s25+$0x10] =	vst v1  }
0x123: {  	v1 =	vld [tilespmem:s10+$0x20]  }
0x124: {  	v2 =	vld [tilespmem:s11+$0x20]  }
0x125: {  	v3 =	vld [tilespmem:s3+$0x20]  }
0x126: {  	v58 =	vld [tilespmem:s28+$0x20]  }
0x127: {  	v59 =	vld [tilespmem:s26+$0x20];
	_ =	sdelay $0x1  }
0x128: {  	vm13 =	veq.s32 v1, $0x0;
	vm14 =	veq.s32 v2, $0x0  }
0x129: {  	vm15 =	veq.s32 v3, $0x0;
	v1 =	vsel vm13, $0x1, v0;
	v2 =	vsel vm14, $0x2, v0  }
0x12a: {  	vm4 =	veq.s32 v58, $0x0;
	v1 =	vor.u32 v1, v2;
	v2 =	vsel vm15, $0x4, v0  }
0x12b: {  	vm5 =	veq.s32 v59, $0x0;
	v1 =	vor.u32 v2, v1;
	v2 =	vsel vm4, $0x8, v0  }
0x12c: {  	v1 =	vor.u32 v2, v1;
	v2 =	vsel vm5, $0x10, v0  }
0x12d: {  	v1 =	vor.u32 v2, v1  }
0x12e: {  	[tilespmem:s25+$0x20] =	vst v1  }
0x12f: {  	v1 =	vld [tilespmem:s11+$0x30]  }
0x130: {  	v2 =	vld [tilespmem:s10+$0x30]  }
0x131: {  	v3 =	vld [tilespmem:s3+$0x30]  }
0x132: {  	v60 =	vld [tilespmem:s28+$0x30]  }
0x133: {  	v61 =	vld [tilespmem:s26+$0x30];
	_ =	sdelay $0x1  }
0x134: {  	vm6 =	veq.s32 v2, $0x0;
	vm7 =	veq.s32 v1, $0x0  }
0x135: {  	vm8 =	veq.s32 v3, $0x0;
	v1 =	vsel vm6, $0x1, v0;
	v2 =	vsel vm7, $0x2, v0  }
0x136: {  	vm9 =	veq.s32 v60, $0x0;
	v1 =	vor.u32 v1, v2;
	v2 =	vsel vm8, $0x4, v0  }
0x137: {  	vm10 =	veq.s32 v61, $0x0;
	v1 =	vor.u32 v2, v1;
	v2 =	vsel vm9, $0x8, v0  }
0x138: {  	v1 =	vor.u32 v2, v1;
	v2 =	vsel vm10, $0x10, v0  }
0x139: {  	v1 =	vor.u32 v2, v1  }
0x13a: {  	[tilespmem:s25+$0x30] =	vst v1  }
0x13b: {  	v1 =	vld [tilespmem:s10+$0x40]  }
0x13c: {  	v2 =	vld [tilespmem:s11+$0x40]  }
0x13d: {  	v3 =	vld [tilespmem:s3+$0x40]  }
0x13e: {  	v62 =	vld [tilespmem:s28+$0x40]  }
0x13f: {  	v63 =	vld [tilespmem:s26+$0x40];
	_ =	sdelay $0x1  }
0x140: {  	vm11 =	veq.s32 v1, $0x0;
	vm12 =	veq.s32 v2, $0x0  }
0x141: {  	vm13 =	veq.s32 v3, $0x0;
	v1 =	vsel vm11, $0x1, v0;
	v2 =	vsel vm12, $0x2, v0  }
0x142: {  	vm14 =	veq.s32 v62, $0x0;
	v1 =	vor.u32 v1, v2;
	v2 =	vsel vm13, $0x4, v0  }
0x143: {  	vm15 =	veq.s32 v63, $0x0;
	v1 =	vor.u32 v2, v1;
	v2 =	vsel vm14, $0x8, v0  }
0x144: {  	v1 =	vor.u32 v2, v1;
	v2 =	vsel vm15, $0x10, v0  }
0x145: {  	v1 =	vor.u32 v2, v1  }
0x146: {  	s0 =	simm.s32 $0x9600;
	s3 =	simm.s32 $0x0;
	[tilespmem:s25+$0x40] =	vst v1  }
0x147: {  	[tilespmem:s0], [sflag:$0x1] =	stream.indirect.gather [hbm4b:s8+s30], $0x40, s3, s30, $0xb8;
	[tilespmem:$0x1DD60] =	vst v63  }
0x148: {  	s13 =	simm.s32 $0xA000  }
0x149: {  	[tilespmem:s13], [sflag:$0x1] =	stream.indirect.gather [hbm4b:s8+s30], $0x40, s30, s30, $0xb8;
	[tilespmem:$0x1DD60] =	vst v63  }
0x14a: {  	s17 =	simm.s32 $0xAA00  }
0x14b: {  	[tilespmem:s17], [sflag:$0x3] =	stream.indirect.gather [hbm4b:s9+s30], $0x40, s4, s30, $0xb8;
	[tilespmem:$0x1DD60] =	vst v63  }
0x14c: {  	s18 =	simm.s32 $0x1928;
	s1 =	simm.s32 $0xB400  }
0x14d: {  	[tilespmem:s1], [sflag:$0x3] =	stream.indirect.gather [hbm4b:s9+s30], $0x40, s18, s30, $0xb8;
	[tilespmem:$0x1DD60] =	vst v63  }
0x14e: {  	s19 =	simm.s32 $0x10E00  }
0x14f: {  	[tilespmem:s19], [sflag:$0x2] =	stream.indirect.gather [hbm4b:s8+s30], $0x40, s31, s30, $0xb8;
	[tilespmem:$0x1DD60] =	vst v63  }
0x150: {  	s20 =	simm.s32 $0x78;
	s21 =	simm.s32 $0x11800  }
0x151: {  	[tilespmem:s21], [sflag:$0x2] =	stream.indirect.gather [hbm4b:s8+s30], $0x40, s20, s30, $0xb8;
	[tilespmem:$0x1DD60] =	vst v63  }
0x152: {  	s25 =	simm.s32 $0x12200  }
0x153: {  	[tilespmem:s25], [sflag:$0x4] =	stream.indirect.gather [hbm4b:s9+s30], $0x40, s24, s30, $0xb8;
	[tilespmem:$0x1DD60] =	vst v63  }
0x154: {  	s26 =	simm.s32 $0x1978;
	s28 =	simm.s32 $0x12C00  }
0x155: {  	[tilespmem:s28], [sflag:$0x4] =	stream.indirect.gather [hbm4b:s9+s30], $0x40, s26, s30, $0xb8;
	[tilespmem:$0x1DD60] =	vst v63  }
.LBB2_4:
0x156: {  	s28 =	smul.u32 $0xA0, s3;
	_ =	sdelay $0x1  }
0x157: {  	s1 =	rddreg [dreg:$0x2];
	s2 =	simm.s32 $0xBE00;
	s0 =	sadd.s32 $0x3200, s28  }
0x158: {  	[tilespmem:s2], [sflag:$0x5] =	stream.indirect.gather [spmem:s1], $0x40, s0, s31, $0xb8;
	[tilespmem:$0x1DD60] =	vst v63  }
0x159: {  	s18 =	rddreg [dreg:$0x3];
	s19 =	simm.s32 $0xD200;
	s17 =	sadd.s32 $0x4B00, s28  }
0x15a: {  	[tilespmem:s19], [sflag:$0x5] =	stream.indirect.gather [spmem:s18], $0x40, s17, s31, $0xb8;
	[tilespmem:$0x1DD60] =	vst v63  }
0x15b: {  	s21 =	rddreg [dreg:$0x4];
	s24 =	simm.s32 $0xE600;
	s20 =	sadd.s32 $0x6400, s28  }
0x15c: {  	[tilespmem:s24], [sflag:$0x5] =	stream.indirect.gather [spmem:s21], $0x40, s20, s31, $0xb8;
	[tilespmem:$0x1DD60] =	vst v63  }
0x15d: {  	s26 =	simm.s32 $0xFA00;
	s25 =	sadd.s32 $0x7D00, s28  }
0x15e: {  	[tilespmem:s26], [sflag:$0x5] =	stream.indirect.gather [spmem:s5], $0x40, s25, s31, $0xb8;
	[tilespmem:$0x1DD60] =	vst v63  }
0x15f: {  	_ =	swait.ge [sflag:s14], $0xA00  }
0x160: {  	[sflag:s14] =	ssyncset.done $0x0  }
0x161: {  	[sflag:s14] =	ssyncadd.s32 $0xFFFFF600  }
0x162: {  	_ =	swait.ge [sflag:s14], $0xA00  }
0x163: {  	[sflag:s14] =	ssyncset.done $0x0  }
0x164: {  	[sflag:s14] =	ssyncadd.s32 $0xFFFFF600  }
0x165: {  	_ =	swait.ge [sflag:s15], $0xA00  }
0x166: {  	[sflag:s15] =	ssyncset.done $0x0  }
0x167: {  	[sflag:s15] =	ssyncadd.s32 $0xFFFFF600  }
0x168: {  	_ =	swait.ge [sflag:s15], $0xA00  }
0x169: {  	[sflag:s15] =	ssyncset.done $0x0  }
0x16a: {  	[sflag:s15] =	ssyncadd.s32 $0xFFFFF600  }
0x16b: {  	_ =	swait.ge [sflag:s16], $0x1400  }
0x16c: {  	[sflag:s16] =	ssyncset.done $0x0  }
0x16d: {  	[sflag:s16] =	ssyncadd.s32 $0xFFFFEC00  }
0x16e: {  	_ =	swait.ge [sflag:s16], $0x1400  }
0x16f: {  	[sflag:s16] =	ssyncset.done $0x0  }
0x170: {  	[sflag:s16] =	ssyncadd.s32 $0xFFFFEC00  }
0x171: {  	_ =	swait.ge [sflag:s16], $0x1400  }
0x172: {  	[sflag:s16] =	ssyncset.done $0x0  }
0x173: {  	[sflag:s16] =	ssyncadd.s32 $0xFFFFEC00  }
0x174: {  	_ =	swait.ge [sflag:s16], $0x1400  }
0x175: {  	p1 =	seq.s32 s3, $0x0;
	[sflag:s16] =	ssyncset.done $0x0  }
0x176: {  	s0 =	simm.s32 @!p1 $0x7;
	[sflag:s16] =	ssyncadd.s32 $0xFFFFEC00  }
0x177: {  	_ =	swait.ge @!p1 [sflag:s0], $0x1400  }
0x178: {  	[sflag:s0] =	ssyncset.done @!p1 $0x0  }
0x179: {  	s11 =	simm.s32 $0xAA40;
	[sflag:s0] =	ssyncadd.s32 @!p1 $0xFFFFEC00  }
0x17a: {  	s10 =	simm.s32 $0xBE40;
	v1 =	vld [tilespmem:s11+$0xFFFFFFC0]  }
0x17b: {  	s12 =	simm.s32 $0xD240;
	v2 =	vld [tilespmem:s10+$0xFFFFFFC0]  }
0x17c: {  	s13 =	simm.s32 $0x9640;
	v3 =	vld [tilespmem:s12+$0xFFFFFFC0]  }
0x17d: {  	s18 =	simm.s32 $0xFA40;
	v4 =	vld [tilespmem:s13+$0xFFFFFFC0]  }
0x17e: {  	s17 =	simm.s32 $0xE640;
	v5 =	vld [tilespmem:s18+$0xFFFFFFC0]  }
0x17f: {  	v6 =	vld [tilespmem:s17+$0xFFFFFFC0];
	_ =	sdelay $0x2  }
0x180: {  	v2 =	vadd.f32 v3, v2;
	v1 =	vadd.f32 v1, v4;
	_ =	sdelay $0x1  }
0x181: {  	v1 =	vadd.f32 v2, v1;
	v2 =	vadd.f32 v5, v6;
	_ =	sdelay $0x1  }
0x182: {  	v1 =	vadd.f32 v2, v1  }
0x183: {  	s19 =	simm.s32 $0x18640  }
0x184: {  	[tilespmem:s19+$0xFFFFFFC0] =	vst v1  }
0x185: {  	v1 =	vld [tilespmem:s12+$0xFFFFFFD0]  }
0x186: {  	v2 =	vld [tilespmem:s11+$0xFFFFFFD0]  }
0x187: {  	v3 =	vld [tilespmem:s10+$0xFFFFFFD0]  }
0x188: {  	v4 =	vld [tilespmem:s13+$0xFFFFFFD0]  }
0x189: {  	v5 =	vld [tilespmem:s18+$0xFFFFFFD0]  }
0x18a: {  	v6 =	vld [tilespmem:s17+$0xFFFFFFD0];
	_ =	sdelay $0x2  }
0x18b: {  	v1 =	vadd.f32 v1, v3;
	v2 =	vadd.f32 v2, v4;
	_ =	sdelay $0x1  }
0x18c: {  	v1 =	vadd.f32 v1, v2;
	v2 =	vadd.f32 v5, v6;
	_ =	sdelay $0x1  }
0x18d: {  	v1 =	vadd.f32 v2, v1;
	_ =	sdelay $0x1  }
0x18e: {  	[tilespmem:s19+$0xFFFFFFD0] =	vst v1  }
0x18f: {  	v1 =	vld [tilespmem:s13+$0xFFFFFFE0]  }
0x190: {  	v2 =	vld [tilespmem:s11+$0xFFFFFFE0]  }
0x191: {  	v3 =	vld [tilespmem:s12+$0xFFFFFFE0]  }
0x192: {  	v4 =	vld [tilespmem:s10+$0xFFFFFFE0]  }
0x193: {  	v5 =	vld [tilespmem:s17+$0xFFFFFFE0]  }
0x194: {  	v6 =	vld [tilespmem:s18+$0xFFFFFFE0];
	_ =	sdelay $0x2  }
0x195: {  	v1 =	vadd.f32 v2, v1;
	v2 =	vadd.f32 v3, v4;
	_ =	sdelay $0x1  }
0x196: {  	v1 =	vadd.f32 v2, v1;
	v2 =	vadd.f32 v6, v5;
	_ =	sdelay $0x1  }
0x197: {  	v1 =	vadd.f32 v2, v1;
	_ =	sdelay $0x1  }
0x198: {  	[tilespmem:s19+$0xFFFFFFE0] =	vst v1  }
0x199: {  	v1 =	vld [tilespmem:s11+$0xFFFFFFF0]  }
0x19a: {  	v2 =	vld [tilespmem:s12+$0xFFFFFFF0]  }
0x19b: {  	v3 =	vld [tilespmem:s13+$0xFFFFFFF0]  }
0x19c: {  	v4 =	vld [tilespmem:s10+$0xFFFFFFF0]  }
0x19d: {  	v5 =	vld [tilespmem:s17+$0xFFFFFFF0]  }
0x19e: {  	v6 =	vld [tilespmem:s18+$0xFFFFFFF0];
	_ =	sdelay $0x2  }
0x19f: {  	v1 =	vadd.f32 v1, v3;
	v2 =	vadd.f32 v2, v4;
	_ =	sdelay $0x1  }
0x1a0: {  	v1 =	vadd.f32 v2, v1;
	v2 =	vadd.f32 v6, v5;
	_ =	sdelay $0x1  }
0x1a1: {  	v1 =	vadd.f32 v2, v1;
	_ =	sdelay $0x1  }
0x1a2: {  	[tilespmem:s19+$0xFFFFFFF0] =	vst v1  }
0x1a3: {  	v1 =	vld [tilespmem:s13+$0x0]  }
0x1a4: {  	v2 =	vld [tilespmem:s11+$0x0]  }
0x1a5: {  	v3 =	vld [tilespmem:s10+$0x0]  }
0x1a6: {  	v4 =	vld [tilespmem:s12+$0x0]  }
0x1a7: {  	v5 =	vld [tilespmem:s17+$0x0]  }
0x1a8: {  	v6 =	vld [tilespmem:s18+$0x0];
	_ =	sdelay $0x2  }
0x1a9: {  	v1 =	vadd.f32 v2, v1;
	v2 =	vadd.f32 v4, v3;
	_ =	sdelay $0x1  }
0x1aa: {  	v1 =	vadd.f32 v2, v1;
	v2 =	vadd.f32 v6, v5;
	_ =	sdelay $0x1  }
0x1ab: {  	v1 =	vadd.f32 v2, v1;
	_ =	sdelay $0x1  }
0x1ac: {  	[tilespmem:s19+$0x0] =	vst v1  }
0x1ad: {  	v1 =	vld [tilespmem:s12+$0x10]  }
0x1ae: {  	v2 =	vld [tilespmem:s13+$0x10]  }
0x1af: {  	v3 =	vld [tilespmem:s11+$0x10]  }
0x1b0: {  	v4 =	vld [tilespmem:s10+$0x10]  }
0x1b1: {  	v5 =	vld [tilespmem:s17+$0x10]  }
0x1b2: {  	v6 =	vld [tilespmem:s18+$0x10];
	_ =	sdelay $0x2  }
0x1b3: {  	v2 =	vadd.f32 v3, v2;
	v1 =	vadd.f32 v1, v4;
	_ =	sdelay $0x1  }
0x1b4: {  	v1 =	vadd.f32 v1, v2;
	v2 =	vadd.f32 v6, v5;
	_ =	sdelay $0x1  }
0x1b5: {  	v1 =	vadd.f32 v2, v1;
	_ =	sdelay $0x1  }
0x1b6: {  	[tilespmem:s19+$0x10] =	vst v1  }
0x1b7: {  	v5 =	vld [tilespmem:s13+$0x20]  }
0x1b8: {  	v6 =	vld [tilespmem:s11+$0x20]  }
0x1b9: {  	v1 =	vld [tilespmem:s12+$0x20]  }
0x1ba: {  	v3 =	vld [tilespmem:s10+$0x20]  }
0x1bb: {  	s1 =	simm.s32 $0xD2C0;
	s2 =	simm.s32 $0xBEC0;
	v2 =	vld [tilespmem:s17+$0x20]  }
0x1bc: {  	s21 =	simm.s32 $0x0;
	s24 =	simm.s32 $0x96C0;
	s20 =	simm.s32 $0x18640;
	v4 =	vld [tilespmem:s18+$0x20]  }
0x1bd: {  	s26 =	simm.s32 $0xAAC0;
	s25 =	simm.s32 $0xFA40;
	s0 =	simm.s32 $0xE6C0;
	v5 =	vadd.f32 v6, v5  }
.LBB2_5:
0x1be: {  	s21 =	sadd.s32 $0x2, s21;
	s19 =	sadd.s32 $0x80, s19;
	s18 =	sadd.s32 $0x80, s18  }
0x1bf: {  	p2 =	slt.u32 s21, $0x4E;
	v1 =	vadd.f32 v1, v3;
	_ =	sdelay $0x1  }
0x1c0: {  	v1 =	vadd.f32 v1, v5;
	v2 =	vadd.f32 v4, v2;
	_ =	sdelay $0x1  }
0x1c1: {  	v1 =	vadd.f32 v2, v1;
	_ =	sdelay $0x1  }
0x1c2: {  	[tilespmem:s20+$0x20] =	vst v1  }
0x1c3: {  	v1 =	vld [tilespmem:s13+$0x30];
	s13 =	smov.u32 s24  }
0x1c4: {  	v2 =	vld [tilespmem:s11+$0x30];
	s11 =	smov.u32 s26  }
0x1c5: {  	v3 =	vld [tilespmem:s12+$0x30];
	s12 =	smov.u32 s1  }
0x1c6: {  	v4 =	vld [tilespmem:s10+$0x30];
	s10 =	smov.u32 s2  }
0x1c7: {  	v5 =	vld [tilespmem:s17+$0x30];
	s17 =	smov.u32 s0  }
0x1c8: {  	v6 =	vld [tilespmem:s25+$0x30];
	s25 =	smov.u32 s18  }
0x1c9: {  	v1 =	vadd.f32 v2, v1;
	_ =	sdelay $0x1  }
0x1ca: {  	v2 =	vadd.f32 v3, v4;
	_ =	sdelay $0x1  }
0x1cb: {  	v1 =	vadd.f32 v2, v1;
	v2 =	vadd.f32 v6, v5;
	_ =	sdelay $0x1  }
0x1cc: {  	v1 =	vadd.f32 v2, v1;
	_ =	sdelay $0x1  }
0x1cd: {  	[tilespmem:s20+$0x30] =	vst v1;
	s20 =	smov.u32 s19  }
0x1ce: {  	v1 =	vld [tilespmem:s26+$0xFFFFFFC0]  }
0x1cf: {  	v2 =	vld [tilespmem:s2+$0xFFFFFFC0]  }
0x1d0: {  	v3 =	vld [tilespmem:s1+$0xFFFFFFC0]  }
0x1d1: {  	v4 =	vld [tilespmem:s24+$0xFFFFFFC0]  }
0x1d2: {  	v5 =	vld [tilespmem:s18+$0xFFFFFFC0]  }
0x1d3: {  	v6 =	vld [tilespmem:s0+$0xFFFFFFC0];
	_ =	sdelay $0x1  }
0x1d4: {  	v2 =	vadd.f32 v3, v2  }
0x1d5: {  	v1 =	vadd.f32 v1, v4;
	_ =	sdelay $0x1  }
0x1d6: {  	v1 =	vadd.f32 v2, v1;
	v2 =	vadd.f32 v5, v6;
	_ =	sdelay $0x1  }
0x1d7: {  	v1 =	vadd.f32 v2, v1;
	_ =	sdelay $0x1  }
0x1d8: {  	[tilespmem:s19+$0xFFFFFFC0] =	vst v1  }
0x1d9: {  	v1 =	vld [tilespmem:s1+$0xFFFFFFD0]  }
0x1da: {  	v2 =	vld [tilespmem:s26+$0xFFFFFFD0]  }
0x1db: {  	v3 =	vld [tilespmem:s2+$0xFFFFFFD0]  }
0x1dc: {  	v4 =	vld [tilespmem:s24+$0xFFFFFFD0]  }
0x1dd: {  	v5 =	vld [tilespmem:s18+$0xFFFFFFD0]  }
0x1de: {  	v6 =	vld [tilespmem:s0+$0xFFFFFFD0];
	_ =	sdelay $0x1  }
0x1df: {  	v1 =	vadd.f32 v1, v3  }
0x1e0: {  	v2 =	vadd.f32 v2, v4;
	_ =	sdelay $0x1  }
0x1e1: {  	v1 =	vadd.f32 v1, v2;
	v2 =	vadd.f32 v5, v6;
	_ =	sdelay $0x1  }
0x1e2: {  	v1 =	vadd.f32 v2, v1;
	_ =	sdelay $0x1  }
0x1e3: {  	[tilespmem:s19+$0xFFFFFFD0] =	vst v1  }
0x1e4: {  	v1 =	vld [tilespmem:s24+$0xFFFFFFE0]  }
0x1e5: {  	v2 =	vld [tilespmem:s26+$0xFFFFFFE0]  }
0x1e6: {  	v3 =	vld [tilespmem:s1+$0xFFFFFFE0]  }
0x1e7: {  	v4 =	vld [tilespmem:s2+$0xFFFFFFE0]  }
0x1e8: {  	v5 =	vld [tilespmem:s0+$0xFFFFFFE0]  }
0x1e9: {  	v6 =	vld [tilespmem:s18+$0xFFFFFFE0]  }
0x1ea: {  	v1 =	vadd.f32 v2, v1;
	_ =	sdelay $0x1  }
0x1eb: {  	v2 =	vadd.f32 v3, v4;
	_ =	sdelay $0x1  }
0x1ec: {  	v1 =	vadd.f32 v2, v1;
	v2 =	vadd.f32 v6, v5;
	_ =	sdelay $0x1  }
0x1ed: {  	v1 =	vadd.f32 v2, v1;
	_ =	sdelay $0x1  }
0x1ee: {  	[tilespmem:s19+$0xFFFFFFE0] =	vst v1  }
0x1ef: {  	v1 =	vld [tilespmem:s26+$0xFFFFFFF0]  }
0x1f0: {  	v2 =	vld [tilespmem:s1+$0xFFFFFFF0]  }
0x1f1: {  	v3 =	vld [tilespmem:s24+$0xFFFFFFF0]  }
0x1f2: {  	v4 =	vld [tilespmem:s2+$0xFFFFFFF0]  }
0x1f3: {  	v5 =	vld [tilespmem:s0+$0xFFFFFFF0]  }
0x1f4: {  	v6 =	vld [tilespmem:s18+$0xFFFFFFF0];
	_ =	sdelay $0x1  }
0x1f5: {  	v1 =	vadd.f32 v1, v3  }
0x1f6: {  	v2 =	vadd.f32 v2, v4;
	_ =	sdelay $0x1  }
0x1f7: {  	v1 =	vadd.f32 v2, v1;
	v2 =	vadd.f32 v6, v5;
	_ =	sdelay $0x1  }
0x1f8: {  	v1 =	vadd.f32 v2, v1;
	_ =	sdelay $0x1  }
0x1f9: {  	[tilespmem:s19+$0xFFFFFFF0] =	vst v1  }
0x1fa: {  	v1 =	vld [tilespmem:s24+$0x0]  }
0x1fb: {  	v2 =	vld [tilespmem:s26+$0x0]  }
0x1fc: {  	v3 =	vld [tilespmem:s2+$0x0]  }
0x1fd: {  	v4 =	vld [tilespmem:s1+$0x0]  }
0x1fe: {  	v5 =	vld [tilespmem:s0+$0x0]  }
0x1ff: {  	v6 =	vld [tilespmem:s18+$0x0]  }
0x200: {  	v1 =	vadd.f32 v2, v1;
	_ =	sdelay $0x1  }
0x201: {  	v2 =	vadd.f32 v4, v3;
	_ =	sdelay $0x1  }
0x202: {  	v1 =	vadd.f32 v2, v1;
	v2 =	vadd.f32 v6, v5;
	_ =	sdelay $0x1  }
0x203: {  	v1 =	vadd.f32 v2, v1;
	_ =	sdelay $0x1  }
0x204: {  	[tilespmem:s19+$0x0] =	vst v1  }
0x205: {  	v1 =	vld [tilespmem:s1+$0x10]  }
0x206: {  	v2 =	vld [tilespmem:s24+$0x10]  }
0x207: {  	v3 =	vld [tilespmem:s26+$0x10]  }
0x208: {  	v4 =	vld [tilespmem:s2+$0x10]  }
0x209: {  	v5 =	vld [tilespmem:s0+$0x10]  }
0x20a: {  	v6 =	vld [tilespmem:s18+$0x10];
	_ =	sdelay $0x1  }
0x20b: {  	v2 =	vadd.f32 v3, v2  }
0x20c: {  	v1 =	vadd.f32 v1, v4;
	_ =	sdelay $0x1  }
0x20d: {  	v1 =	vadd.f32 v1, v2;
	v2 =	vadd.f32 v6, v5;
	_ =	sdelay $0x1  }
0x20e: {  	v1 =	vadd.f32 v2, v1;
	_ =	sdelay $0x1  }
0x20f: {  	[tilespmem:s19+$0x10] =	vst v1  }
0x210: {  	v5 =	vld [tilespmem:s24+$0x20]  }
0x211: {  	v6 =	vld [tilespmem:s26+$0x20]  }
.Ltmp3:
0x212: {  	v1 =	vld [tilespmem:s1+$0x20];
	(pc) =	sbr.rel @p2 .LBB2_5-.Ltmp3, $4  }
0x213: {  	v3 =	vld [tilespmem:s2+$0x20]  }
0x214: {  	v2 =	vld [tilespmem:s0+$0x20]  }
0x215: {  	s24 =	sadd.s32 $0x80, s24;
	s26 =	sadd.s32 $0x80, s26;
	v4 =	vld [tilespmem:s18+$0x20]  }
0x216: {  	s1 =	sadd.s32 $0x80, s1;
	s2 =	sadd.s32 $0x80, s2;
	s0 =	sadd.s32 $0x80, s0;
	v5 =	vadd.f32 v6, v5  }
0x217: {  	_ = 	snop  }
0x218: {  	v1 =	vadd.f32 v1, v3;
	_ =	sdelay $0x1  }
0x219: {  	v1 =	vadd.f32 v1, v5;
	v2 =	vadd.f32 v4, v2;
	_ =	sdelay $0x1  }
0x21a: {  	v1 =	vadd.f32 v2, v1;
	_ =	sdelay $0x1  }
0x21b: {  	[tilespmem:s20+$0x20] =	vst v1  }
0x21c: {  	v1 =	vld [tilespmem:s13+$0x30]  }
0x21d: {  	v2 =	vld [tilespmem:s11+$0x30]  }
0x21e: {  	v3 =	vld [tilespmem:s12+$0x30]  }
0x21f: {  	v4 =	vld [tilespmem:s10+$0x30]  }
0x220: {  	v5 =	vld [tilespmem:s17+$0x30]  }
0x221: {  	v6 =	vld [tilespmem:s25+$0x30];
	_ =	sdelay $0x2  }
0x222: {  	v1 =	vadd.f32 v2, v1;
	v2 =	vadd.f32 v3, v4;
	_ =	sdelay $0x1  }
0x223: {  	v1 =	vadd.f32 v2, v1;
	v2 =	vadd.f32 v6, v5;
	_ =	sdelay $0x1  }
0x224: {  	s0 =	sadd.s32 s6, s28;
	v1 =	vadd.f32 v2, v1  }
0x225: {  	s1 =	rddreg [dreg:$0x1];
	s0 =	sshll.u32 s0, $0x3  }
0x226: {  	p2 =	seq.s32 s3, $0x27;
	s0 =	sadd.s32 s1, s0;
	s10 =	simm.s32 $0x18600;
	[tilespmem:s20+$0x30] =	vst v1  }
0x227: {  	[hbm4b:s0+s7] =	stream.linear.scatter [tilespmem:s10], [sflag:$0x7], $0x1400, $0x38;
	[tilespmem:$0x1DD60] =	vst v63  }
0x228: {  	s2 =	simm.s32 @!p2 $0x9600;
	s1 =	simm.s32 @!p2 $0x28;
	s0 =	sadd.s32 @!p2 $0xA0, s28  }
0x229: {  	[tilespmem:s2], [sflag:$0x1] =	stream.indirect.gather @!p2 [hbm4b:s8+s1], $0x40, s0, s1, $0xb8;
	[tilespmem:$0x1DD60] =	vst v63  }
0x22a: {  	s0 =	sadd.s32 @!p2 $0xC8, s28;
	s2 =	simm.s32 @!p2 $0xA000  }
0x22b: {  	[tilespmem:s2], [sflag:$0x1] =	stream.indirect.gather @!p2 [hbm4b:s8+s1], $0x40, s0, s1, $0xb8;
	[tilespmem:$0x1DD60] =	vst v63  }
0x22c: {  	s0 =	sadd.s32 @!p2 $0x19A0, s28;
	s2 =	simm.s32 @!p2 $0xAA00  }
0x22d: {  	[tilespmem:s2], [sflag:$0x3] =	stream.indirect.gather @!p2 [hbm4b:s9+s1], $0x40, s0, s1, $0xb8;
	[tilespmem:$0x1DD60] =	vst v63  }
0x22e: {  	s0 =	sadd.s32 @!p2 $0x19C8, s28;
	s2 =	simm.s32 @!p2 $0xB400  }
0x22f: {  	[tilespmem:s2], [sflag:$0x3] =	stream.indirect.gather @!p2 [hbm4b:s9+s1], $0x40, s0, s1, $0xb8;
	[tilespmem:$0x1DD60] =	vst v63  }
0x230: {  	s11 =	sadd.s32 $0x3250, s28;
	s12 =	rddreg [dreg:$0x2];
	s13 =	simm.s32 $0x13600  }
0x231: {  	[tilespmem:s13], [sflag:$0x6] =	stream.indirect.gather [spmem:s12], $0x40, s11, s31, $0xb8;
	[tilespmem:$0x1DD60] =	vst v63  }
0x232: {  	s18 =	rddreg [dreg:$0x3];
	s19 =	simm.s32 $0x14A00;
	s17 =	sadd.s32 $0x4B50, s28  }
0x233: {  	[tilespmem:s19], [sflag:$0x6] =	stream.indirect.gather [spmem:s18], $0x40, s17, s31, $0xb8;
	[tilespmem:$0x1DD60] =	vst v63  }
0x234: {  	s21 =	rddreg [dreg:$0x4];
	s24 =	simm.s32 $0x15E00;
	s20 =	sadd.s32 $0x6450, s28  }
0x235: {  	[tilespmem:s24], [sflag:$0x6] =	stream.indirect.gather [spmem:s21], $0x40, s20, s31, $0xb8;
	[tilespmem:$0x1DD60] =	vst v63  }
0x236: {  	s26 =	simm.s32 $0x17200;
	s25 =	sadd.s32 $0x7D50, s28  }
0x237: {  	[tilespmem:s26], [sflag:$0x6] =	stream.indirect.gather [spmem:s5], $0x40, s25, s31, $0xb8;
	[tilespmem:$0x1DD60] =	vst v63  }
0x238: {  	_ =	swait.ge [sflag:s22], $0xA00  }
0x239: {  	[sflag:s22] =	ssyncset.done $0x0  }
0x23a: {  	[sflag:s22] =	ssyncadd.s32 $0xFFFFF600  }
0x23b: {  	_ =	swait.ge [sflag:s22], $0xA00  }
0x23c: {  	[sflag:s22] =	ssyncset.done $0x0  }
0x23d: {  	[sflag:s22] =	ssyncadd.s32 $0xFFFFF600  }
0x23e: {  	_ =	swait.ge [sflag:s23], $0xA00  }
0x23f: {  	[sflag:s23] =	ssyncset.done $0x0  }
0x240: {  	[sflag:s23] =	ssyncadd.s32 $0xFFFFF600  }
0x241: {  	_ =	swait.ge [sflag:s23], $0xA00  }
0x242: {  	[sflag:s23] =	ssyncset.done $0x0  }
0x243: {  	[sflag:s23] =	ssyncadd.s32 $0xFFFFF600  }
0x244: {  	_ =	swait.ge [sflag:s29], $0x1400  }
0x245: {  	[sflag:s29] =	ssyncset.done $0x0  }
0x246: {  	[sflag:s29] =	ssyncadd.s32 $0xFFFFEC00  }
0x247: {  	_ =	swait.ge [sflag:s29], $0x1400  }
0x248: {  	[sflag:s29] =	ssyncset.done $0x0  }
0x249: {  	[sflag:s29] =	ssyncadd.s32 $0xFFFFEC00  }
0x24a: {  	_ =	swait.ge [sflag:s29], $0x1400  }
0x24b: {  	[sflag:s29] =	ssyncset.done $0x0  }
0x24c: {  	[sflag:s29] =	ssyncadd.s32 $0xFFFFEC00  }
0x24d: {  	_ =	swait.ge [sflag:s29], $0x1400  }
0x24e: {  	[sflag:s29] =	ssyncset.done $0x0  }
0x24f: {  	s0 =	simm.s32 @!p1 $0x8;
	[sflag:s29] =	ssyncadd.s32 $0xFFFFEC00  }
0x250: {  	_ =	swait.ge @!p1 [sflag:s0], $0x1400  }
0x251: {  	[sflag:s0] =	ssyncset.done @!p1 $0x0  }
0x252: {  	s11 =	simm.s32 $0x12240;
	[sflag:s0] =	ssyncadd.s32 @!p1 $0xFFFFEC00  }
0x253: {  	s10 =	simm.s32 $0x13640;
	v1 =	vld [tilespmem:s11+$0xFFFFFFC0]  }
0x254: {  	s12 =	simm.s32 $0x14A40;
	v2 =	vld [tilespmem:s10+$0xFFFFFFC0]  }
0x255: {  	s13 =	simm.s32 $0x10E40;
	v3 =	vld [tilespmem:s12+$0xFFFFFFC0]  }
0x256: {  	s18 =	simm.s32 $0x17240;
	v4 =	vld [tilespmem:s13+$0xFFFFFFC0]  }
0x257: {  	s17 =	simm.s32 $0x15E40;
	v5 =	vld [tilespmem:s18+$0xFFFFFFC0]  }
0x258: {  	v6 =	vld [tilespmem:s17+$0xFFFFFFC0];
	_ =	sdelay $0x2  }
0x259: {  	v2 =	vadd.f32 v3, v2;
	v1 =	vadd.f32 v1, v4;
	_ =	sdelay $0x1  }
0x25a: {  	v1 =	vadd.f32 v2, v1;
	v2 =	vadd.f32 v5, v6;
	_ =	sdelay $0x1  }
0x25b: {  	v1 =	vadd.f32 v2, v1  }
0x25c: {  	s19 =	simm.s32 $0x19A40  }
0x25d: {  	[tilespmem:s19+$0xFFFFFFC0] =	vst v1  }
0x25e: {  	v1 =	vld [tilespmem:s12+$0xFFFFFFD0]  }
0x25f: {  	v2 =	vld [tilespmem:s11+$0xFFFFFFD0]  }
0x260: {  	v3 =	vld [tilespmem:s10+$0xFFFFFFD0]  }
0x261: {  	v4 =	vld [tilespmem:s13+$0xFFFFFFD0]  }
0x262: {  	v5 =	vld [tilespmem:s18+$0xFFFFFFD0]  }
0x263: {  	v6 =	vld [tilespmem:s17+$0xFFFFFFD0];
	_ =	sdelay $0x2  }
0x264: {  	v1 =	vadd.f32 v1, v3;
	v2 =	vadd.f32 v2, v4;
	_ =	sdelay $0x1  }
0x265: {  	v1 =	vadd.f32 v1, v2;
	v2 =	vadd.f32 v5, v6;
	_ =	sdelay $0x1  }
0x266: {  	v1 =	vadd.f32 v2, v1;
	_ =	sdelay $0x1  }
0x267: {  	[tilespmem:s19+$0xFFFFFFD0] =	vst v1  }
0x268: {  	v1 =	vld [tilespmem:s13+$0xFFFFFFE0]  }
0x269: {  	v2 =	vld [tilespmem:s11+$0xFFFFFFE0]  }
0x26a: {  	v3 =	vld [tilespmem:s12+$0xFFFFFFE0]  }
0x26b: {  	v4 =	vld [tilespmem:s10+$0xFFFFFFE0]  }
0x26c: {  	v5 =	vld [tilespmem:s17+$0xFFFFFFE0]  }
0x26d: {  	v6 =	vld [tilespmem:s18+$0xFFFFFFE0];
	_ =	sdelay $0x2  }
0x26e: {  	v1 =	vadd.f32 v2, v1;
	v2 =	vadd.f32 v3, v4;
	_ =	sdelay $0x1  }
0x26f: {  	v1 =	vadd.f32 v2, v1;
	v2 =	vadd.f32 v6, v5;
	_ =	sdelay $0x1  }
0x270: {  	v1 =	vadd.f32 v2, v1;
	_ =	sdelay $0x1  }
0x271: {  	[tilespmem:s19+$0xFFFFFFE0] =	vst v1  }
0x272: {  	v1 =	vld [tilespmem:s11+$0xFFFFFFF0]  }
0x273: {  	v2 =	vld [tilespmem:s12+$0xFFFFFFF0]  }
0x274: {  	v3 =	vld [tilespmem:s13+$0xFFFFFFF0]  }
0x275: {  	v4 =	vld [tilespmem:s10+$0xFFFFFFF0]  }
0x276: {  	v5 =	vld [tilespmem:s17+$0xFFFFFFF0]  }
0x277: {  	v6 =	vld [tilespmem:s18+$0xFFFFFFF0];
	_ =	sdelay $0x2  }
0x278: {  	v1 =	vadd.f32 v1, v3;
	v2 =	vadd.f32 v2, v4;
	_ =	sdelay $0x1  }
0x279: {  	v1 =	vadd.f32 v2, v1;
	v2 =	vadd.f32 v6, v5;
	_ =	sdelay $0x1  }
0x27a: {  	v1 =	vadd.f32 v2, v1;
	_ =	sdelay $0x1  }
0x27b: {  	[tilespmem:s19+$0xFFFFFFF0] =	vst v1  }
0x27c: {  	v1 =	vld [tilespmem:s13+$0x0]  }
0x27d: {  	v2 =	vld [tilespmem:s11+$0x0]  }
0x27e: {  	v3 =	vld [tilespmem:s10+$0x0]  }
0x27f: {  	v4 =	vld [tilespmem:s12+$0x0]  }
0x280: {  	v5 =	vld [tilespmem:s17+$0x0]  }
0x281: {  	v6 =	vld [tilespmem:s18+$0x0];
	_ =	sdelay $0x2  }
0x282: {  	v1 =	vadd.f32 v2, v1;
	v2 =	vadd.f32 v4, v3;
	_ =	sdelay $0x1  }
0x283: {  	v1 =	vadd.f32 v2, v1;
	v2 =	vadd.f32 v6, v5;
	_ =	sdelay $0x1  }
0x284: {  	v1 =	vadd.f32 v2, v1;
	_ =	sdelay $0x1  }
0x285: {  	[tilespmem:s19+$0x0] =	vst v1  }
0x286: {  	v1 =	vld [tilespmem:s12+$0x10]  }
0x287: {  	v2 =	vld [tilespmem:s13+$0x10]  }
0x288: {  	v3 =	vld [tilespmem:s11+$0x10]  }
0x289: {  	v4 =	vld [tilespmem:s10+$0x10]  }
0x28a: {  	v5 =	vld [tilespmem:s17+$0x10]  }
0x28b: {  	v6 =	vld [tilespmem:s18+$0x10];
	_ =	sdelay $0x2  }
0x28c: {  	v2 =	vadd.f32 v3, v2;
	v1 =	vadd.f32 v1, v4;
	_ =	sdelay $0x1  }
0x28d: {  	v1 =	vadd.f32 v1, v2;
	v2 =	vadd.f32 v6, v5;
	_ =	sdelay $0x1  }
0x28e: {  	v1 =	vadd.f32 v2, v1;
	_ =	sdelay $0x1  }
0x28f: {  	[tilespmem:s19+$0x10] =	vst v1  }
0x290: {  	v5 =	vld [tilespmem:s13+$0x20]  }
0x291: {  	v6 =	vld [tilespmem:s11+$0x20]  }
0x292: {  	v1 =	vld [tilespmem:s12+$0x20]  }
0x293: {  	v3 =	vld [tilespmem:s10+$0x20]  }
0x294: {  	s4 =	simm.s32 $0x136C0;
	s1 =	simm.s32 $0x15EC0;
	s2 =	simm.s32 $0x14AC0;
	v2 =	vld [tilespmem:s17+$0x20]  }
0x295: {  	s20 =	sadd.s32 $0x50, s28;
	s24 =	simm.s32 $0x122C0;
	s21 =	simm.s32 $0x19A40;
	v4 =	vld [tilespmem:s18+$0x20]  }
0x296: {  	s25 =	simm.s32 $0x0;
	s26 =	simm.s32 $0x17240;
	s0 =	simm.s32 $0x10EC0;
	v5 =	vadd.f32 v6, v5  }
.LBB2_7:
0x297: {  	s25 =	sadd.s32 $0x2, s25;
	s19 =	sadd.s32 $0x80, s19;
	s18 =	sadd.s32 $0x80, s18  }
0x298: {  	p1 =	slt.u32 s25, $0x4E;
	v1 =	vadd.f32 v1, v3;
	_ =	sdelay $0x1  }
0x299: {  	v1 =	vadd.f32 v1, v5;
	v2 =	vadd.f32 v4, v2;
	_ =	sdelay $0x1  }
0x29a: {  	v1 =	vadd.f32 v2, v1;
	_ =	sdelay $0x1  }
0x29b: {  	[tilespmem:s21+$0x20] =	vst v1  }
0x29c: {  	v1 =	vld [tilespmem:s13+$0x30];
	s13 =	smov.u32 s0  }
0x29d: {  	v2 =	vld [tilespmem:s11+$0x30];
	s11 =	smov.u32 s24  }
0x29e: {  	v3 =	vld [tilespmem:s12+$0x30];
	s12 =	smov.u32 s2  }
0x29f: {  	v4 =	vld [tilespmem:s10+$0x30];
	s10 =	smov.u32 s4  }
0x2a0: {  	v5 =	vld [tilespmem:s17+$0x30];
	s17 =	smov.u32 s1  }
0x2a1: {  	v6 =	vld [tilespmem:s26+$0x30];
	s26 =	smov.u32 s18  }
0x2a2: {  	v1 =	vadd.f32 v2, v1;
	_ =	sdelay $0x1  }
0x2a3: {  	v2 =	vadd.f32 v3, v4;
	_ =	sdelay $0x1  }
0x2a4: {  	v1 =	vadd.f32 v2, v1;
	v2 =	vadd.f32 v6, v5;
	_ =	sdelay $0x1  }
0x2a5: {  	v1 =	vadd.f32 v2, v1;
	_ =	sdelay $0x1  }
0x2a6: {  	[tilespmem:s21+$0x30] =	vst v1;
	s21 =	smov.u32 s19  }
0x2a7: {  	v1 =	vld [tilespmem:s24+$0xFFFFFFC0]  }
0x2a8: {  	v2 =	vld [tilespmem:s4+$0xFFFFFFC0]  }
0x2a9: {  	v3 =	vld [tilespmem:s2+$0xFFFFFFC0]  }
0x2aa: {  	v4 =	vld [tilespmem:s0+$0xFFFFFFC0]  }
0x2ab: {  	v5 =	vld [tilespmem:s18+$0xFFFFFFC0]  }
0x2ac: {  	v6 =	vld [tilespmem:s1+$0xFFFFFFC0];
	_ =	sdelay $0x1  }
0x2ad: {  	v2 =	vadd.f32 v3, v2  }
0x2ae: {  	v1 =	vadd.f32 v1, v4;
	_ =	sdelay $0x1  }
0x2af: {  	v1 =	vadd.f32 v2, v1;
	v2 =	vadd.f32 v5, v6;
	_ =	sdelay $0x1  }
0x2b0: {  	v1 =	vadd.f32 v2, v1;
	_ =	sdelay $0x1  }
0x2b1: {  	[tilespmem:s19+$0xFFFFFFC0] =	vst v1  }
0x2b2: {  	v1 =	vld [tilespmem:s2+$0xFFFFFFD0]  }
0x2b3: {  	v2 =	vld [tilespmem:s24+$0xFFFFFFD0]  }
0x2b4: {  	v3 =	vld [tilespmem:s4+$0xFFFFFFD0]  }
0x2b5: {  	v4 =	vld [tilespmem:s0+$0xFFFFFFD0]  }
0x2b6: {  	v5 =	vld [tilespmem:s18+$0xFFFFFFD0]  }
0x2b7: {  	v6 =	vld [tilespmem:s1+$0xFFFFFFD0];
	_ =	sdelay $0x1  }
0x2b8: {  	v1 =	vadd.f32 v1, v3  }
0x2b9: {  	v2 =	vadd.f32 v2, v4;
	_ =	sdelay $0x1  }
0x2ba: {  	v1 =	vadd.f32 v1, v2;
	v2 =	vadd.f32 v5, v6;
	_ =	sdelay $0x1  }
0x2bb: {  	v1 =	vadd.f32 v2, v1;
	_ =	sdelay $0x1  }
0x2bc: {  	[tilespmem:s19+$0xFFFFFFD0] =	vst v1  }
0x2bd: {  	v1 =	vld [tilespmem:s0+$0xFFFFFFE0]  }
0x2be: {  	v2 =	vld [tilespmem:s24+$0xFFFFFFE0]  }
0x2bf: {  	v3 =	vld [tilespmem:s2+$0xFFFFFFE0]  }
0x2c0: {  	v4 =	vld [tilespmem:s4+$0xFFFFFFE0]  }
0x2c1: {  	v5 =	vld [tilespmem:s1+$0xFFFFFFE0]  }
0x2c2: {  	v6 =	vld [tilespmem:s18+$0xFFFFFFE0]  }
0x2c3: {  	v1 =	vadd.f32 v2, v1;
	_ =	sdelay $0x1  }
0x2c4: {  	v2 =	vadd.f32 v3, v4;
	_ =	sdelay $0x1  }
0x2c5: {  	v1 =	vadd.f32 v2, v1;
	v2 =	vadd.f32 v6, v5;
	_ =	sdelay $0x1  }
0x2c6: {  	v1 =	vadd.f32 v2, v1;
	_ =	sdelay $0x1  }
0x2c7: {  	[tilespmem:s19+$0xFFFFFFE0] =	vst v1  }
0x2c8: {  	v1 =	vld [tilespmem:s24+$0xFFFFFFF0]  }
0x2c9: {  	v2 =	vld [tilespmem:s2+$0xFFFFFFF0]  }
0x2ca: {  	v3 =	vld [tilespmem:s0+$0xFFFFFFF0]  }
0x2cb: {  	v4 =	vld [tilespmem:s4+$0xFFFFFFF0]  }
0x2cc: {  	v5 =	vld [tilespmem:s1+$0xFFFFFFF0]  }
0x2cd: {  	v6 =	vld [tilespmem:s18+$0xFFFFFFF0];
	_ =	sdelay $0x1  }
0x2ce: {  	v1 =	vadd.f32 v1, v3  }
0x2cf: {  	v2 =	vadd.f32 v2, v4;
	_ =	sdelay $0x1  }
0x2d0: {  	v1 =	vadd.f32 v2, v1;
	v2 =	vadd.f32 v6, v5;
	_ =	sdelay $0x1  }
0x2d1: {  	v1 =	vadd.f32 v2, v1;
	_ =	sdelay $0x1  }
0x2d2: {  	[tilespmem:s19+$0xFFFFFFF0] =	vst v1  }
0x2d3: {  	v1 =	vld [tilespmem:s0+$0x0]  }
0x2d4: {  	v2 =	vld [tilespmem:s24+$0x0]  }
0x2d5: {  	v3 =	vld [tilespmem:s4+$0x0]  }
0x2d6: {  	v4 =	vld [tilespmem:s2+$0x0]  }
0x2d7: {  	v5 =	vld [tilespmem:s1+$0x0]  }
0x2d8: {  	v6 =	vld [tilespmem:s18+$0x0]  }
0x2d9: {  	v1 =	vadd.f32 v2, v1;
	_ =	sdelay $0x1  }
0x2da: {  	v2 =	vadd.f32 v4, v3;
	_ =	sdelay $0x1  }
0x2db: {  	v1 =	vadd.f32 v2, v1;
	v2 =	vadd.f32 v6, v5;
	_ =	sdelay $0x1  }
0x2dc: {  	v1 =	vadd.f32 v2, v1;
	_ =	sdelay $0x1  }
0x2dd: {  	[tilespmem:s19+$0x0] =	vst v1  }
0x2de: {  	v1 =	vld [tilespmem:s2+$0x10]  }
0x2df: {  	v2 =	vld [tilespmem:s0+$0x10]  }
0x2e0: {  	v3 =	vld [tilespmem:s24+$0x10]  }
0x2e1: {  	v4 =	vld [tilespmem:s4+$0x10]  }
0x2e2: {  	v5 =	vld [tilespmem:s1+$0x10]  }
0x2e3: {  	v6 =	vld [tilespmem:s18+$0x10];
	_ =	sdelay $0x1  }
0x2e4: {  	v2 =	vadd.f32 v3, v2  }
0x2e5: {  	v1 =	vadd.f32 v1, v4;
	_ =	sdelay $0x1  }
0x2e6: {  	v1 =	vadd.f32 v1, v2;
	v2 =	vadd.f32 v6, v5;
	_ =	sdelay $0x1  }
0x2e7: {  	v1 =	vadd.f32 v2, v1;
	_ =	sdelay $0x1  }
0x2e8: {  	[tilespmem:s19+$0x10] =	vst v1  }
0x2e9: {  	v5 =	vld [tilespmem:s0+$0x20]  }
0x2ea: {  	v6 =	vld [tilespmem:s24+$0x20]  }
.Ltmp4:
0x2eb: {  	v1 =	vld [tilespmem:s2+$0x20];
	(pc) =	sbr.rel @p1 .LBB2_7-.Ltmp4, $4  }
0x2ec: {  	v3 =	vld [tilespmem:s4+$0x20]  }
0x2ed: {  	v2 =	vld [tilespmem:s1+$0x20]  }
0x2ee: {  	s0 =	sadd.s32 $0x80, s0;
	s24 =	sadd.s32 $0x80, s24;
	v4 =	vld [tilespmem:s18+$0x20]  }
0x2ef: {  	s2 =	sadd.s32 $0x80, s2;
	s4 =	sadd.s32 $0x80, s4;
	s1 =	sadd.s32 $0x80, s1;
	v5 =	vadd.f32 v6, v5  }
0x2f0: {  	_ = 	snop  }
0x2f1: {  	v1 =	vadd.f32 v1, v3;
	_ =	sdelay $0x1  }
0x2f2: {  	v1 =	vadd.f32 v1, v5;
	v2 =	vadd.f32 v4, v2;
	_ =	sdelay $0x1  }
0x2f3: {  	v1 =	vadd.f32 v2, v1;
	_ =	sdelay $0x1  }
0x2f4: {  	[tilespmem:s21+$0x20] =	vst v1  }
0x2f5: {  	v1 =	vld [tilespmem:s13+$0x30]  }
0x2f6: {  	v2 =	vld [tilespmem:s11+$0x30]  }
0x2f7: {  	v3 =	vld [tilespmem:s12+$0x30]  }
0x2f8: {  	v62 =	vld [tilespmem:s10+$0x30]  }
0x2f9: {  	v63 =	vld [tilespmem:s17+$0x30]  }
0x2fa: {  	v6 =	vld [tilespmem:s26+$0x30];
	_ =	sdelay $0x2  }
0x2fb: {  	v1 =	vadd.f32 v2, v1;
	v2 =	vadd.f32 v3, v62;
	_ =	sdelay $0x1  }
0x2fc: {  	v1 =	vadd.f32 v2, v1;
	v2 =	vadd.f32 v6, v63  }
.Ltmp5:
0x2fd: {  	s0 =	sadd.s32 s6, s20;
	(pc) =	sbr.rel @p2 .LBB2_10-.Ltmp5, $4  }
0x2fe: {  	s0 =	sshll.u32 s0, $0x3;
	v1 =	vadd.f32 v2, v1  }
0x2ff: {  	s1 =	rddreg [dreg:$0x1];
	s0 =	sand.u32 $0x1FFFFF80, s0  }
0x300: {  	s0 =	sadd.s32 s1, s0;
	s26 =	simm.s32 $0x19A00;
	[tilespmem:s21+$0x30] =	vst v1  }
0x301: {  	[hbm4b:s0+s7] =	stream.linear.scatter [tilespmem:s26], [sflag:$0x8], $0x1400, $0x38;
	[tilespmem:$0x1DD60] =	vst v63  }
0x302: {  	s0 =	sadd.s32 $0xF0, s28;
	s1 =	simm.s32 $0x10E00  }
0x303: {  	[tilespmem:s1], [sflag:$0x2] =	stream.indirect.gather [hbm4b:s8+s30], $0x40, s0, s30, $0xb8;
	[tilespmem:$0x1DD60] =	vst v63  }
0x304: {  	s20 =	sadd.s32 $0x118, s28;
	s21 =	simm.s32 $0x11800  }
0x305: {  	[tilespmem:s21], [sflag:$0x2] =	stream.indirect.gather [hbm4b:s8+s30], $0x40, s20, s30, $0xb8;
	[tilespmem:$0x1DD60] =	vst v63  }
.Ltmp6:
0x306: {  	_ = 	snop;
	(pc) =	sbr.rel .LBB2_4-.Ltmp6, $4  }
0x307: {  	s24 =	sadd.s32 $0x19F0, s28;
	s25 =	simm.s32 $0x12200  }
0x308: {  	[tilespmem:s25], [sflag:$0x4] =	stream.indirect.gather [hbm4b:s9+s30], $0x40, s24, s30, $0xb8;
	[tilespmem:$0x1DD60] =	vst v63  }
0x309: {  	s26 =	sadd.s32 $0x1A18, s28;
	s28 =	simm.s32 $0x12C00;
	s3 =	sadd.s32 $0x1, s3  }
0x30a: {  	[tilespmem:s28], [sflag:$0x4] =	stream.indirect.gather [hbm4b:s9+s30], $0x40, s26, s30, $0xb8;
	[tilespmem:$0x1DD60] =	vst v63  }
.LBB2_11:
0x30b: {  	_ =	sfence.sel $0x180000  }
0x30c: {  	[bflag:$0x0] =	sbarrier.arrive $0xFFFF  }
0x30d: {  	_ =	strace $0x90000047  }
0x30e: {  	[bflag:$0x2] =	sbarrier.arrive $0xFFFF  }
0x30f: {  	s0 =	rddreg [dreg:$0x6]  }
0x310: {  	s0 =	sadd.s32 @!p0 $0x100000, s0  }
0x311: {  	[sflag:s0] =	ssyncadd.tile.s32 @!p0 $0x1;
	_ =	shalt  }
.Lfunc_end2:
_tile_overlayer_lowered:
.L_overlay_start_2:
0x312: {  	(tag) =	ssettag $0x2  }
0x313: {  	s0 =	rddreg [dreg:$0x0];
	s2 =	stileid.u32  }
0x314: {  	s1 =	rddreg [dreg:$0x1];
	p0 =	sne.s32 s2, $0x0  }
0x315: {  	s3 =	rddreg [dreg:$0x2];
	[bflag:$0x3] =	sbarrier.arrive $0xFFFF;
	s2 =	simm.s32 @!p0 $0x1C09  }
0x316: {  	[timem:s3], [sflag:s2] =	dma.local @!p0 [hbm:s0], s1  }
0x317: {  	s0 =	simm.s32 @!p0 $0x9  }
0x318: {  	_ =	swait.ge @!p0 [sflag:s0], s1  }
0x319: {  	s1 =	ssub.s32 @!p0 $0x0, s1;
	[sflag:s0] =	ssyncset.done @!p0 $0x0  }
0x31a: {  	[sflag:s0] =	ssyncadd.s32 @!p0 s1  }
0x31b: {  	[bflag:$0x3] =	sbarrier.arrive $0xFFFF  }
0x31c: {  	_ =	shalt  }

// kernel: sparse-core-data-format-call.cloned.1.call-start
scs
called_computation_lowered:
.L_overlay_start_0:
0x0: {  	s2 =	sld [smem:$0x3FD9]  }
0x1: {  	s3 =	sld [smem:$0x3FFE];
	_ =	sdelay $0x1  }
0x2: {  	s1 =	srdreg.scid  }
0x3: {  	s0 =	sand.u32 $0x1, s1  }
0x4: {  	s18 =	sshll.u32 s0, $0xA;
	s2 =	sadd.s32 s3, s2  }
0x5: {  	s2 =	sadd.s32 s2, s18  }
0x6: {  	[smem:$0x3FBE] =	sst s2  }
0x7: {  	_ = 	snop  }
0x8: {  	s2 =	sld [smem:$0x3FD0];
	(tm) =	ssettm $0x1  }
0x9: {  	s19 =	sld [smem:$0x3FFB];
	_ =	sdelay $0x3  }
0xa: {  	_ =	strace s19  }
0xb: {  	s3 =	sld [smem:$0x3FFC];
	_ =	sdelay $0x3  }
0xc: {  	_ =	strace s3  }
0xd: {  	s3 =	sld [smem:$0x3FFD];
	_ =	sdelay $0x3  }
0xe: {  	_ =	strace s3  }
0xf: {  	_ =	strace $0x8FFFFFFF  }
0x10: {  	s20 =	sld [smem:$0x3FDB];
	_ =	sdelay $0x1  }
0x11: {  	s4 =	simm.s32 $_scs_section_size  }
0x12: {  	s5 =	simm.s32 $_size__tile_overlayer_lowered;
	s6 =	simm.s32 $_tile_overlayer_lowered  }
0x13: {  	s23 =	simm.s32 $0x1BFF;
	s22 =	sshll.u32 s6, $0x1;
	s3 =	sadd.s32 s4, s20  }
0x14: {  	s7 =	simm.s32 $0x0;
	s21 =	sshll.u32 s5, $0x1;
	s5 =	sadd.s32 s22, s3  }
0x15: {  	[timem:s7], [sflag:s23] =	dma.local [hbm:s5], s21  }
0x16: {  	_ =	swait.ge [sflag:s23], s21  }
0x17: {  	s4 =	ssub.s32 $0x0, s21;
	[sflag:s23] =	ssyncset.done $0x0  }
0x18: {  	[sflag:s23] =	ssyncadd.s32 s4;
	_ =	sdelay $0x1  }
0x19: {  	s24 =	simm.s32 $0x1B8B  }
0x1a: {  	_ =	swait.ge [sflag:s24], $0x1  }
0x1b: {  	[sflag:s24] =	ssyncset.done $0x0  }
0x1c: {  	s26 =	simm.s32 $0x1B8E;
	s25 =	sld [smem:$0x3FFE];
	[sflag:s24] =	ssyncadd.s32 $0xFFFFFFFF  }
0x1d: {  	s27 =	simm.s32 $execute0_lowered;
	[smem:$0x3FD2] =	sst s26  }
0x1e: {  	s5 =	sshll.u32 s27, $0x1;
	_ =	strace $0x80000049;
	[dreg:$0x1] =	wrdreg $0xFFFFFFFF  }
0x1f: {  	s28 =	simm.s32 $_size_execute0_lowered;
	s3 =	sadd.s32 s3, s5;
	[dreg:$0x0] =	wrdreg $0x0  }
0x20: {  	s5 =	sshll.u32 s28, $0x1;
	[dreg:$0x2] =	wrdreg s3  }
0x21: {  	[dreg:$0x3] =	wrdreg s5  }
0x22: {  	[dreg:$0x4] =	wrdreg $0xC0  }
0x23: {  	_ =	task [dreg:s7], $0x5FFFF  }
0x24: {  	[dreg:$0x1] =	wrdreg $0xFFFFFFFF  }
0x25: {  	[dreg:$0x0] =	wrdreg $0x60  }
0x26: {  	[dreg:$0x2] =	wrdreg s25  }
0x27: {  	[dreg:$0x3] =	wrdreg s2  }
0x28: {  	[dreg:$0x4] =	wrdreg $0x9  }
0x29: {  	_ =	task.clear_ibuf [dreg:s7], $0x5FFFF;
	_ =	strace $0x90000049  }
0x2a: {  	s29 =	simm.s32 $0x9;
	_ =	strace $0x8000004B  }
0x2b: {  	_ =	swait.ge [sflag:s29], $0x1  }
0x2c: {  	[sflag:s29] =	ssyncadd.s32 $0xFFFFFFFF  }
0x2d: {  	_ =	strace $0x9000004B  }
0x2e: {  	_ =	sfence  }
0x2f: {  	s30 =	sld [smem:$0x0];
	_ =	sdelay $0x2  }
0x30: {  	s31 =	sshll.u32 s1, $0xD;
	s1 =	sshrl.u32 s1, $0x2  }
0x31: {  	s3 =	sand.u32 $0x4000, s31;
	s1 =	sadd.s32 s1, s30  }
0x32: {  	s0 =	sor.u32 s3, s0;
	s1 =	sshll.u32 s1, $0x11  }
0x33: {  	s0 =	sor.u32 s1, s0  }
0x34: {  	s0 =	sadd.s32 $0x8F2B, s0  }
0x35: {  	[sflag:s0] =	ssyncadd.remote.s32 $0x1  }
0x36: {  	_ =	sfence.sel $0xFFFF  }
0x37: {  	[dreg:$0x0] =	wrdreg $0xFFFFFFFF;
	(pc) =	sbr.abs _section_cstart, $3  }
0x38: {  	[dreg:$0x1] =	wrdreg $0xFFFFFFFF  }
0x39: {  	_ =	task.clear_ibuf [dreg:s7], $0x2FFFF;
	_ =	strace $0x9FFFFFFF  }
0x3a: {  	(tm) =	ssettm $0x7FFFFFFF  }
0x3b: {  	_ =	shalt  }
tec
execute0_lowered:
.L_overlay_start_1:
0x0: {  	(tag) =	ssettag $0x1  }
0x1: {  	s0 =	srdreg.scid  }
0x2: {  	s1 =	sshll.u32 s0, $0x4  }
0x3: {  	s0 =	stileid.u32;
	s1 =	sand.u32 $0x10, s1  }
0x4: {  	s1 =	sor.u32 s0, s1  }
0x5: {  	s6 =	rddreg [dreg:$0x0];
	s4 =	simm.s32 $0x1;
	s2 =	sshll.u32 s1, $0x7  }
0x6: {  	s7 =	simm.s32 $0x2;
	s12 =	simm.s32 $0x0;
	s1 =	ssub.s32 $0x1000, s2  }
0x7: {  	s8 =	simm.s32 $0x8000;
	s13 =	simm.s32 $0x0;
	s3 =	sand.u32 $0xF80, s1  }
0x8: {  	s9 =	simm.s32 $0x0;
	s5 =	sshrl.u32 s1, $0xC;
	p0 =	sne.s32 s3, $0x0  }
.Ltmp0:
0x9: {  	s1 =	rddreg [dreg:$0x2];
	s4 =	simm.s32 @!p0 $0x0;
	(pc) =	sbr.rel .LBB1_1-.Ltmp0, $4  }
0xa: {  	s11 =	simm.s32 $0x0;
	s3 =	rddreg [dreg:$0x1];
	s5 =	sadd.s32 s4, s5  }
0xb: {  	_ =	strace $0x8000004A;
	s4 =	simm.s32 $0x1;
	s5 =	smul.u32 $0x32, s5  }
0xc: {  	s6 =	sadd.s32 $0x1600, s6;
	s10 =	smov.u32 s2;
	[sflag:s4] =	ssyncpa.u1 $0x0  }
0xd: {  	p0 =	por $0x0, $0x0;
	[sflag:s7] =	ssyncpa.u1 $0x0;
	s7 =	sor.u32 $0x1, s5  }
.LBB1_4:
0xe: {  	s16 =	sshll.u32 s13, $0x3;
	s17 =	sand.u32 $0x78, s13  }
0xf: {  	s30 =	sand.u32 $0x7E00, s13;
	s12 =	sshll.u32 s12, $0xF;
	s16 =	sand.u32 $0xC00, s16  }
0x10: {  	[tilespmem:s15+$0x810 ss:$0x81] =	vst.msk $0xffff, v2;
	s31 =	sand.u32 $0x7, s13;
	s16 =	sor.u32 s17, s16;
	s17 =	sadd.s32 s3, s30  }
0x11: {  	[tilespmem:s15+$0x1020 ss:$0x81] =	vst.msk $0xffff, v0;
	s13 =	sshll.u32 s31, $0x12;
	s12 =	sadd.s32 s12, s17;
	s16 =	sshrl.u32 s16, $0x3  }
0x12: {  	[tilespmem:s15+$0x0 ss:$0x81] =	vst.msk $0xffff, v1;
	s13 =	sor.u32 $0x400, s13;
	s12 =	sadd.s32 s16, s12  }
0x13: {  	[hbm4b:s12+s13] =	stream.strided.scatter [tilespmem:s14], [sflag:$0x2], $0x2000, s8, s13, $0x20;
	[tilespmem:$0x8080] =	vst v63  }
.LBB1_5:
0x14: {  	s14 =	sadd.s32 $0x1, s9  }
0x15: {  	s12 =	sadd.s32 $0x1000, s10;
	s16 =	smov.u32 s10;
	p2 =	sgt.s32 s14, $0x31  }
0x16: {  	s16 =	smov.u32 @p2 s12  }
0x17: {  	s14 =	simm.s32 @p2 $0x0;
	p2 =	sgt.s32 s16, $0xFFF  }
0x18: {  	s16 =	smov.u32 @p2 s2;
	p2 =	sne.s32 s11, s7  }
.Ltmp1:
0x19: {  	p1 =	slt.u32 s11, $0x2;
	(pc) =	sbr.rel @!p2 .LBB1_6-.Ltmp1, $4  }
0x1a: {  	s15 =	simm.s32 @!p1 $0x2  }
0x1b: {  	s13 =	smov.u32 s10;
	p0 =	por !p0, !p0;
	_ =	swait.ge @!p1 [sflag:s15], $0x2000  }
0x1c: {  	s12 =	smov.u32 s9;
	[sflag:s15] =	ssyncset.done @!p1 $0x0;
	s9 =	smov.u32 s14  }
0x1d: {  	s11 =	sadd.s32 $0x1, s11;
	[sflag:s15] =	ssyncadd.s32 @!p1 $0xFFFFE000;
	s10 =	smov.u32 s16  }
.LBB1_1:
0x1e: {  	p1 =	sge.u32 s11, s5  }
0x1f: {  	s14 =	sand.u32 @!p1 $0x1FFFFFF, s9  }
0x20: {  	s15 =	smulhi.u32 @!p1 $0x4924925, s14;
	_ =	sdelay $0x1  }
0x21: {  	s15 =	smul.u32 @!p1 $0x38, s15  }
0x22: {  	s16 =	sxor.u32 @!p1 $0xFFFFFFFF, s11;
	s17 =	smul.u32 @!p1 $0x380, s10  }
0x23: {  	s31 =	sadd.s32 $0xFFFFFFFF, s11;
	s16 =	sshll.u32 @!p1 s16, $0xD;
	s14 =	ssub.s32 @!p1 s14, s15  }
0x24: {  	s15 =	sand.u32 @!p1 $0x2000, s16;
	s16 =	sadd.s32 @!p1 s6, s17;
	s14 =	sshll.u32 @!p1 s14, $0x4  }
0x25: {  	s17 =	simm.s32 @!p1 $0x1C00;
	s14 =	sadd.s32 @!p1 s14, s16;
	s16 =	simm.s32 @!p1 $0x40  }
0x26: {  	[tilespmem:s15], [sflag:$0x1] =	stream.strided.gather @!p1 [hbm4b:s14+s16], $0x2000, s17, s16, $0x38;
	[tilespmem:$0x8080] =	vst v63  }
0x27: {  	p1 =	sge.u32 s31, s5  }
.Ltmp2:
0x28: {  	_ = 	snop;
	(pc) =	sbr.rel @p1 .LBB1_5-.Ltmp2, $1  }
0x29: {  	_ =	sdelay $0x3  }
0x2a: {  	s14 =	simm.s32 $0x1  }
0x2b: {  	_ =	swait.ge [sflag:s4], $0x2000;
	s14 =	simm.s32 @!p0 $0x0  }
0x2c: {  	[sflag:s4] =	ssyncset.done $0x0;
	s15 =	sshll.u32 s14, $0xD  }
0x2d: {  	[sflag:s4] =	ssyncadd.s32 $0xFFFFE000;
	s18 =	sor.u32 $0x20, s15  }
0x2e: {  	s14 =	smul.u32 $0x8100, s14;
	v3 =	vld [tilespmem:s18+$0x10]  }
0x2f: {  	s30 =	sand.u32 $0x1, s11;
	v2 =	vld [tilespmem:s18+$0xFFFFFFF0]  }
0x30: {  	s15 =	smul.u32 $0x8100, s30;
	s14 =	sshrl.u32 s14, $0x2;
	v0 =	vld [tilespmem:s18+$0x0]  }
0x31: {  	v1 =	vld [tilespmem:s18+$0xFFFFFFE0];
	s16 =	sor.u32 $0x4000, s14  }
0x32: {  	s31 =	sshrl.u32 s15, $0x2;
	s15 =	sadd.s32 $0x0, s16  }
0x33: {  	s17 =	simm.s32 $0x4;
	s18 =	sadd.s32 $0x40, s18;
	s14 =	sor.u32 $0x4000, s31;
	[tilespmem:s15+$0x1830 ss:$0x81] =	vst.msk $0xffff, v3  }
.LBB1_3:
0x34: {  	v3 =	vld [tilespmem:s18+$0x10];
	p1 =	sne.s32 s17, $0x1FC;
	[tilespmem:s15+$0x810 ss:$0x81] =	vst.msk $0xffff, v2;
	s19 =	smov.u32 s17;
	s17 =	sadd.s32 $0x4, s17  }
.Ltmp3:
0x35: {  	v2 =	vld [tilespmem:s18+$0xFFFFFFF0];
	[tilespmem:s15+$0x1020 ss:$0x81] =	vst.msk $0xffff, v0;
	(pc) =	sbr.rel @p1 .LBB1_3-.Ltmp3, $4  }
0x36: {  	v0 =	vld [tilespmem:s18+$0x0];
	[tilespmem:s15+$0x0 ss:$0x81] =	vst.msk $0xffff, v1  }
0x37: {  	s15 =	sshra.s32 s19, $0x2;
	v1 =	vld [tilespmem:s18+$0xFFFFFFE0]  }
0x38: {  	s15 =	sadd.s32 s15, s16  }
0x39: {  	s18 =	sadd.s32 $0x40, s18;
	[tilespmem:s15+$0x1830 ss:$0x81] =	vst.msk $0xffff, v3  }
.Ltmp4:
0x3a: {  	_ = 	snop;
	(pc) =	sbr.rel .LBB1_4-.Ltmp4, $1  }
0x3b: {  	_ =	sdelay $0x3  }
.LBB1_6:
0x3c: {  	_ =	sfence.sel $0x180000  }
0x3d: {  	s2 =	simm.s32 $0x1;
	[bflag:$0x0] =	sbarrier.arrive $0xFFFF  }
0x3e: {  	s31 =	simm.s32 $0x2;
	[sflag:s2] =	ssyncpa.u1 $0x1  }
0x3f: {  	[sflag:s31] =	ssyncpa.u1 $0x1  }
0x40: {  	p0 =	sne.s32 s0, $0x0;
	_ =	strace $0x9000004A  }
0x41: {  	s0 =	sadd.s32 @!p0 $0x100000, s1;
	[bflag:$0x2] =	sbarrier.arrive $0xFFFF  }
0x42: {  	[sflag:s0] =	ssyncadd.tile.s32 @!p0 $0x1;
	_ =	shalt  }
.Lfunc_end1:
_tile_overlayer_lowered:
.L_overlay_start_2:
0x43: {  	(tag) =	ssettag $0x2  }
0x44: {  	s0 =	rddreg [dreg:$0x0];
	s2 =	stileid.u32  }
0x45: {  	s1 =	rddreg [dreg:$0x1];
	p0 =	sne.s32 s2, $0x0  }
0x46: {  	s3 =	rddreg [dreg:$0x2];
	[bflag:$0x3] =	sbarrier.arrive $0xFFFF;
	s2 =	simm.s32 @!p0 $0x1C01  }
0x47: {  	[timem:s3], [sflag:s2] =	dma.local @!p0 [hbm:s0], s1  }
0x48: {  	s0 =	simm.s32 @!p0 $0x1  }
0x49: {  	_ =	swait.ge @!p0 [sflag:s0], s1  }
0x4a: {  	s1 =	ssub.s32 @!p0 $0x0, s1;
	[sflag:s0] =	ssyncset.done @!p0 $0x0  }
0x4b: {  	[sflag:s0] =	ssyncadd.s32 @!p0 s1  }
0x4c: {  	[bflag:$0x3] =	sbarrier.arrive $0xFFFF  }
0x4d: {  	_ =	shalt  }

</sc_bundles>
